<compile_context>
chip_gen: v7x
topology: tpu7x:2x2x1
jax: 0.10.2.dev20260603
libtpu: 0.0.44.dev20260713+nightly
codegen_flags: <defaults>
</compile_context>

<pallas_src>
import functools

import jax
import jax.numpy as jnp
from jax import lax
from jax.experimental import pallas as pl
from jax.experimental.pallas import tpu as pltpu
from jax.experimental.pallas import tpu_sc as plsc

N = 50000
L_IN = 1024
D1 = 768
D2 = 512
K_SAMPLE = 64
N_CLASSES = 2

TILE = 2000
NSTEPS = N // TILE

_NC = 2
_NS = 16
_LANES = 16
_VPW = 196
_VPW_PAD = 208
_CHUNK = _VPW * _LANES
_CHUNK_PAD = _VPW_PAD * _LANES
_NPAD = _NS * _CHUNK
_VALID_FULL = N // _LANES - 15 * _VPW
_LAST_CHUNK = N - 15 * _CHUNK
_BIG = 1e30
_BIGI = 2**30

_MERGE_SRC = _NS * K_SAMPLE
_MERGE_VECS = _MERGE_SRC // _LANES



def _attn_body(h_ref, W1_ref, b1_ref, Wab_ref, ba_ref, bb_ref,
               Wc_ref, bc_ref, s_ref, M_ref, d_sc, acc_ref):
    i = pl.program_id(0)

    @pl.when(i == 0)
    def _():
        d_sc[0, 0] = jnp.float32(0.0)
        acc_ref[...] = jnp.zeros_like(acc_ref)

    h = h_ref[...].astype(jnp.bfloat16)
    h1 = lax.dot_general(h, W1_ref[...], (((1,), (0,)), ((), ())),
                         preferred_element_type=jnp.float32)
    h1 = jnp.maximum(h1 + b1_ref[...], 0.0)
    h1b = h1.astype(jnp.bfloat16)
    ag = lax.dot_general(h1b, Wab_ref[...], (((1,), (0,)), ((), ())),
                         preferred_element_type=jnp.float32)
    a = jnp.tanh(ag[:, :D2] + ba_ref[...])
    g = jax.nn.sigmoid(ag[:, D2:] + bb_ref[...])
    s = lax.dot_general(Wc_ref[...], a * g, (((1,), (1,)), ((), ())),
                        preferred_element_type=jnp.float32) + bc_ref[0, 0]
    s_ref[...] = s.reshape(1, 1, TILE)

    w = jnp.exp(s)
    d_sc[0, 0] = d_sc[0, 0] + jnp.sum(w)
    acc_ref[...] = acc_ref[...] + lax.dot_general(
        w.astype(jnp.bfloat16), h1b, (((1,), (0,)), ((), ())),
        preferred_element_type=jnp.float32)

    @pl.when(i == NSTEPS - 1)
    def _():
        M_ref[...] = acc_ref[...] / d_sc[0, 0]


def _attn_call(h, W1, b1, Wab, ba, bb, Wc, bc):
    const = lambda i: (0, 0)
    return pl.pallas_call(
        _attn_body,
        grid=(NSTEPS,),
        in_specs=[
            pl.BlockSpec((TILE, L_IN), lambda i: (i, 0)),
            pl.BlockSpec((L_IN, D1), const),
            pl.BlockSpec((1, D1), const),
            pl.BlockSpec((D1, 2 * D2), const),
            pl.BlockSpec((1, D2), const),
            pl.BlockSpec((1, D2), const),
            pl.BlockSpec((1, D2), const),
            pl.BlockSpec((1, 1), const),
        ],
        out_specs=[
            pl.BlockSpec((1, 1, TILE), lambda i: (i, 0, 0)),
            pl.BlockSpec((1, D1), const),
        ],
        out_shape=[
            jax.ShapeDtypeStruct((NSTEPS, 1, TILE), jnp.float32),
            jax.ShapeDtypeStruct((1, D1), jnp.float32),
        ],
        scratch_shapes=[
            pltpu.SMEM((1, 1), jnp.float32),
            pltpu.VMEM((1, D1), jnp.float32),
        ],
        compiler_params=pltpu.CompilerParams(
            dimension_semantics=("arbitrary",)),
    )(h, W1, b1, Wab, ba, bb, Wc, bc)



def _select_k(buf_ref, rows, rows_pad, want_max, record):
    lane = lax.broadcasted_iota(jnp.int32, (_LANES,), 0)
    mask0 = lane == 0
    sent = -_BIG if want_max else _BIG
    ext = jnp.max if want_max else jnp.min

    def build(j4, carry):
        vm, vr = carry
        for u in range(4):
            j = j4 * 4 + u
            v = buf_ref[pl.ds(j * _LANES, _LANES)]
            upd = (v > vm) if want_max else (v < vm)
            vm = jnp.where(upd, v, vm)
            vr = jnp.where(upd, jnp.full((_LANES,), j, jnp.int32), vr)
        return (vm, vr)

    cm, ci = lax.fori_loop(
        0, rows // 4, build,
        (jnp.full((_LANES,), sent, jnp.float32),
         jnp.zeros((_LANES,), jnp.int32)))

    def step(k, carry):
        cm, ci = carry
        m = ext(cm)
        p = jnp.min(jnp.where(cm == m, ci * _LANES + lane, jnp.int32(_BIGI)))
        record(k, m, p)
        plsc.store_scatter(buf_ref, [jnp.full((_LANES,), p, jnp.int32)],
                           jnp.full((_LANES,), sent, jnp.float32), mask=mask0)
        l = jnp.bitwise_and(p, _LANES - 1)

        vm2 = jnp.full((_LANES,), sent, jnp.float32)
        vr2 = jnp.zeros((_LANES,), jnp.int32)
        for jj in range(rows_pad // _LANES):
            r = jj * _LANES + lane
            v = plsc.load_gather(buf_ref, [r * _LANES + l])
            upd = (v > vm2) if want_max else (v < vm2)
            vm2 = jnp.where(upd, v, vm2)
            vr2 = jnp.where(upd, r, vr2)
        m2 = ext(vm2)
        r2 = jnp.min(jnp.where(vm2 == m2, vr2, jnp.int32(_BIGI)))
        return (jnp.where(lane == l, m2, cm), jnp.where(lane == l, r2, ci))

    lax.fori_loop(0, K_SAMPLE, step, (cm, ci))


def _local_phase(buf_ref, vals_ref, idx_ref, base, want_max):
    lane = lax.broadcasted_iota(jnp.int32, (_LANES,), 0)
    mask0 = lane == 0

    def record(k, m, p):
        kv = jnp.full((_LANES,), k, jnp.int32)
        plsc.store_scatter(vals_ref, [kv],
                           jnp.full((_LANES,), m, jnp.float32), mask=mask0)
        plsc.store_scatter(idx_ref, [kv],
                           jnp.full((_LANES,), base + p, jnp.int32), mask=mask0)

    _select_k(buf_ref, _VPW, _VPW_PAD, want_max, record)


def _merge_phase(mv_ref, mi_ref, fin_ref, want_max):
    lane = lax.broadcasted_iota(jnp.int32, (_LANES,), 0)
    mask0 = lane == 0

    def record(k, m, p):
        gv = plsc.load_gather(mi_ref, [jnp.full((_LANES,), p, jnp.int32)])
        plsc.store_scatter(fin_ref, [jnp.full((_LANES,), k, jnp.int32)],
                           gv, mask=mask0)

    _select_k(mv_ref, _MERGE_VECS, _MERGE_VECS, want_max, record)


def _side_pipeline(scores_hbm, h_hbm, out_hbm, sid, want_max,
                   buf, lv, li, mv, mi, fin, idxv, rows, sem,
                   sh_v, sh_i, sh_fin, row_off):
    base = sid * _CHUNK
    sent = -_BIG if want_max else _BIG

    for j in range(_VPW, _VPW_PAD):
        buf[pl.ds(j * _LANES, _LANES)] = jnp.full((_LANES,), sent, jnp.float32)

    @pl.when(sid == _NS - 1)
    def _():
        for j in range(_VALID_FULL, _VPW):
            buf[pl.ds(j * _LANES, _LANES)] = jnp.full(
                (_LANES,), sent, jnp.float32)

    _local_phase(buf, lv, li, base, want_max)

    off = sid * K_SAMPLE
    pltpu.sync_copy(lv, sh_v.at[pl.ds(off, K_SAMPLE)])
    pltpu.sync_copy(li, sh_i.at[pl.ds(off, K_SAMPLE)])
    plsc.subcore_barrier()

    @pl.when(sid == 0)
    def _():
        pltpu.sync_copy(sh_v, mv)
        pltpu.sync_copy(sh_i, mi)
        _merge_phase(mv, mi, fin, want_max)
        pltpu.sync_copy(fin, sh_fin)

    plsc.subcore_barrier()

    @pl.when(sid < 8)
    def _():
        pltpu.sync_copy(sh_fin.at[pl.ds(sid * 8, 8)], idxv)
        pltpu.async_copy(h_hbm.at[idxv], rows, sem).wait()
        pltpu.sync_copy(rows, out_hbm.at[pl.ds(row_off + sid * 8, 8)])


def _sc_body(scores_hbm, h_hbm, out_hbm,
             buf, lv, li, mv, mi, fin, idxv, rows, sem,
             sh_v, sh_i, sh_fin):
    cid = lax.axis_index("c")
    sid = lax.axis_index("s")

    @pl.when(sid < _NS - 1)
    def _():
        pltpu.sync_copy(scores_hbm.at[pl.ds(sid * _CHUNK, _CHUNK)],
                        buf.at[pl.ds(0, _CHUNK)])

    @pl.when(sid == _NS - 1)
    def _():
        pltpu.sync_copy(scores_hbm.at[pl.ds(15 * _CHUNK, _LAST_CHUNK)],
                        buf.at[pl.ds(0, _LAST_CHUNK)])

    @pl.when(cid == 0)
    def _():
        _side_pipeline(scores_hbm, h_hbm, out_hbm, sid, True,
                       buf, lv, li, mv, mi, fin, idxv, rows, sem,
                       sh_v, sh_i, sh_fin, 0)

    @pl.when(cid == 1)
    def _():
        _side_pipeline(scores_hbm, h_hbm, out_hbm, sid, False,
                       buf, lv, li, mv, mi, fin, idxv, rows, sem,
                       sh_v, sh_i, sh_fin, K_SAMPLE)


def _sc_topk_gather(scores_pad, h):
    mesh = plsc.VectorSubcoreMesh(core_axis_name="c", subcore_axis_name="s",
                                  num_cores=_NC, num_subcores=_NS)
    run = functools.partial(
        pl.kernel,
        out_type=[jax.ShapeDtypeStruct((2 * K_SAMPLE, L_IN), jnp.float32)],
        mesh=mesh,
        scratch_types=[
            pltpu.VMEM((_CHUNK_PAD,), jnp.float32),
            pltpu.VMEM((K_SAMPLE,), jnp.float32),
            pltpu.VMEM((K_SAMPLE,), jnp.int32),
            pltpu.VMEM((_MERGE_SRC,), jnp.float32),
            pltpu.VMEM((_MERGE_SRC,), jnp.int32),
            pltpu.VMEM((K_SAMPLE,), jnp.int32),
            pltpu.VMEM((8,), jnp.int32),
            pltpu.VMEM((8, L_IN), jnp.float32),
            pltpu.SemaphoreType.DMA,
            pltpu.VMEM_SHARED((_MERGE_SRC,), jnp.float32),
            pltpu.VMEM_SHARED((_MERGE_SRC,), jnp.int32),
            pltpu.VMEM_SHARED((K_SAMPLE,), jnp.int32),
        ],
        compiler_params=pltpu.CompilerParams(needs_layout_passes=False),
    )(_sc_body)
    return run(scores_pad, h)[0]



def _inst_body(g_ref, W1_ref, b1_ref, Wi0_ref, bi0_ref, Wi1_ref, bi1_ref,
               lab_ref, out_ref):
    h1 = lax.dot_general(g_ref[...], W1_ref[...], (((1,), (1,)), ((), ())),
                         preferred_element_type=jnp.float32)
    h1 = jnp.maximum(h1 + b1_ref[...], 0.0)
    row = lax.broadcasted_iota(jnp.int32, (2 * K_SAMPLE, 1), 0)
    lab = lab_ref[0, 0]

    total = jnp.float32(0.0)
    for i, (Wi, bi) in enumerate(((Wi0_ref, bi0_ref), (Wi1_ref, bi1_ref))):
        logits = lax.dot_general(h1, Wi[...], (((1,), (1,)), ((), ())),
                                 preferred_element_type=jnp.float32) + bi[...]
        mx = jnp.max(logits, axis=1, keepdims=True)
        lse = mx + jnp.log(jnp.sum(jnp.exp(logits - mx), axis=1, keepdims=True))
        nll = lse - logits
        nll0 = nll[:, 0:1]
        nll1 = nll[:, 1:2]
        loss_in = jnp.mean(jnp.where(row < K_SAMPLE, nll1, nll0))
        loss_out = jnp.sum(jnp.where(row < K_SAMPLE, nll0, 0.0)) / K_SAMPLE
        total = total + jnp.where(lab == i, loss_in, loss_out)

    out_ref[...] = jnp.reshape(total / N_CLASSES, (1, 1))


def _inst_call(g, W1, b1, Wi0, bi0, Wi1, bi1, lab):
    return pl.pallas_call(
        _inst_body,
        in_specs=[
            pl.BlockSpec((2 * K_SAMPLE, L_IN), lambda: (0, 0)),
            pl.BlockSpec((D1, L_IN), lambda: (0, 0)),
            pl.BlockSpec((1, D1), lambda: (0, 0)),
            pl.BlockSpec((N_CLASSES, D1), lambda: (0, 0)),
            pl.BlockSpec((1, N_CLASSES), lambda: (0, 0)),
            pl.BlockSpec((N_CLASSES, D1), lambda: (0, 0)),
            pl.BlockSpec((1, N_CLASSES), lambda: (0, 0)),
            pl.BlockSpec(memory_space=pltpu.SMEM),
        ],
        out_specs=pl.BlockSpec((1, 1), lambda: (0, 0)),
        out_shape=jax.ShapeDtypeStruct((1, 1), jnp.float32),
    )(g, W1, b1, Wi0, bi0, Wi1, bi1, lab)



def kernel(h, label, W1, b1, Wa, ba, Wb, bb, Wc, bc, Wi0, bi0, Wi1, bi1):
    Wab = jnp.concatenate([Wa.T, Wb.T], axis=1).astype(jnp.bfloat16)
    scores_2d, M = _attn_call(
        h, W1.T.astype(jnp.bfloat16), b1.reshape(1, D1), Wab,
        ba.reshape(1, D2), bb.reshape(1, D2), Wc, bc.reshape(1, 1))
    s_flat = scores_2d.reshape(N)
    A_raw = s_flat.reshape(1, N)
    gathered = _sc_topk_gather(s_flat, h)
    total = _inst_call(
        gathered, W1, b1.reshape(1, D1), Wi0, bi0.reshape(1, N_CLASSES),
        Wi1, bi1.reshape(1, N_CLASSES),
        label.reshape(1, 1).astype(jnp.int32))[0, 0]
    return (M, A_raw, total)

# --- scband reference (transcript-rebuilt; emitter-appended) ---
"""Pipeline reference for scband-clam-mre-77799037599806 (READ-ONLY COPY).

The authoritative reference and input builder live on the scoring server;
editing this copy changes nothing except your own understanding.
"""

import jax, jax.numpy as jnp
import numpy as np

N = 50000
L_IN = 1024
K_SAMPLE = 64
N_CLASSES = 2

def _linear_params(key, out_d, in_d):
    kw, kb = jax.random.split(key)
    bound = 1.0 / np.sqrt(in_d)
    W = jax.random.uniform(kw, (out_d, in_d), jnp.float32, -bound, bound)
    b = jax.random.uniform(kb, (out_d,), jnp.float32, -bound, bound)
    return W, b

def setup_inputs(seed: int = 0):
    key = jax.random.key(seed)
    ks = jax.random.split(key, 8)
    h = jax.random.normal(ks[0], (N, L_IN), jnp.float32)
    label = jnp.ones((1,), jnp.int32)
    W1, b1 = _linear_params(ks[1], 768, 1024)
    Wa, ba = _linear_params(ks[2], 512, 768)
    Wb, bb = _linear_params(ks[3], 512, 768)
    Wc, bc = _linear_params(ks[4], 1, 512)
    Wi0, bi0 = _linear_params(ks[5], 2, 768)
    Wi1, bi1 = _linear_params(ks[6], 2, 768)
    return {"h": h, "label": label, "W1": W1, "b1": b1, "Wa": Wa, "ba": ba, "Wb": Wb, "bb": bb, "Wc": Wc, "bc": bc, "Wi0": Wi0, "bi0": bi0, "Wi1": Wi1, "bi1": bi1}

def _ce(logits, targets):
    ls = jax.nn.log_softmax(logits, axis=-1)
    return -jnp.mean(jnp.take_along_axis(ls, targets[:, None], axis=1))

def reference(h, label, W1, b1, Wa, ba, Wb, bb, Wc, bc, Wi0, bi0, Wi1, bi1):
    # inst_labels from label (F.one_hot(label, n_classes).squeeze())
    inst_labels = jax.nn.one_hot(jnp.asarray(label), N_CLASSES).reshape(-1)
    # attention_net: Linear(1024,768)+ReLU then Attn_Net_Gated(L=768, D=512, n_classes=1)
    h1 = jax.nn.relu(h @ W1.T + b1)
    a = jnp.tanh(h1 @ Wa.T + ba)
    b = jax.nn.sigmoid(h1 @ Wb.T + bb)
    A = (a * b) @ Wc.T + bc          # [N, 1]
    A = A.T                           # [1, N]
    A_raw = A
    A_s = jax.nn.softmax(A, axis=1)
    M = A_s @ h1                      # [1, 768]
    clfs = [(Wi0, bi0), (Wi1, bi1)]
    total = jnp.float32(0.0)
    for i in range(N_CLASSES):
        Wci, bci = clfs[i]
        top_p_ids = jax.lax.top_k(A_s, K_SAMPLE)[1][-1]
        top_p = jnp.take(h1, top_p_ids, axis=0)
        # inst_eval: top-k positive + top-k negative instances
        top_n_ids = jax.lax.top_k(-A_s, K_SAMPLE)[1][-1]
        top_n = jnp.take(h1, top_n_ids, axis=0)
        targets_in = jnp.concatenate([jnp.ones((K_SAMPLE,), jnp.int32), jnp.zeros((K_SAMPLE,), jnp.int32)], axis=0)
        inst = jnp.concatenate([top_p, top_n], axis=0)
        logits_in = inst @ Wci.T + bci
        loss_in = _ce(logits_in, targets_in)
        # inst_eval_out (subtyping): top-k instances, negative targets
        targets_out = jnp.zeros((K_SAMPLE,), jnp.int32)
        logits_out = top_p @ Wci.T + bci
        loss_out = _ce(logits_out, targets_out)
        total = total + jnp.where(inst_labels[i] == 1.0, loss_in, loss_out)
    total = total / N_CLASSES
    return (M, A_raw, total)

if __name__ == "__main__":
    import jax
    _d = setup_inputs()
    print(jax.jit(kernel)(*tuple(_d.values())))

</pallas_src>

<mosaic_0001>
#map = affine_map<(d0, d1) -> (0)>
#map1 = affine_map<(d0, d1) -> (0, 0)>
module attributes {stable_mosaic.version = 14 : i64} {
  func.func @_sc_body(%arg0: i32, %arg1: i32, %arg2: memref<50000xf32, #tpu.memory_space<hbm>>, %arg3: memref<50000x1024xf32, #tpu.memory_space<hbm>>, %arg4: memref<128x1024xf32, #tpu.memory_space<hbm>>, %arg5: memref<3328xf32, #tpu.memory_space<vmem>>, %arg6: memref<64xf32, #tpu.memory_space<vmem>>, %arg7: memref<64xi32, #tpu.memory_space<vmem>>, %arg8: memref<1024xf32, #tpu.memory_space<vmem>>, %arg9: memref<1024xi32, #tpu.memory_space<vmem>>, %arg10: memref<64xi32, #tpu.memory_space<vmem>>, %arg11: memref<8xi32, #tpu.memory_space<vmem>>, %arg12: memref<8x1024xf32, #tpu.memory_space<vmem>>, %arg13: memref<!tpu.dma_semaphore, #tpu.memory_space<semaphore_mem>>, %arg14: memref<1024xf32, #tpu.memory_space<vmem_shared>>, %arg15: memref<1024xi32, #tpu.memory_space<vmem_shared>>, %arg16: memref<64xi32, #tpu.memory_space<vmem_shared>>) attributes {dimension_semantics = [#tpu.dimension_semantics<core_parallel>, #tpu.dimension_semantics<subcore_parallel>], iteration_bounds = array<i64: 2, 16>, scalar_prefetch = 0 : i64, scratch_operands = 12 : i64, tpu.core_type = #tpu.core_type<sc_vector_subcore>, window_params = [{transform_indices = #map}, {transform_indices = #map1}, {transform_indices = #map1}]} {
    %lt3A = arith.constant 15 : i32
    %lt3A_0 = arith.cmpi slt, %arg1, %lt3A : i32
    %convert_element_type3A = arith.extui %lt3A_0 : i1 to i32
    %cond3A = arith.constant 0 : i32
    %cond3A_1 = arith.cmpi ne, %convert_element_type3A, %cond3A : i32
    scf.if %cond3A_1 {
      %mul3A = arith.constant 3136 : i32
      %mul3A_16 = arith.muli %arg1, %mul3A : i32
      "tpu.region"() ({
        %run_scoped3A = tpu.sem_alloc : memref<!tpu.dma_semaphore, #tpu.memory_space<semaphore_mem>>
        %dma_start3A = arith.constant 0 : i32
        %dma_start3A_17 = tpu.memref_slice %arg5[%dma_start3A] : memref<3328xf32, #tpu.memory_space<vmem>> -> memref<3136xf32, #tpu.memory_space<vmem>>
        %dma_start3A_18 = tpu.memref_slice %arg2[%mul3A_16] : memref<50000xf32, #tpu.memory_space<hbm>> -> memref<3136xf32, #tpu.memory_space<hbm>>
        %dma_start3A_19 = arith.constant 0 : i32
        %dma_start3A_20 = tpu.memref_slice %arg5[%dma_start3A_19] : memref<3328xf32, #tpu.memory_space<vmem>> -> memref<3136xf32, #tpu.memory_space<vmem>>
        %dma_start3A_21 = tpu.memref_slice %arg2[%mul3A_16] : memref<50000xf32, #tpu.memory_space<hbm>> -> memref<3136xf32, #tpu.memory_space<hbm>>
        tpu.enqueue_dma source(%dma_start3A_21 : memref<3136xf32, #tpu.memory_space<hbm>>) target(%dma_start3A_20 : memref<3136xf32, #tpu.memory_space<vmem>>) target_semaphore(%run_scoped3A : memref<!tpu.dma_semaphore, #tpu.memory_space<semaphore_mem>>)
        %dma_wait3A = arith.constant 0 : i32
        %dma_wait3A_22 = tpu.memref_slice %arg5[%dma_wait3A] : memref<3328xf32, #tpu.memory_space<vmem>> -> memref<3136xf32, #tpu.memory_space<vmem>>
        %dma_wait3A_23 = tpu.memref_slice %arg2[%mul3A_16] : memref<50000xf32, #tpu.memory_space<hbm>> -> memref<3136xf32, #tpu.memory_space<hbm>>
        %dma_wait3A_24 = arith.constant 0 : i32
        %dma_wait3A_25 = tpu.memref_slice %arg5[%dma_wait3A_24] : memref<3328xf32, #tpu.memory_space<vmem>> -> memref<3136xf32, #tpu.memory_space<vmem>>
        %dma_wait3A_26 = tpu.memref_slice %arg2[%mul3A_16] : memref<50000xf32, #tpu.memory_space<hbm>> -> memref<3136xf32, #tpu.memory_space<hbm>>
        tpu.wait_dma2 semaphore(%run_scoped3A : memref<!tpu.dma_semaphore, #tpu.memory_space<semaphore_mem>>) src(%dma_wait3A_26 : memref<3136xf32, #tpu.memory_space<hbm>>) dst(%dma_wait3A_25 : memref<3136xf32, #tpu.memory_space<vmem>>)
        tpu.yield
      }) : () -> ()
    } else {
    }
    %eq3A = arith.constant 15 : i32
    %eq3A_2 = arith.cmpi eq, %arg1, %eq3A : i32
    %convert_element_type3A_3 = arith.extui %eq3A_2 : i1 to i32
    %cond3A_4 = arith.constant 0 : i32
    %cond3A_5 = arith.cmpi ne, %convert_element_type3A_3, %cond3A_4 : i32
    scf.if %cond3A_5 {
      "tpu.region"() ({
        %run_scoped3A = tpu.sem_alloc : memref<!tpu.dma_semaphore, #tpu.memory_space<semaphore_mem>>
        %dma_start3A = arith.constant 0 : i32
        %dma_start3A_16 = tpu.memref_slice %arg5[%dma_start3A] : memref<3328xf32, #tpu.memory_space<vmem>> -> memref<2960xf32, #tpu.memory_space<vmem>>
        %dma_start3A_17 = arith.constant 47040 : i32
        %dma_start3A_18 = tpu.memref_slice %arg2[%dma_start3A_17] : memref<50000xf32, #tpu.memory_space<hbm>> -> memref<2960xf32, #tpu.memory_space<hbm>>
        %dma_start3A_19 = arith.constant 0 : i32
        %dma_start3A_20 = tpu.memref_slice %arg5[%dma_start3A_19] : memref<3328xf32, #tpu.memory_space<vmem>> -> memref<2960xf32, #tpu.memory_space<vmem>>
        %dma_start3A_21 = arith.constant 47040 : i32
        %dma_start3A_22 = tpu.memref_slice %arg2[%dma_start3A_21] : memref<50000xf32, #tpu.memory_space<hbm>> -> memref<2960xf32, #tpu.memory_space<hbm>>
        tpu.enqueue_dma source(%dma_start3A_22 : memref<2960xf32, #tpu.memory_space<hbm>>) target(%dma_start3A_20 : memref<2960xf32, #tpu.memory_space<vmem>>) target_semaphore(%run_scoped3A : memref<!tpu.dma_semaphore, #tpu.memory_space<semaphore_mem>>)
        %dma_wait3A = arith.constant 0 : i32
        %dma_wait3A_23 = tpu.memref_slice %arg5[%dma_wait3A] : memref<3328xf32, #tpu.memory_space<vmem>> -> memref<2960xf32, #tpu.memory_space<vmem>>
        %dma_wait3A_24 = arith.constant 47040 : i32
        %dma_wait3A_25 = tpu.memref_slice %arg2[%dma_wait3A_24] : memref<50000xf32, #tpu.memory_space<hbm>> -> memref<2960xf32, #tpu.memory_space<hbm>>
        %dma_wait3A_26 = arith.constant 0 : i32
        %dma_wait3A_27 = tpu.memref_slice %arg5[%dma_wait3A_26] : memref<3328xf32, #tpu.memory_space<vmem>> -> memref<2960xf32, #tpu.memory_space<vmem>>
        %dma_wait3A_28 = arith.constant 47040 : i32
        %dma_wait3A_29 = tpu.memref_slice %arg2[%dma_wait3A_28] : memref<50000xf32, #tpu.memory_space<hbm>> -> memref<2960xf32, #tpu.memory_space<hbm>>
        tpu.wait_dma2 semaphore(%run_scoped3A : memref<!tpu.dma_semaphore, #tpu.memory_space<semaphore_mem>>) src(%dma_wait3A_29 : memref<2960xf32, #tpu.memory_space<hbm>>) dst(%dma_wait3A_27 : memref<2960xf32, #tpu.memory_space<vmem>>)
        tpu.yield
      }) : () -> ()
    } else {
    }
    %eq3A_6 = arith.constant 0 : i32
    %eq3A_7 = arith.cmpi eq, %arg0, %eq3A_6 : i32
    %convert_element_type3A_8 = arith.extui %eq3A_7 : i1 to i32
    %cond3A_9 = arith.constant 0 : i32
    %cond3A_10 = arith.cmpi ne, %convert_element_type3A_8, %cond3A_9 : i32
    scf.if %cond3A_10 {
      %mul3A = arith.constant 3136 : i32
      %mul3A_16 = arith.muli %arg1, %mul3A : i32
      %broadcast_in_dim3A = arith.constant -1.000000e+30 : f32
      %broadcast_in_dim3A_17 = vector.broadcast %broadcast_in_dim3A : f32 to vector<16xf32>
      %swap3A = arith.constant 3136 : index
      %swap3A_18 = tpu.vector_load %arg5[%swap3A] {strides = array<i32>} : memref<3328xf32, #tpu.memory_space<vmem>>, vector<16xf32>,
      tpu.vector_store %arg5[%swap3A], %broadcast_in_dim3A_17 {strides = array<i32>} : memref<3328xf32, #tpu.memory_space<vmem>>, vector<16xf32>,
      %broadcast_in_dim3A_19 = arith.constant -1.000000e+30 : f32
      %broadcast_in_dim3A_20 = vector.broadcast %broadcast_in_dim3A_19 : f32 to vector<16xf32>
      %swap3A_21 = arith.constant 3152 : index
      %swap3A_22 = tpu.vector_load %arg5[%swap3A_21] {strides = array<i32>} : memref<3328xf32, #tpu.memory_space<vmem>>, vector<16xf32>,
      tpu.vector_store %arg5[%swap3A_21], %broadcast_in_dim3A_20 {strides = array<i32>} : memref<3328xf32, #tpu.memory_space<vmem>>, vector<16xf32>,
      %broadcast_in_dim3A_23 = arith.constant -1.000000e+30 : f32
      %broadcast_in_dim3A_24 = vector.broadcast %broadcast_in_dim3A_23 : f32 to vector<16xf32>
      %swap3A_25 = arith.constant 3168 : index
      %swap3A_26 = tpu.vector_load %arg5[%swap3A_25] {strides = array<i32>} : memref<3328xf32, #tpu.memory_space<vmem>>, vector<16xf32>,
      tpu.vector_store %arg5[%swap3A_25], %broadcast_in_dim3A_24 {strides = array<i32>} : memref<3328xf32, #tpu.memory_space<vmem>>, vector<16xf32>,
      %broadcast_in_dim3A_27 = arith.constant -1.000000e+30 : f32
      %broadcast_in_dim3A_28 = vector.broadcast %broadcast_in_dim3A_27 : f32 to vector<16xf32>
      %swap3A_29 = arith.constant 3184 : index
      %swap3A_30 = tpu.vector_load %arg5[%swap3A_29] {strides = array<i32>} : memref<3328xf32, #tpu.memory_space<vmem>>, vector<16xf32>,
      tpu.vector_store %arg5[%swap3A_29], %broadcast_in_dim3A_28 {strides = array<i32>} : memref<3328xf32, #tpu.memory_space<vmem>>, vector<16xf32>,
      %broadcast_in_dim3A_31 = arith.constant -1.000000e+30 : f32
      %broadcast_in_dim3A_32 = vector.broadcast %broadcast_in_dim3A_31 : f32 to vector<16xf32>
      %swap3A_33 = arith.constant 3200 : index
      %swap3A_34 = tpu.vector_load %arg5[%swap3A_33] {strides = array<i32>} : memref<3328xf32, #tpu.memory_space<vmem>>, vector<16xf32>,
      tpu.vector_store %arg5[%swap3A_33], %broadcast_in_dim3A_32 {strides = array<i32>} : memref<3328xf32, #tpu.memory_space<vmem>>, vector<16xf32>,
      %broadcast_in_dim3A_35 = arith.constant -1.000000e+30 : f32
      %broadcast_in_dim3A_36 = vector.broadcast %broadcast_in_dim3A_35 : f32 to vector<16xf32>
      %swap3A_37 = arith.constant 3216 : index
      %swap3A_38 = tpu.vector_load %arg5[%swap3A_37] {strides = array<i32>} : memref<3328xf32, #tpu.memory_space<vmem>>, vector<16xf32>,
      tpu.vector_store %arg5[%swap3A_37], %broadcast_in_dim3A_36 {strides = array<i32>} : memref<3328xf32, #tpu.memory_space<vmem>>, vector<16xf32>,
      %broadcast_in_dim3A_39 = arith.constant -1.000000e+30 : f32
      %broadcast_in_dim3A_40 = vector.broadcast %broadcast_in_dim3A_39 : f32 to vector<16xf32>
      %swap3A_41 = arith.constant 3232 : index
      %swap3A_42 = tpu.vector_load %arg5[%swap3A_41] {strides = array<i32>} : memref<3328xf32, #tpu.memory_space<vmem>>, vector<16xf32>,
      tpu.vector_store %arg5[%swap3A_41], %broadcast_in_dim3A_40 {strides = array<i32>} : memref<3328xf32, #tpu.memory_space<vmem>>, vector<16xf32>,
      %broadcast_in_dim3A_43 = arith.constant -1.000000e+30 : f32
      %broadcast_in_dim3A_44 = vector.broadcast %broadcast_in_dim3A_43 : f32 to vector<16xf32>
      %swap3A_45 = arith.constant 3248 : index
      %swap3A_46 = tpu.vector_load %arg5[%swap3A_45] {strides = array<i32>} : memref<3328xf32, #tpu.memory_space<vmem>>, vector<16xf32>,
      tpu.vector_store %arg5[%swap3A_45], %broadcast_in_dim3A_44 {strides = array<i32>} : memref<3328xf32, #tpu.memory_space<vmem>>, vector<16xf32>,
      %broadcast_in_dim3A_47 = arith.constant -1.000000e+30 : f32
      %broadcast_in_dim3A_48 = vector.broadcast %broadcast_in_dim3A_47 : f32 to vector<16xf32>
      %swap3A_49 = arith.constant 3264 : index
      %swap3A_50 = tpu.vector_load %arg5[%swap3A_49] {strides = array<i32>} : memref<3328xf32, #tpu.memory_space<vmem>>, vector<16xf32>,
      tpu.vector_store %arg5[%swap3A_49], %broadcast_in_dim3A_48 {strides = array<i32>} : memref<3328xf32, #tpu.memory_space<vmem>>, vector<16xf32>,
      %broadcast_in_dim3A_51 = arith.constant -1.000000e+30 : f32
      %broadcast_in_dim3A_52 = vector.broadcast %broadcast_in_dim3A_51 : f32 to vector<16xf32>
      %swap3A_53 = arith.constant 3280 : index
      %swap3A_54 = tpu.vector_load %arg5[%swap3A_53] {strides = array<i32>} : memref<3328xf32, #tpu.memory_space<vmem>>, vector<16xf32>,
      tpu.vector_store %arg5[%swap3A_53], %broadcast_in_dim3A_52 {strides = array<i32>} : memref<3328xf32, #tpu.memory_space<vmem>>, vector<16xf32>,
      %broadcast_in_dim3A_55 = arith.constant -1.000000e+30 : f32
      %broadcast_in_dim3A_56 = vector.broadcast %broadcast_in_dim3A_55 : f32 to vector<16xf32>
      %swap3A_57 = arith.constant 3296 : index
      %swap3A_58 = tpu.vector_load %arg5[%swap3A_57] {strides = array<i32>} : memref<3328xf32, #tpu.memory_space<vmem>>, vector<16xf32>,
      tpu.vector_store %arg5[%swap3A_57], %broadcast_in_dim3A_56 {strides = array<i32>} : memref<3328xf32, #tpu.memory_space<vmem>>, vector<16xf32>,
      %broadcast_in_dim3A_59 = arith.constant -1.000000e+30 : f32
      %broadcast_in_dim3A_60 = vector.broadcast %broadcast_in_dim3A_59 : f32 to vector<16xf32>
      %swap3A_61 = arith.constant 3312 : index
      %swap3A_62 = tpu.vector_load %arg5[%swap3A_61] {strides = array<i32>} : memref<3328xf32, #tpu.memory_space<vmem>>, vector<16xf32>,
      tpu.vector_store %arg5[%swap3A_61], %broadcast_in_dim3A_60 {strides = array<i32>} : memref<3328xf32, #tpu.memory_space<vmem>>, vector<16xf32>,
      %eq3A_63 = arith.constant 15 : i32
      %eq3A_64 = arith.cmpi eq, %arg1, %eq3A_63 : i32
      %convert_element_type3A_65 = arith.extui %eq3A_64 : i1 to i32
      %cond3A_66 = arith.constant 0 : i32
      %cond3A_67 = arith.cmpi ne, %convert_element_type3A_65, %cond3A_66 : i32
      scf.if %cond3A_67 {
        %broadcast_in_dim3A_103 = arith.constant -1.000000e+30 : f32
        %broadcast_in_dim3A_104 = vector.broadcast %broadcast_in_dim3A_103 : f32 to vector<16xf32>
        %swap3A_105 = arith.constant 2960 : index
        %swap3A_106 = tpu.vector_load %arg5[%swap3A_105] {strides = array<i32>} : memref<3328xf32, #tpu.memory_space<vmem>>, vector<16xf32>,
        tpu.vector_store %arg5[%swap3A_105], %broadcast_in_dim3A_104 {strides = array<i32>} : memref<3328xf32, #tpu.memory_space<vmem>>, vector<16xf32>,
        %broadcast_in_dim3A_107 = arith.constant -1.000000e+30 : f32
        %broadcast_in_dim3A_108 = vector.broadcast %broadcast_in_dim3A_107 : f32 to vector<16xf32>
        %swap3A_109 = arith.constant 2976 : index
        %swap3A_110 = tpu.vector_load %arg5[%swap3A_109] {strides = array<i32>} : memref<3328xf32, #tpu.memory_space<vmem>>, vector<16xf32>,
        tpu.vector_store %arg5[%swap3A_109], %broadcast_in_dim3A_108 {strides = array<i32>} : memref<3328xf32, #tpu.memory_space<vmem>>, vector<16xf32>,
        %broadcast_in_dim3A_111 = arith.constant -1.000000e+30 : f32
        %broadcast_in_dim3A_112 = vector.broadcast %broadcast_in_dim3A_111 : f32 to vector<16xf32>
        %swap3A_113 = arith.constant 2992 : index
        %swap3A_114 = tpu.vector_load %arg5[%swap3A_113] {strides = array<i32>} : memref<3328xf32, #tpu.memory_space<vmem>>, vector<16xf32>,
        tpu.vector_store %arg5[%swap3A_113], %broadcast_in_dim3A_112 {strides = array<i32>} : memref<3328xf32, #tpu.memory_space<vmem>>, vector<16xf32>,
        %broadcast_in_dim3A_115 = arith.constant -1.000000e+30 : f32
        %broadcast_in_dim3A_116 = vector.broadcast %broadcast_in_dim3A_115 : f32 to vector<16xf32>
        %swap3A_117 = arith.constant 3008 : index
        %swap3A_118 = tpu.vector_load %arg5[%swap3A_117] {strides = array<i32>} : memref<3328xf32, #tpu.memory_space<vmem>>, vector<16xf32>,
        tpu.vector_store %arg5[%swap3A_117], %broadcast_in_dim3A_116 {strides = array<i32>} : memref<3328xf32, #tpu.memory_space<vmem>>, vector<16xf32>,
        %broadcast_in_dim3A_119 = arith.constant -1.000000e+30 : f32
        %broadcast_in_dim3A_120 = vector.broadcast %broadcast_in_dim3A_119 : f32 to vector<16xf32>
        %swap3A_121 = arith.constant 3024 : index
        %swap3A_122 = tpu.vector_load %arg5[%swap3A_121] {strides = array<i32>} : memref<3328xf32, #tpu.memory_space<vmem>>, vector<16xf32>,
        tpu.vector_store %arg5[%swap3A_121], %broadcast_in_dim3A_120 {strides = array<i32>} : memref<3328xf32, #tpu.memory_space<vmem>>, vector<16xf32>,
        %broadcast_in_dim3A_123 = arith.constant -1.000000e+30 : f32
        %broadcast_in_dim3A_124 = vector.broadcast %broadcast_in_dim3A_123 : f32 to vector<16xf32>
        %swap3A_125 = arith.constant 3040 : index
        %swap3A_126 = tpu.vector_load %arg5[%swap3A_125] {strides = array<i32>} : memref<3328xf32, #tpu.memory_space<vmem>>, vector<16xf32>,
        tpu.vector_store %arg5[%swap3A_125], %broadcast_in_dim3A_124 {strides = array<i32>} : memref<3328xf32, #tpu.memory_space<vmem>>, vector<16xf32>,
        %broadcast_in_dim3A_127 = arith.constant -1.000000e+30 : f32
        %broadcast_in_dim3A_128 = vector.broadcast %broadcast_in_dim3A_127 : f32 to vector<16xf32>
        %swap3A_129 = arith.constant 3056 : index
        %swap3A_130 = tpu.vector_load %arg5[%swap3A_129] {strides = array<i32>} : memref<3328xf32, #tpu.memory_space<vmem>>, vector<16xf32>,
        tpu.vector_store %arg5[%swap3A_129], %broadcast_in_dim3A_128 {strides = array<i32>} : memref<3328xf32, #tpu.memory_space<vmem>>, vector<16xf32>,
        %broadcast_in_dim3A_131 = arith.constant -1.000000e+30 : f32
        %broadcast_in_dim3A_132 = vector.broadcast %broadcast_in_dim3A_131 : f32 to vector<16xf32>
        %swap3A_133 = arith.constant 3072 : index
        %swap3A_134 = tpu.vector_load %arg5[%swap3A_133] {strides = array<i32>} : memref<3328xf32, #tpu.memory_space<vmem>>, vector<16xf32>,
        tpu.vector_store %arg5[%swap3A_133], %broadcast_in_dim3A_132 {strides = array<i32>} : memref<3328xf32, #tpu.memory_space<vmem>>, vector<16xf32>,
        %broadcast_in_dim3A_135 = arith.constant -1.000000e+30 : f32
        %broadcast_in_dim3A_136 = vector.broadcast %broadcast_in_dim3A_135 : f32 to vector<16xf32>
        %swap3A_137 = arith.constant 3088 : index
        %swap3A_138 = tpu.vector_load %arg5[%swap3A_137] {strides = array<i32>} : memref<3328xf32, #tpu.memory_space<vmem>>, vector<16xf32>,
        tpu.vector_store %arg5[%swap3A_137], %broadcast_in_dim3A_136 {strides = array<i32>} : memref<3328xf32, #tpu.memory_space<vmem>>, vector<16xf32>,
        %broadcast_in_dim3A_139 = arith.constant -1.000000e+30 : f32
        %broadcast_in_dim3A_140 = vector.broadcast %broadcast_in_dim3A_139 : f32 to vector<16xf32>
        %swap3A_141 = arith.constant 3104 : index
        %swap3A_142 = tpu.vector_load %arg5[%swap3A_141] {strides = array<i32>} : memref<3328xf32, #tpu.memory_space<vmem>>, vector<16xf32>,
        tpu.vector_store %arg5[%swap3A_141], %broadcast_in_dim3A_140 {strides = array<i32>} : memref<3328xf32, #tpu.memory_space<vmem>>, vector<16xf32>,
        %broadcast_in_dim3A_143 = arith.constant -1.000000e+30 : f32
        %broadcast_in_dim3A_144 = vector.broadcast %broadcast_in_dim3A_143 : f32 to vector<16xf32>
        %swap3A_145 = arith.constant 3120 : index
        %swap3A_146 = tpu.vector_load %arg5[%swap3A_145] {strides = array<i32>} : memref<3328xf32, #tpu.memory_space<vmem>>, vector<16xf32>,
        tpu.vector_store %arg5[%swap3A_145], %broadcast_in_dim3A_144 {strides = array<i32>} : memref<3328xf32, #tpu.memory_space<vmem>>, vector<16xf32>,
      } else {
      }
      %iota3A = tpu.iota {dimensions = array<i32: 0>} : vector<16xi32>
      %eq3A_68 = arith.constant 0 : i32
      %eq3A_69 = vector.broadcast %eq3A_68 : i32 to vector<16xi32>
      %eq3A_70 = arith.cmpi eq, %iota3A, %eq3A_69 : vector<16xi32>
      %iota3A_71 = tpu.iota {dimensions = array<i32: 0>} : vector<16xi32>
      %eq3A_72 = arith.constant 0 : i32
      %eq3A_73 = vector.broadcast %eq3A_72 : i32 to vector<16xi32>
      %eq3A_74 = arith.cmpi eq, %iota3A_71, %eq3A_73 : vector<16xi32>
      %broadcast_in_dim3A_75 = arith.constant -1.000000e+30 : f32
      %broadcast_in_dim3A_76 = vector.broadcast %broadcast_in_dim3A_75 : f32 to vector<16xf32>
      %broadcast_in_dim3A_77 = arith.constant 0 : i32
      %broadcast_in_dim3A_78 = vector.broadcast %broadcast_in_dim3A_77 : i32 to vector<16xi32>
      %scan3A = arith.constant 0 : i32
      %scan3A_79 = arith.constant 49 : i32
      %scan3A_80 = arith.addi %scan3A, %scan3A_79 : i32
      %scan3A_81 = arith.constant 1 : i32
      %scan3A_82:2 = scf.for %scan3A_103 = %scan3A to %scan3A_80 step %scan3A_81 iter_args(%scan3A_104 = %broadcast_in_dim3A_76, %scan3A_105 = %broadcast_in_dim3A_78) -> (vector<16xf32>, vector<16xi32>)  : i32 {
        %mul3A_106 = arith.constant 4 : i32
        %mul3A_107 = arith.muli %scan3A_103, %mul3A_106 : i32
        %add3A = arith.constant 0 : i32
        %add3A_108 = arith.addi %mul3A_107, %add3A : i32
        %mul3A_109 = arith.constant 16 : i32
        %mul3A_110 = arith.muli %add3A_108, %mul3A_109 : i32
        %get3A = arith.index_cast %mul3A_110 : i32 to index
        %get3A_111 = tpu.vector_load %arg5[%get3A] {strides = array<i32>} : memref<3328xf32, #tpu.memory_space<vmem>>, vector<16xf32>,
        %gt3A = arith.cmpf ogt, %get3A_111, %scan3A_104 : vector<16xf32>
        %select_n3A = arith.select %gt3A, %get3A_111, %scan3A_104 : vector<16xi1>, vector<16xf32>
        %broadcast_in_dim3A_112 = vector.broadcast %add3A_108 : i32 to vector<16xi32>
        %select_n3A_113 = arith.select %gt3A, %broadcast_in_dim3A_112, %scan3A_105 : vector<16xi1>, vector<16xi32>
        %mul3A_114 = arith.constant 4 : i32
        %mul3A_115 = arith.muli %scan3A_103, %mul3A_114 : i32
        %add3A_116 = arith.constant 1 : i32
        %add3A_117 = arith.addi %mul3A_115, %add3A_116 : i32
        %mul3A_118 = arith.constant 16 : i32
        %mul3A_119 = arith.muli %add3A_117, %mul3A_118 : i32
        %get3A_120 = arith.index_cast %mul3A_119 : i32 to index
        %get3A_121 = tpu.vector_load %arg5[%get3A_120] {strides = array<i32>} : memref<3328xf32, #tpu.memory_space<vmem>>, vector<16xf32>,
        %gt3A_122 = arith.cmpf ogt, %get3A_121, %select_n3A : vector<16xf32>
        %select_n3A_123 = arith.select %gt3A_122, %get3A_121, %select_n3A : vector<16xi1>, vector<16xf32>
        %broadcast_in_dim3A_124 = vector.broadcast %add3A_117 : i32 to vector<16xi32>
        %select_n3A_125 = arith.select %gt3A_122, %broadcast_in_dim3A_124, %select_n3A_113 : vector<16xi1>, vector<16xi32>
        %mul3A_126 = arith.constant 4 : i32
        %mul3A_127 = arith.muli %scan3A_103, %mul3A_126 : i32
        %add3A_128 = arith.constant 2 : i32
        %add3A_129 = arith.addi %mul3A_127, %add3A_128 : i32
        %mul3A_130 = arith.constant 16 : i32
        %mul3A_131 = arith.muli %add3A_129, %mul3A_130 : i32
        %get3A_132 = arith.index_cast %mul3A_131 : i32 to index
        %get3A_133 = tpu.vector_load %arg5[%get3A_132] {strides = array<i32>} : memref<3328xf32, #tpu.memory_space<vmem>>, vector<16xf32>,
        %gt3A_134 = arith.cmpf ogt, %get3A_133, %select_n3A_123 : vector<16xf32>
        %select_n3A_135 = arith.select %gt3A_134, %get3A_133, %select_n3A_123 : vector<16xi1>, vector<16xf32>
        %broadcast_in_dim3A_136 = vector.broadcast %add3A_129 : i32 to vector<16xi32>
        %select_n3A_137 = arith.select %gt3A_134, %broadcast_in_dim3A_136, %select_n3A_125 : vector<16xi1>, vector<16xi32>
        %mul3A_138 = arith.constant 4 : i32
        %mul3A_139 = arith.muli %scan3A_103, %mul3A_138 : i32
        %add3A_140 = arith.constant 3 : i32
        %add3A_141 = arith.addi %mul3A_139, %add3A_140 : i32
        %mul3A_142 = arith.constant 16 : i32
        %mul3A_143 = arith.muli %add3A_141, %mul3A_142 : i32
        %get3A_144 = arith.index_cast %mul3A_143 : i32 to index
        %get3A_145 = tpu.vector_load %arg5[%get3A_144] {strides = array<i32>} : memref<3328xf32, #tpu.memory_space<vmem>>, vector<16xf32>,
        %gt3A_146 = arith.cmpf ogt, %get3A_145, %select_n3A_135 : vector<16xf32>
        %select_n3A_147 = arith.select %gt3A_146, %get3A_145, %select_n3A_135 : vector<16xi1>, vector<16xf32>
        %broadcast_in_dim3A_148 = vector.broadcast %add3A_141 : i32 to vector<16xi32>
        %select_n3A_149 = arith.select %gt3A_146, %broadcast_in_dim3A_148, %select_n3A_137 : vector<16xi1>, vector<16xi32>
        scf.yield %select_n3A_147, %select_n3A_149 : vector<16xf32>, vector<16xi32>
      }
      %scan3A_83 = arith.constant 49 : i32
      %scan3A_84 = arith.constant 0 : i32
      %scan3A_85 = arith.constant 64 : i32
      %scan3A_86 = arith.addi %scan3A_84, %scan3A_85 : i32
      %scan3A_87 = arith.constant 1 : i32
      %scan3A_88:2 = scf.for %scan3A_103 = %scan3A_84 to %scan3A_86 step %scan3A_87 iter_args(%scan3A_104 = %scan3A_82#0, %scan3A_105 = %scan3A_82#1) -> (vector<16xf32>, vector<16xi32>)  : i32 {
        %reduce_max3A = arith.constant true
        %reduce_max3A_106 = vector.broadcast %reduce_max3A : i1 to vector<16xi1>
        %reduce_max3A_107 = tpu.scan <max>, %scan3A_104 masked %reduce_max3A_106 : vector<16xf32>, vector<16xi1> -> vector<16xf32>
        %reduce_max3A_108 = vector.extract %reduce_max3A_107[15] : f32 from vector<16xf32>
        %eq3A_109 = vector.broadcast %reduce_max3A_108 : f32 to vector<16xf32>
        %eq3A_110 = arith.cmpf oeq, %scan3A_104, %eq3A_109 : vector<16xf32>
        %mul3A_111 = arith.constant 16 : i32
        %mul3A_112 = vector.broadcast %mul3A_111 : i32 to vector<16xi32>
        %mul3A_113 = arith.muli %scan3A_105, %mul3A_112 : vector<16xi32>
        %add3A = arith.addi %mul3A_113, %iota3A_71 : vector<16xi32>
        %jit3A = arith.constant 1073741824 : i32
        %broadcast_in_dim3A_114 = vector.broadcast %jit3A : i32 to vector<16xi32>
        %select_n3A = arith.select %eq3A_110, %add3A, %broadcast_in_dim3A_114 : vector<16xi1>, vector<16xi32>
        %reduce_min3A = arith.constant true
        %reduce_min3A_115 = vector.broadcast %reduce_min3A : i1 to vector<16xi1>
        %reduce_min3A_116 = arith.constant -2147483648 : i32
        %reduce_min3A_117 = vector.broadcast %reduce_min3A_116 : i32 to vector<16xi32>
        %reduce_min3A_118 = arith.xori %select_n3A, %reduce_min3A_117 : vector<16xi32>
        %reduce_min3A_119 = tpu.scan <min>, %reduce_min3A_118 masked %reduce_min3A_115 : vector<16xi32>, vector<16xi1> -> vector<16xi32>
        %reduce_min3A_120 = arith.xori %reduce_min3A_119, %reduce_min3A_117 : vector<16xi32>
        %reduce_min3A_121 = vector.extract %reduce_min3A_120[15] : i32 from vector<16xi32>
        %broadcast_in_dim3A_122 = vector.broadcast %scan3A_103 : i32 to vector<16xi32>
        %broadcast_in_dim3A_123 = vector.broadcast %reduce_max3A_108 : f32 to vector<16xf32>
        tpu.vector_store_idx %arg6[%broadcast_in_dim3A_122], %broadcast_in_dim3A_123 masked %eq3A_70 : memref<64xf32, #tpu.memory_space<vmem>>[vector<16xi32>], vector<16xf32>, vector<16xi1>
        %add3A_124 = arith.addi %mul3A_16, %reduce_min3A_121 : i32
        %broadcast_in_dim3A_125 = vector.broadcast %add3A_124 : i32 to vector<16xi32>
        tpu.vector_store_idx %arg7[%broadcast_in_dim3A_122], %broadcast_in_dim3A_125 masked %eq3A_70 : memref<64xi32, #tpu.memory_space<vmem>>[vector<16xi32>], vector<16xi32>, vector<16xi1>
        %broadcast_in_dim3A_126 = vector.broadcast %reduce_min3A_121 : i32 to vector<16xi32>
        %broadcast_in_dim3A_127 = arith.constant -1.000000e+30 : f32
        %broadcast_in_dim3A_128 = vector.broadcast %broadcast_in_dim3A_127 : f32 to vector<16xf32>
        tpu.vector_store_idx %arg5[%broadcast_in_dim3A_126], %broadcast_in_dim3A_128 masked %eq3A_74 : memref<3328xf32, #tpu.memory_space<vmem>>[vector<16xi32>], vector<16xf32>, vector<16xi1>
        %and3A = arith.constant 15 : i32
        %and3A_129 = arith.andi %reduce_min3A_121, %and3A : i32
        %broadcast_in_dim3A_130 = arith.constant -1.000000e+30 : f32
        %broadcast_in_dim3A_131 = vector.broadcast %broadcast_in_dim3A_130 : f32 to vector<16xf32>
        %broadcast_in_dim3A_132 = arith.constant 0 : i32
        %broadcast_in_dim3A_133 = vector.broadcast %broadcast_in_dim3A_132 : i32 to vector<16xi32>
        %add3A_134 = arith.constant 0 : i32
        %add3A_135 = vector.broadcast %add3A_134 : i32 to vector<16xi32>
        %add3A_136 = arith.addi %add3A_135, %iota3A_71 : vector<16xi32>
        %mul3A_137 = arith.constant 16 : i32
        %mul3A_138 = vector.broadcast %mul3A_137 : i32 to vector<16xi32>
        %mul3A_139 = arith.muli %add3A_136, %mul3A_138 : vector<16xi32>
        %add3A_140 = vector.broadcast %and3A_129 : i32 to vector<16xi32>
        %add3A_141 = arith.addi %mul3A_139, %add3A_140 : vector<16xi32>
        %gather3A = tpu.vector_load_idx %arg5[%add3A_141] : memref<3328xf32, #tpu.memory_space<vmem>>[vector<16xi32>], vector<16xf32>,
        %gt3A = arith.cmpf ogt, %gather3A, %broadcast_in_dim3A_131 : vector<16xf32>
        %select_n3A_142 = arith.select %gt3A, %gather3A, %broadcast_in_dim3A_131 : vector<16xi1>, vector<16xf32>
        %select_n3A_143 = arith.select %gt3A, %add3A_136, %broadcast_in_dim3A_133 : vector<16xi1>, vector<16xi32>
        %add3A_144 = arith.constant 16 : i32
        %add3A_145 = vector.broadcast %add3A_144 : i32 to vector<16xi32>
        %add3A_146 = arith.addi %add3A_145, %iota3A_71 : vector<16xi32>
        %mul3A_147 = arith.constant 16 : i32
        %mul3A_148 = vector.broadcast %mul3A_147 : i32 to vector<16xi32>
        %mul3A_149 = arith.muli %add3A_146, %mul3A_148 : vector<16xi32>
        %add3A_150 = vector.broadcast %and3A_129 : i32 to vector<16xi32>
        %add3A_151 = arith.addi %mul3A_149, %add3A_150 : vector<16xi32>
        %gather3A_152 = tpu.vector_load_idx %arg5[%add3A_151] : memref<3328xf32, #tpu.memory_space<vmem>>[vector<16xi32>], vector<16xf32>,
        %gt3A_153 = arith.cmpf ogt, %gather3A_152, %select_n3A_142 : vector<16xf32>
        %select_n3A_154 = arith.select %gt3A_153, %gather3A_152, %select_n3A_142 : vector<16xi1>, vector<16xf32>
        %select_n3A_155 = arith.select %gt3A_153, %add3A_146, %select_n3A_143 : vector<16xi1>, vector<16xi32>
        %add3A_156 = arith.constant 32 : i32
        %add3A_157 = vector.broadcast %add3A_156 : i32 to vector<16xi32>
        %add3A_158 = arith.addi %add3A_157, %iota3A_71 : vector<16xi32>
        %mul3A_159 = arith.constant 16 : i32
        %mul3A_160 = vector.broadcast %mul3A_159 : i32 to vector<16xi32>
        %mul3A_161 = arith.muli %add3A_158, %mul3A_160 : vector<16xi32>
        %add3A_162 = vector.broadcast %and3A_129 : i32 to vector<16xi32>
        %add3A_163 = arith.addi %mul3A_161, %add3A_162 : vector<16xi32>
        %gather3A_164 = tpu.vector_load_idx %arg5[%add3A_163] : memref<3328xf32, #tpu.memory_space<vmem>>[vector<16xi32>], vector<16xf32>,
        %gt3A_165 = arith.cmpf ogt, %gather3A_164, %select_n3A_154 : vector<16xf32>
        %select_n3A_166 = arith.select %gt3A_165, %gather3A_164, %select_n3A_154 : vector<16xi1>, vector<16xf32>
        %select_n3A_167 = arith.select %gt3A_165, %add3A_158, %select_n3A_155 : vector<16xi1>, vector<16xi32>
        %add3A_168 = arith.constant 48 : i32
        %add3A_169 = vector.broadcast %add3A_168 : i32 to vector<16xi32>
        %add3A_170 = arith.addi %add3A_169, %iota3A_71 : vector<16xi32>
        %mul3A_171 = arith.constant 16 : i32
        %mul3A_172 = vector.broadcast %mul3A_171 : i32 to vector<16xi32>
        %mul3A_173 = arith.muli %add3A_170, %mul3A_172 : vector<16xi32>
        %add3A_174 = vector.broadcast %and3A_129 : i32 to vector<16xi32>
        %add3A_175 = arith.addi %mul3A_173, %add3A_174 : vector<16xi32>
        %gather3A_176 = tpu.vector_load_idx %arg5[%add3A_175] : memref<3328xf32, #tpu.memory_space<vmem>>[vector<16xi32>], vector<16xf32>,
        %gt3A_177 = arith.cmpf ogt, %gather3A_176, %select_n3A_166 : vector<16xf32>
        %select_n3A_178 = arith.select %gt3A_177, %gather3A_176, %select_n3A_166 : vector<16xi1>, vector<16xf32>
        %select_n3A_179 = arith.select %gt3A_177, %add3A_170, %select_n3A_167 : vector<16xi1>, vector<16xi32>
        %add3A_180 = arith.constant 64 : i32
        %add3A_181 = vector.broadcast %add3A_180 : i32 to vector<16xi32>
        %add3A_182 = arith.addi %add3A_181, %iota3A_71 : vector<16xi32>
        %mul3A_183 = arith.constant 16 : i32
        %mul3A_184 = vector.broadcast %mul3A_183 : i32 to vector<16xi32>
        %mul3A_185 = arith.muli %add3A_182, %mul3A_184 : vector<16xi32>
        %add3A_186 = vector.broadcast %and3A_129 : i32 to vector<16xi32>
        %add3A_187 = arith.addi %mul3A_185, %add3A_186 : vector<16xi32>
        %gather3A_188 = tpu.vector_load_idx %arg5[%add3A_187] : memref<3328xf32, #tpu.memory_space<vmem>>[vector<16xi32>], vector<16xf32>,
        %gt3A_189 = arith.cmpf ogt, %gather3A_188, %select_n3A_178 : vector<16xf32>
        %select_n3A_190 = arith.select %gt3A_189, %gather3A_188, %select_n3A_178 : vector<16xi1>, vector<16xf32>
        %select_n3A_191 = arith.select %gt3A_189, %add3A_182, %select_n3A_179 : vector<16xi1>, vector<16xi32>
        %add3A_192 = arith.constant 80 : i32
        %add3A_193 = vector.broadcast %add3A_192 : i32 to vector<16xi32>
        %add3A_194 = arith.addi %add3A_193, %iota3A_71 : vector<16xi32>
        %mul3A_195 = arith.constant 16 : i32
        %mul3A_196 = vector.broadcast %mul3A_195 : i32 to vector<16xi32>
        %mul3A_197 = arith.muli %add3A_194, %mul3A_196 : vector<16xi32>
        %add3A_198 = vector.broadcast %and3A_129 : i32 to vector<16xi32>
        %add3A_199 = arith.addi %mul3A_197, %add3A_198 : vector<16xi32>
        %gather3A_200 = tpu.vector_load_idx %arg5[%add3A_199] : memref<3328xf32, #tpu.memory_space<vmem>>[vector<16xi32>], vector<16xf32>,
        %gt3A_201 = arith.cmpf ogt, %gather3A_200, %select_n3A_190 : vector<16xf32>
        %select_n3A_202 = arith.select %gt3A_201, %gather3A_200, %select_n3A_190 : vector<16xi1>, vector<16xf32>
        %select_n3A_203 = arith.select %gt3A_201, %add3A_194, %select_n3A_191 : vector<16xi1>, vector<16xi32>
        %add3A_204 = arith.constant 96 : i32
        %add3A_205 = vector.broadcast %add3A_204 : i32 to vector<16xi32>
        %add3A_206 = arith.addi %add3A_205, %iota3A_71 : vector<16xi32>
        %mul3A_207 = arith.constant 16 : i32
        %mul3A_208 = vector.broadcast %mul3A_207 : i32 to vector<16xi32>
        %mul3A_209 = arith.muli %add3A_206, %mul3A_208 : vector<16xi32>
        %add3A_210 = vector.broadcast %and3A_129 : i32 to vector<16xi32>
        %add3A_211 = arith.addi %mul3A_209, %add3A_210 : vector<16xi32>
        %gather3A_212 = tpu.vector_load_idx %arg5[%add3A_211] : memref<3328xf32, #tpu.memory_space<vmem>>[vector<16xi32>], vector<16xf32>,
        %gt3A_213 = arith.cmpf ogt, %gather3A_212, %select_n3A_202 : vector<16xf32>
        %select_n3A_214 = arith.select %gt3A_213, %gather3A_212, %select_n3A_202 : vector<16xi1>, vector<16xf32>
        %select_n3A_215 = arith.select %gt3A_213, %add3A_206, %select_n3A_203 : vector<16xi1>, vector<16xi32>
        %add3A_216 = arith.constant 112 : i32
        %add3A_217 = vector.broadcast %add3A_216 : i32 to vector<16xi32>
        %add3A_218 = arith.addi %add3A_217, %iota3A_71 : vector<16xi32>
        %mul3A_219 = arith.constant 16 : i32
        %mul3A_220 = vector.broadcast %mul3A_219 : i32 to vector<16xi32>
        %mul3A_221 = arith.muli %add3A_218, %mul3A_220 : vector<16xi32>
        %add3A_222 = vector.broadcast %and3A_129 : i32 to vector<16xi32>
        %add3A_223 = arith.addi %mul3A_221, %add3A_222 : vector<16xi32>
        %gather3A_224 = tpu.vector_load_idx %arg5[%add3A_223] : memref<3328xf32, #tpu.memory_space<vmem>>[vector<16xi32>], vector<16xf32>,
        %gt3A_225 = arith.cmpf ogt, %gather3A_224, %select_n3A_214 : vector<16xf32>
        %select_n3A_226 = arith.select %gt3A_225, %gather3A_224, %select_n3A_214 : vector<16xi1>, vector<16xf32>
        %select_n3A_227 = arith.select %gt3A_225, %add3A_218, %select_n3A_215 : vector<16xi1>, vector<16xi32>
        %add3A_228 = arith.constant 128 : i32
        %add3A_229 = vector.broadcast %add3A_228 : i32 to vector<16xi32>
        %add3A_230 = arith.addi %add3A_229, %iota3A_71 : vector<16xi32>
        %mul3A_231 = arith.constant 16 : i32
        %mul3A_232 = vector.broadcast %mul3A_231 : i32 to vector<16xi32>
        %mul3A_233 = arith.muli %add3A_230, %mul3A_232 : vector<16xi32>
        %add3A_234 = vector.broadcast %and3A_129 : i32 to vector<16xi32>
        %add3A_235 = arith.addi %mul3A_233, %add3A_234 : vector<16xi32>
        %gather3A_236 = tpu.vector_load_idx %arg5[%add3A_235] : memref<3328xf32, #tpu.memory_space<vmem>>[vector<16xi32>], vector<16xf32>,
        %gt3A_237 = arith.cmpf ogt, %gather3A_236, %select_n3A_226 : vector<16xf32>
        %select_n3A_238 = arith.select %gt3A_237, %gather3A_236, %select_n3A_226 : vector<16xi1>, vector<16xf32>
        %select_n3A_239 = arith.select %gt3A_237, %add3A_230, %select_n3A_227 : vector<16xi1>, vector<16xi32>
        %add3A_240 = arith.constant 144 : i32
        %add3A_241 = vector.broadcast %add3A_240 : i32 to vector<16xi32>
        %add3A_242 = arith.addi %add3A_241, %iota3A_71 : vector<16xi32>
        %mul3A_243 = arith.constant 16 : i32
        %mul3A_244 = vector.broadcast %mul3A_243 : i32 to vector<16xi32>
        %mul3A_245 = arith.muli %add3A_242, %mul3A_244 : vector<16xi32>
        %add3A_246 = vector.broadcast %and3A_129 : i32 to vector<16xi32>
        %add3A_247 = arith.addi %mul3A_245, %add3A_246 : vector<16xi32>
        %gather3A_248 = tpu.vector_load_idx %arg5[%add3A_247] : memref<3328xf32, #tpu.memory_space<vmem>>[vector<16xi32>], vector<16xf32>,
        %gt3A_249 = arith.cmpf ogt, %gather3A_248, %select_n3A_238 : vector<16xf32>
        %select_n3A_250 = arith.select %gt3A_249, %gather3A_248, %select_n3A_238 : vector<16xi1>, vector<16xf32>
        %select_n3A_251 = arith.select %gt3A_249, %add3A_242, %select_n3A_239 : vector<16xi1>, vector<16xi32>
        %add3A_252 = arith.constant 160 : i32
        %add3A_253 = vector.broadcast %add3A_252 : i32 to vector<16xi32>
        %add3A_254 = arith.addi %add3A_253, %iota3A_71 : vector<16xi32>
        %mul3A_255 = arith.constant 16 : i32
        %mul3A_256 = vector.broadcast %mul3A_255 : i32 to vector<16xi32>
        %mul3A_257 = arith.muli %add3A_254, %mul3A_256 : vector<16xi32>
        %add3A_258 = vector.broadcast %and3A_129 : i32 to vector<16xi32>
        %add3A_259 = arith.addi %mul3A_257, %add3A_258 : vector<16xi32>
        %gather3A_260 = tpu.vector_load_idx %arg5[%add3A_259] : memref<3328xf32, #tpu.memory_space<vmem>>[vector<16xi32>], vector<16xf32>,
        %gt3A_261 = arith.cmpf ogt, %gather3A_260, %select_n3A_250 : vector<16xf32>
        %select_n3A_262 = arith.select %gt3A_261, %gather3A_260, %select_n3A_250 : vector<16xi1>, vector<16xf32>
        %select_n3A_263 = arith.select %gt3A_261, %add3A_254, %select_n3A_251 : vector<16xi1>, vector<16xi32>
        %add3A_264 = arith.constant 176 : i32
        %add3A_265 = vector.broadcast %add3A_264 : i32 to vector<16xi32>
        %add3A_266 = arith.addi %add3A_265, %iota3A_71 : vector<16xi32>
        %mul3A_267 = arith.constant 16 : i32
        %mul3A_268 = vector.broadcast %mul3A_267 : i32 to vector<16xi32>
        %mul3A_269 = arith.muli %add3A_266, %mul3A_268 : vector<16xi32>
        %add3A_270 = vector.broadcast %and3A_129 : i32 to vector<16xi32>
        %add3A_271 = arith.addi %mul3A_269, %add3A_270 : vector<16xi32>
        %gather3A_272 = tpu.vector_load_idx %arg5[%add3A_271] : memref<3328xf32, #tpu.memory_space<vmem>>[vector<16xi32>], vector<16xf32>,
        %gt3A_273 = arith.cmpf ogt, %gather3A_272, %select_n3A_262 : vector<16xf32>
        %select_n3A_274 = arith.select %gt3A_273, %gather3A_272, %select_n3A_262 : vector<16xi1>, vector<16xf32>
        %select_n3A_275 = arith.select %gt3A_273, %add3A_266, %select_n3A_263 : vector<16xi1>, vector<16xi32>
        %add3A_276 = arith.constant 192 : i32
        %add3A_277 = vector.broadcast %add3A_276 : i32 to vector<16xi32>
        %add3A_278 = arith.addi %add3A_277, %iota3A_71 : vector<16xi32>
        %mul3A_279 = arith.constant 16 : i32
        %mul3A_280 = vector.broadcast %mul3A_279 : i32 to vector<16xi32>
        %mul3A_281 = arith.muli %add3A_278, %mul3A_280 : vector<16xi32>
        %add3A_282 = vector.broadcast %and3A_129 : i32 to vector<16xi32>
        %add3A_283 = arith.addi %mul3A_281, %add3A_282 : vector<16xi32>
        %gather3A_284 = tpu.vector_load_idx %arg5[%add3A_283] : memref<3328xf32, #tpu.memory_space<vmem>>[vector<16xi32>], vector<16xf32>,
        %gt3A_285 = arith.cmpf ogt, %gather3A_284, %select_n3A_274 : vector<16xf32>
        %select_n3A_286 = arith.select %gt3A_285, %gather3A_284, %select_n3A_274 : vector<16xi1>, vector<16xf32>
        %select_n3A_287 = arith.select %gt3A_285, %add3A_278, %select_n3A_275 : vector<16xi1>, vector<16xi32>
        %reduce_max3A_288 = arith.constant true
        %reduce_max3A_289 = vector.broadcast %reduce_max3A_288 : i1 to vector<16xi1>
        %reduce_max3A_290 = tpu.scan <max>, %select_n3A_286 masked %reduce_max3A_289 : vector<16xf32>, vector<16xi1> -> vector<16xf32>
        %reduce_max3A_291 = vector.extract %reduce_max3A_290[15] : f32 from vector<16xf32>
        %eq3A_292 = vector.broadcast %reduce_max3A_291 : f32 to vector<16xf32>
        %eq3A_293 = arith.cmpf oeq, %select_n3A_286, %eq3A_292 : vector<16xf32>
        %jit3A_294 = arith.constant 1073741824 : i32
        %broadcast_in_dim3A_295 = vector.broadcast %jit3A_294 : i32 to vector<16xi32>
        %select_n3A_296 = arith.select %eq3A_293, %select_n3A_287, %broadcast_in_dim3A_295 : vector<16xi1>, vector<16xi32>
        %reduce_min3A_297 = arith.constant true
        %reduce_min3A_298 = vector.broadcast %reduce_min3A_297 : i1 to vector<16xi1>
        %reduce_min3A_299 = arith.constant -2147483648 : i32
        %reduce_min3A_300 = vector.broadcast %reduce_min3A_299 : i32 to vector<16xi32>
        %reduce_min3A_301 = arith.xori %select_n3A_296, %reduce_min3A_300 : vector<16xi32>
        %reduce_min3A_302 = tpu.scan <min>, %reduce_min3A_301 masked %reduce_min3A_298 : vector<16xi32>, vector<16xi1> -> vector<16xi32>
        %reduce_min3A_303 = arith.xori %reduce_min3A_302, %reduce_min3A_300 : vector<16xi32>
        %reduce_min3A_304 = vector.extract %reduce_min3A_303[15] : i32 from vector<16xi32>
        %eq3A_305 = vector.broadcast %and3A_129 : i32 to vector<16xi32>
        %eq3A_306 = arith.cmpi eq, %iota3A_71, %eq3A_305 : vector<16xi32>
        %broadcast_in_dim3A_307 = vector.broadcast %reduce_max3A_291 : f32 to vector<16xf32>
        %select_n3A_308 = arith.select %eq3A_306, %broadcast_in_dim3A_307, %scan3A_104 : vector<16xi1>, vector<16xf32>
        %eq3A_309 = vector.broadcast %and3A_129 : i32 to vector<16xi32>
        %eq3A_310 = arith.cmpi eq, %iota3A_71, %eq3A_309 : vector<16xi32>
        %broadcast_in_dim3A_311 = vector.broadcast %reduce_min3A_304 : i32 to vector<16xi32>
        %select_n3A_312 = arith.select %eq3A_310, %broadcast_in_dim3A_311, %scan3A_105 : vector<16xi1>, vector<16xi32>
        scf.yield %select_n3A_308, %select_n3A_312 : vector<16xf32>, vector<16xi32>
      }
      %scan3A_89 = arith.constant 64 : i32
      %mul3A_90 = arith.constant 64 : i32
      %mul3A_91 = arith.muli %arg1, %mul3A_90 : i32
      "tpu.region"() ({
        %run_scoped3A = tpu.sem_alloc : memref<!tpu.dma_semaphore, #tpu.memory_space<semaphore_mem>>
        %dma_start3A = tpu.memref_slice %arg14[%mul3A_91] : memref<1024xf32, #tpu.memory_space<vmem_shared>> -> memref<64xf32, #tpu.memory_space<vmem_shared>>
        %dma_start3A_103 = tpu.memref_slice %arg14[%mul3A_91] : memref<1024xf32, #tpu.memory_space<vmem_shared>> -> memref<64xf32, #tpu.memory_space<vmem_shared>>
        tpu.enqueue_dma source(%arg6 : memref<64xf32, #tpu.memory_space<vmem>>) target(%dma_start3A_103 : memref<64xf32, #tpu.memory_space<vmem_shared>>) target_semaphore(%run_scoped3A : memref<!tpu.dma_semaphore, #tpu.memory_space<semaphore_mem>>)
        %dma_wait3A = tpu.memref_slice %arg14[%mul3A_91] : memref<1024xf32, #tpu.memory_space<vmem_shared>> -> memref<64xf32, #tpu.memory_space<vmem_shared>>
        %dma_wait3A_104 = tpu.memref_slice %arg14[%mul3A_91] : memref<1024xf32, #tpu.memory_space<vmem_shared>> -> memref<64xf32, #tpu.memory_space<vmem_shared>>
        tpu.wait_dma2 semaphore(%run_scoped3A : memref<!tpu.dma_semaphore, #tpu.memory_space<semaphore_mem>>) src(%arg6 : memref<64xf32, #tpu.memory_space<vmem>>) dst(%dma_wait3A_104 : memref<64xf32, #tpu.memory_space<vmem_shared>>)
        tpu.yield
      }) : () -> ()
      "tpu.region"() ({
        %run_scoped3A = tpu.sem_alloc : memref<!tpu.dma_semaphore, #tpu.memory_space<semaphore_mem>>
        %dma_start3A = tpu.memref_slice %arg15[%mul3A_91] : memref<1024xi32, #tpu.memory_space<vmem_shared>> -> memref<64xi32, #tpu.memory_space<vmem_shared>>
        %dma_start3A_103 = tpu.memref_slice %arg15[%mul3A_91] : memref<1024xi32, #tpu.memory_space<vmem_shared>> -> memref<64xi32, #tpu.memory_space<vmem_shared>>
        tpu.enqueue_dma source(%arg7 : memref<64xi32, #tpu.memory_space<vmem>>) target(%dma_start3A_103 : memref<64xi32, #tpu.memory_space<vmem_shared>>) target_semaphore(%run_scoped3A : memref<!tpu.dma_semaphore, #tpu.memory_space<semaphore_mem>>)
        %dma_wait3A = tpu.memref_slice %arg15[%mul3A_91] : memref<1024xi32, #tpu.memory_space<vmem_shared>> -> memref<64xi32, #tpu.memory_space<vmem_shared>>
        %dma_wait3A_104 = tpu.memref_slice %arg15[%mul3A_91] : memref<1024xi32, #tpu.memory_space<vmem_shared>> -> memref<64xi32, #tpu.memory_space<vmem_shared>>
        tpu.wait_dma2 semaphore(%run_scoped3A : memref<!tpu.dma_semaphore, #tpu.memory_space<semaphore_mem>>) src(%arg7 : memref<64xi32, #tpu.memory_space<vmem>>) dst(%dma_wait3A_104 : memref<64xi32, #tpu.memory_space<vmem_shared>>)
        tpu.yield
      }) : () -> ()
      %barrier3A = arith.constant 0 : index
      tpu.barrier barrier_id(%barrier3A)
      %eq3A_92 = arith.constant 0 : i32
      %eq3A_93 = arith.cmpi eq, %arg1, %eq3A_92 : i32
      %convert_element_type3A_94 = arith.extui %eq3A_93 : i1 to i32
      %cond3A_95 = arith.constant 0 : i32
      %cond3A_96 = arith.cmpi ne, %convert_element_type3A_94, %cond3A_95 : i32
      scf.if %cond3A_96 {
        "tpu.region"() ({
          %run_scoped3A = tpu.sem_alloc : memref<!tpu.dma_semaphore, #tpu.memory_space<semaphore_mem>>
          tpu.enqueue_dma source(%arg14 : memref<1024xf32, #tpu.memory_space<vmem_shared>>) target(%arg8 : memref<1024xf32, #tpu.memory_space<vmem>>) target_semaphore(%run_scoped3A : memref<!tpu.dma_semaphore, #tpu.memory_space<semaphore_mem>>)
          tpu.wait_dma2 semaphore(%run_scoped3A : memref<!tpu.dma_semaphore, #tpu.memory_space<semaphore_mem>>) src(%arg14 : memref<1024xf32, #tpu.memory_space<vmem_shared>>) dst(%arg8 : memref<1024xf32, #tpu.memory_space<vmem>>)
          tpu.yield
        }) : () -> ()
        "tpu.region"() ({
          %run_scoped3A = tpu.sem_alloc : memref<!tpu.dma_semaphore, #tpu.memory_space<semaphore_mem>>
          tpu.enqueue_dma source(%arg15 : memref<1024xi32, #tpu.memory_space<vmem_shared>>) target(%arg9 : memref<1024xi32, #tpu.memory_space<vmem>>) target_semaphore(%run_scoped3A : memref<!tpu.dma_semaphore, #tpu.memory_space<semaphore_mem>>)
          tpu.wait_dma2 semaphore(%run_scoped3A : memref<!tpu.dma_semaphore, #tpu.memory_space<semaphore_mem>>) src(%arg15 : memref<1024xi32, #tpu.memory_space<vmem_shared>>) dst(%arg9 : memref<1024xi32, #tpu.memory_space<vmem>>)
          tpu.yield
        }) : () -> ()
        %iota3A_103 = tpu.iota {dimensions = array<i32: 0>} : vector<16xi32>
        %eq3A_104 = arith.constant 0 : i32
        %eq3A_105 = vector.broadcast %eq3A_104 : i32 to vector<16xi32>
        %eq3A_106 = arith.cmpi eq, %iota3A_103, %eq3A_105 : vector<16xi32>
        %iota3A_107 = tpu.iota {dimensions = array<i32: 0>} : vector<16xi32>
        %eq3A_108 = arith.constant 0 : i32
        %eq3A_109 = vector.broadcast %eq3A_108 : i32 to vector<16xi32>
        %eq3A_110 = arith.cmpi eq, %iota3A_107, %eq3A_109 : vector<16xi32>
        %broadcast_in_dim3A_111 = arith.constant -1.000000e+30 : f32
        %broadcast_in_dim3A_112 = vector.broadcast %broadcast_in_dim3A_111 : f32 to vector<16xf32>
        %broadcast_in_dim3A_113 = arith.constant 0 : i32
        %broadcast_in_dim3A_114 = vector.broadcast %broadcast_in_dim3A_113 : i32 to vector<16xi32>
        %scan3A_115 = arith.constant 0 : i32
        %scan3A_116 = arith.constant 16 : i32
        %scan3A_117 = arith.addi %scan3A_115, %scan3A_116 : i32
        %scan3A_118 = arith.constant 1 : i32
        %scan3A_119:2 = scf.for %scan3A_127 = %scan3A_115 to %scan3A_117 step %scan3A_118 iter_args(%scan3A_128 = %broadcast_in_dim3A_112, %scan3A_129 = %broadcast_in_dim3A_114) -> (vector<16xf32>, vector<16xi32>)  : i32 {
          %mul3A_130 = arith.constant 4 : i32
          %mul3A_131 = arith.muli %scan3A_127, %mul3A_130 : i32
          %add3A = arith.constant 0 : i32
          %add3A_132 = arith.addi %mul3A_131, %add3A : i32
          %mul3A_133 = arith.constant 16 : i32
          %mul3A_134 = arith.muli %add3A_132, %mul3A_133 : i32
          %get3A = arith.index_cast %mul3A_134 : i32 to index
          %get3A_135 = tpu.vector_load %arg8[%get3A] {strides = array<i32>} : memref<1024xf32, #tpu.memory_space<vmem>>, vector<16xf32>,
          %gt3A = arith.cmpf ogt, %get3A_135, %scan3A_128 : vector<16xf32>
          %select_n3A = arith.select %gt3A, %get3A_135, %scan3A_128 : vector<16xi1>, vector<16xf32>
          %broadcast_in_dim3A_136 = vector.broadcast %add3A_132 : i32 to vector<16xi32>
          %select_n3A_137 = arith.select %gt3A, %broadcast_in_dim3A_136, %scan3A_129 : vector<16xi1>, vector<16xi32>
          %mul3A_138 = arith.constant 4 : i32
          %mul3A_139 = arith.muli %scan3A_127, %mul3A_138 : i32
          %add3A_140 = arith.constant 1 : i32
          %add3A_141 = arith.addi %mul3A_139, %add3A_140 : i32
          %mul3A_142 = arith.constant 16 : i32
          %mul3A_143 = arith.muli %add3A_141, %mul3A_142 : i32
          %get3A_144 = arith.index_cast %mul3A_143 : i32 to index
          %get3A_145 = tpu.vector_load %arg8[%get3A_144] {strides = array<i32>} : memref<1024xf32, #tpu.memory_space<vmem>>, vector<16xf32>,
          %gt3A_146 = arith.cmpf ogt, %get3A_145, %select_n3A : vector<16xf32>
          %select_n3A_147 = arith.select %gt3A_146, %get3A_145, %select_n3A : vector<16xi1>, vector<16xf32>
          %broadcast_in_dim3A_148 = vector.broadcast %add3A_141 : i32 to vector<16xi32>
          %select_n3A_149 = arith.select %gt3A_146, %broadcast_in_dim3A_148, %select_n3A_137 : vector<16xi1>, vector<16xi32>
          %mul3A_150 = arith.constant 4 : i32
          %mul3A_151 = arith.muli %scan3A_127, %mul3A_150 : i32
          %add3A_152 = arith.constant 2 : i32
          %add3A_153 = arith.addi %mul3A_151, %add3A_152 : i32
          %mul3A_154 = arith.constant 16 : i32
          %mul3A_155 = arith.muli %add3A_153, %mul3A_154 : i32
          %get3A_156 = arith.index_cast %mul3A_155 : i32 to index
          %get3A_157 = tpu.vector_load %arg8[%get3A_156] {strides = array<i32>} : memref<1024xf32, #tpu.memory_space<vmem>>, vector<16xf32>,
          %gt3A_158 = arith.cmpf ogt, %get3A_157, %select_n3A_147 : vector<16xf32>
          %select_n3A_159 = arith.select %gt3A_158, %get3A_157, %select_n3A_147 : vector<16xi1>, vector<16xf32>
          %broadcast_in_dim3A_160 = vector.broadcast %add3A_153 : i32 to vector<16xi32>
          %select_n3A_161 = arith.select %gt3A_158, %broadcast_in_dim3A_160, %select_n3A_149 : vector<16xi1>, vector<16xi32>
          %mul3A_162 = arith.constant 4 : i32
          %mul3A_163 = arith.muli %scan3A_127, %mul3A_162 : i32
          %add3A_164 = arith.constant 3 : i32
          %add3A_165 = arith.addi %mul3A_163, %add3A_164 : i32
          %mul3A_166 = arith.constant 16 : i32
          %mul3A_167 = arith.muli %add3A_165, %mul3A_166 : i32
          %get3A_168 = arith.index_cast %mul3A_167 : i32 to index
          %get3A_169 = tpu.vector_load %arg8[%get3A_168] {strides = array<i32>} : memref<1024xf32, #tpu.memory_space<vmem>>, vector<16xf32>,
          %gt3A_170 = arith.cmpf ogt, %get3A_169, %select_n3A_159 : vector<16xf32>
          %select_n3A_171 = arith.select %gt3A_170, %get3A_169, %select_n3A_159 : vector<16xi1>, vector<16xf32>
          %broadcast_in_dim3A_172 = vector.broadcast %add3A_165 : i32 to vector<16xi32>
          %select_n3A_173 = arith.select %gt3A_170, %broadcast_in_dim3A_172, %select_n3A_161 : vector<16xi1>, vector<16xi32>
          scf.yield %select_n3A_171, %select_n3A_173 : vector<16xf32>, vector<16xi32>
        }
        %scan3A_120 = arith.constant 16 : i32
        %scan3A_121 = arith.constant 0 : i32
        %scan3A_122 = arith.constant 64 : i32
        %scan3A_123 = arith.addi %scan3A_121, %scan3A_122 : i32
        %scan3A_124 = arith.constant 1 : i32
        %scan3A_125:2 = scf.for %scan3A_127 = %scan3A_121 to %scan3A_123 step %scan3A_124 iter_args(%scan3A_128 = %scan3A_119#0, %scan3A_129 = %scan3A_119#1) -> (vector<16xf32>, vector<16xi32>)  : i32 {
          %reduce_max3A = arith.constant true
          %reduce_max3A_130 = vector.broadcast %reduce_max3A : i1 to vector<16xi1>
          %reduce_max3A_131 = tpu.scan <max>, %scan3A_128 masked %reduce_max3A_130 : vector<16xf32>, vector<16xi1> -> vector<16xf32>
          %reduce_max3A_132 = vector.extract %reduce_max3A_131[15] : f32 from vector<16xf32>
          %eq3A_133 = vector.broadcast %reduce_max3A_132 : f32 to vector<16xf32>
          %eq3A_134 = arith.cmpf oeq, %scan3A_128, %eq3A_133 : vector<16xf32>
          %mul3A_135 = arith.constant 16 : i32
          %mul3A_136 = vector.broadcast %mul3A_135 : i32 to vector<16xi32>
          %mul3A_137 = arith.muli %scan3A_129, %mul3A_136 : vector<16xi32>
          %add3A = arith.addi %mul3A_137, %iota3A_107 : vector<16xi32>
          %jit3A = arith.constant 1073741824 : i32
          %broadcast_in_dim3A_138 = vector.broadcast %jit3A : i32 to vector<16xi32>
          %select_n3A = arith.select %eq3A_134, %add3A, %broadcast_in_dim3A_138 : vector<16xi1>, vector<16xi32>
          %reduce_min3A = arith.constant true
          %reduce_min3A_139 = vector.broadcast %reduce_min3A : i1 to vector<16xi1>
          %reduce_min3A_140 = arith.constant -2147483648 : i32
          %reduce_min3A_141 = vector.broadcast %reduce_min3A_140 : i32 to vector<16xi32>
          %reduce_min3A_142 = arith.xori %select_n3A, %reduce_min3A_141 : vector<16xi32>
          %reduce_min3A_143 = tpu.scan <min>, %reduce_min3A_142 masked %reduce_min3A_139 : vector<16xi32>, vector<16xi1> -> vector<16xi32>
          %reduce_min3A_144 = arith.xori %reduce_min3A_143, %reduce_min3A_141 : vector<16xi32>
          %reduce_min3A_145 = vector.extract %reduce_min3A_144[15] : i32 from vector<16xi32>
          %broadcast_in_dim3A_146 = vector.broadcast %reduce_min3A_145 : i32 to vector<16xi32>
          %gather3A = tpu.vector_load_idx %arg9[%broadcast_in_dim3A_146] : memref<1024xi32, #tpu.memory_space<vmem>>[vector<16xi32>], vector<16xi32>,
          %broadcast_in_dim3A_147 = vector.broadcast %scan3A_127 : i32 to vector<16xi32>
          tpu.vector_store_idx %arg10[%broadcast_in_dim3A_147], %gather3A masked %eq3A_106 : memref<64xi32, #tpu.memory_space<vmem>>[vector<16xi32>], vector<16xi32>, vector<16xi1>
          %broadcast_in_dim3A_148 = vector.broadcast %reduce_min3A_145 : i32 to vector<16xi32>
          %broadcast_in_dim3A_149 = arith.constant -1.000000e+30 : f32
          %broadcast_in_dim3A_150 = vector.broadcast %broadcast_in_dim3A_149 : f32 to vector<16xf32>
          tpu.vector_store_idx %arg8[%broadcast_in_dim3A_148], %broadcast_in_dim3A_150 masked %eq3A_110 : memref<1024xf32, #tpu.memory_space<vmem>>[vector<16xi32>], vector<16xf32>, vector<16xi1>
          %and3A = arith.constant 15 : i32
          %and3A_151 = arith.andi %reduce_min3A_145, %and3A : i32
          %broadcast_in_dim3A_152 = arith.constant -1.000000e+30 : f32
          %broadcast_in_dim3A_153 = vector.broadcast %broadcast_in_dim3A_152 : f32 to vector<16xf32>
          %broadcast_in_dim3A_154 = arith.constant 0 : i32
          %broadcast_in_dim3A_155 = vector.broadcast %broadcast_in_dim3A_154 : i32 to vector<16xi32>
          %add3A_156 = arith.constant 0 : i32
          %add3A_157 = vector.broadcast %add3A_156 : i32 to vector<16xi32>
          %add3A_158 = arith.addi %add3A_157, %iota3A_107 : vector<16xi32>
          %mul3A_159 = arith.constant 16 : i32
          %mul3A_160 = vector.broadcast %mul3A_159 : i32 to vector<16xi32>
          %mul3A_161 = arith.muli %add3A_158, %mul3A_160 : vector<16xi32>
          %add3A_162 = vector.broadcast %and3A_151 : i32 to vector<16xi32>
          %add3A_163 = arith.addi %mul3A_161, %add3A_162 : vector<16xi32>
          %gather3A_164 = tpu.vector_load_idx %arg8[%add3A_163] : memref<1024xf32, #tpu.memory_space<vmem>>[vector<16xi32>], vector<16xf32>,
          %gt3A = arith.cmpf ogt, %gather3A_164, %broadcast_in_dim3A_153 : vector<16xf32>
          %select_n3A_165 = arith.select %gt3A, %gather3A_164, %broadcast_in_dim3A_153 : vector<16xi1>, vector<16xf32>
          %select_n3A_166 = arith.select %gt3A, %add3A_158, %broadcast_in_dim3A_155 : vector<16xi1>, vector<16xi32>
          %add3A_167 = arith.constant 16 : i32
          %add3A_168 = vector.broadcast %add3A_167 : i32 to vector<16xi32>
          %add3A_169 = arith.addi %add3A_168, %iota3A_107 : vector<16xi32>
          %mul3A_170 = arith.constant 16 : i32
          %mul3A_171 = vector.broadcast %mul3A_170 : i32 to vector<16xi32>
          %mul3A_172 = arith.muli %add3A_169, %mul3A_171 : vector<16xi32>
          %add3A_173 = vector.broadcast %and3A_151 : i32 to vector<16xi32>
          %add3A_174 = arith.addi %mul3A_172, %add3A_173 : vector<16xi32>
          %gather3A_175 = tpu.vector_load_idx %arg8[%add3A_174] : memref<1024xf32, #tpu.memory_space<vmem>>[vector<16xi32>], vector<16xf32>,
          %gt3A_176 = arith.cmpf ogt, %gather3A_175, %select_n3A_165 : vector<16xf32>
          %select_n3A_177 = arith.select %gt3A_176, %gather3A_175, %select_n3A_165 : vector<16xi1>, vector<16xf32>
          %select_n3A_178 = arith.select %gt3A_176, %add3A_169, %select_n3A_166 : vector<16xi1>, vector<16xi32>
          %add3A_179 = arith.constant 32 : i32
          %add3A_180 = vector.broadcast %add3A_179 : i32 to vector<16xi32>
          %add3A_181 = arith.addi %add3A_180, %iota3A_107 : vector<16xi32>
          %mul3A_182 = arith.constant 16 : i32
          %mul3A_183 = vector.broadcast %mul3A_182 : i32 to vector<16xi32>
          %mul3A_184 = arith.muli %add3A_181, %mul3A_183 : vector<16xi32>
          %add3A_185 = vector.broadcast %and3A_151 : i32 to vector<16xi32>
          %add3A_186 = arith.addi %mul3A_184, %add3A_185 : vector<16xi32>
          %gather3A_187 = tpu.vector_load_idx %arg8[%add3A_186] : memref<1024xf32, #tpu.memory_space<vmem>>[vector<16xi32>], vector<16xf32>,
          %gt3A_188 = arith.cmpf ogt, %gather3A_187, %select_n3A_177 : vector<16xf32>
          %select_n3A_189 = arith.select %gt3A_188, %gather3A_187, %select_n3A_177 : vector<16xi1>, vector<16xf32>
          %select_n3A_190 = arith.select %gt3A_188, %add3A_181, %select_n3A_178 : vector<16xi1>, vector<16xi32>
          %add3A_191 = arith.constant 48 : i32
          %add3A_192 = vector.broadcast %add3A_191 : i32 to vector<16xi32>
          %add3A_193 = arith.addi %add3A_192, %iota3A_107 : vector<16xi32>
          %mul3A_194 = arith.constant 16 : i32
          %mul3A_195 = vector.broadcast %mul3A_194 : i32 to vector<16xi32>
          %mul3A_196 = arith.muli %add3A_193, %mul3A_195 : vector<16xi32>
          %add3A_197 = vector.broadcast %and3A_151 : i32 to vector<16xi32>
          %add3A_198 = arith.addi %mul3A_196, %add3A_197 : vector<16xi32>
          %gather3A_199 = tpu.vector_load_idx %arg8[%add3A_198] : memref<1024xf32, #tpu.memory_space<vmem>>[vector<16xi32>], vector<16xf32>,
          %gt3A_200 = arith.cmpf ogt, %gather3A_199, %select_n3A_189 : vector<16xf32>
          %select_n3A_201 = arith.select %gt3A_200, %gather3A_199, %select_n3A_189 : vector<16xi1>, vector<16xf32>
          %select_n3A_202 = arith.select %gt3A_200, %add3A_193, %select_n3A_190 : vector<16xi1>, vector<16xi32>
          %reduce_max3A_203 = arith.constant true
          %reduce_max3A_204 = vector.broadcast %reduce_max3A_203 : i1 to vector<16xi1>
          %reduce_max3A_205 = tpu.scan <max>, %select_n3A_201 masked %reduce_max3A_204 : vector<16xf32>, vector<16xi1> -> vector<16xf32>
          %reduce_max3A_206 = vector.extract %reduce_max3A_205[15] : f32 from vector<16xf32>
          %eq3A_207 = vector.broadcast %reduce_max3A_206 : f32 to vector<16xf32>
          %eq3A_208 = arith.cmpf oeq, %select_n3A_201, %eq3A_207 : vector<16xf32>
          %jit3A_209 = arith.constant 1073741824 : i32
          %broadcast_in_dim3A_210 = vector.broadcast %jit3A_209 : i32 to vector<16xi32>
          %select_n3A_211 = arith.select %eq3A_208, %select_n3A_202, %broadcast_in_dim3A_210 : vector<16xi1>, vector<16xi32>
          %reduce_min3A_212 = arith.constant true
          %reduce_min3A_213 = vector.broadcast %reduce_min3A_212 : i1 to vector<16xi1>
          %reduce_min3A_214 = arith.constant -2147483648 : i32
          %reduce_min3A_215 = vector.broadcast %reduce_min3A_214 : i32 to vector<16xi32>
          %reduce_min3A_216 = arith.xori %select_n3A_211, %reduce_min3A_215 : vector<16xi32>
          %reduce_min3A_217 = tpu.scan <min>, %reduce_min3A_216 masked %reduce_min3A_213 : vector<16xi32>, vector<16xi1> -> vector<16xi32>
          %reduce_min3A_218 = arith.xori %reduce_min3A_217, %reduce_min3A_215 : vector<16xi32>
          %reduce_min3A_219 = vector.extract %reduce_min3A_218[15] : i32 from vector<16xi32>
          %eq3A_220 = vector.broadcast %and3A_151 : i32 to vector<16xi32>
          %eq3A_221 = arith.cmpi eq, %iota3A_107, %eq3A_220 : vector<16xi32>
          %broadcast_in_dim3A_222 = vector.broadcast %reduce_max3A_206 : f32 to vector<16xf32>
          %select_n3A_223 = arith.select %eq3A_221, %broadcast_in_dim3A_222, %scan3A_128 : vector<16xi1>, vector<16xf32>
          %eq3A_224 = vector.broadcast %and3A_151 : i32 to vector<16xi32>
          %eq3A_225 = arith.cmpi eq, %iota3A_107, %eq3A_224 : vector<16xi32>
          %broadcast_in_dim3A_226 = vector.broadcast %reduce_min3A_219 : i32 to vector<16xi32>
          %select_n3A_227 = arith.select %eq3A_225, %broadcast_in_dim3A_226, %scan3A_129 : vector<16xi1>, vector<16xi32>
          scf.yield %select_n3A_223, %select_n3A_227 : vector<16xf32>, vector<16xi32>
        }
        %scan3A_126 = arith.constant 64 : i32
        "tpu.region"() ({
          %run_scoped3A = tpu.sem_alloc : memref<!tpu.dma_semaphore, #tpu.memory_space<semaphore_mem>>
          tpu.enqueue_dma source(%arg10 : memref<64xi32, #tpu.memory_space<vmem>>) target(%arg16 : memref<64xi32, #tpu.memory_space<vmem_shared>>) target_semaphore(%run_scoped3A : memref<!tpu.dma_semaphore, #tpu.memory_space<semaphore_mem>>)
          tpu.wait_dma2 semaphore(%run_scoped3A : memref<!tpu.dma_semaphore, #tpu.memory_space<semaphore_mem>>) src(%arg10 : memref<64xi32, #tpu.memory_space<vmem>>) dst(%arg16 : memref<64xi32, #tpu.memory_space<vmem_shared>>)
          tpu.yield
        }) : () -> ()
      } else {
      }
      %barrier3A_97 = arith.constant 0 : index
      tpu.barrier barrier_id(%barrier3A_97)
      %lt3A_98 = arith.constant 8 : i32
      %lt3A_99 = arith.cmpi slt, %arg1, %lt3A_98 : i32
      %convert_element_type3A_100 = arith.extui %lt3A_99 : i1 to i32
      %cond3A_101 = arith.constant 0 : i32
      %cond3A_102 = arith.cmpi ne, %convert_element_type3A_100, %cond3A_101 : i32
      scf.if %cond3A_102 {
        %mul3A_103 = arith.constant 8 : i32
        %mul3A_104 = arith.muli %arg1, %mul3A_103 : i32
        "tpu.region"() ({
          %run_scoped3A = tpu.sem_alloc : memref<!tpu.dma_semaphore, #tpu.memory_space<semaphore_mem>>
          %dma_start3A_112 = tpu.memref_slice %arg16[%mul3A_104] : memref<64xi32, #tpu.memory_space<vmem_shared>> -> memref<8xi32, #tpu.memory_space<vmem_shared>>
          %dma_start3A_113 = tpu.memref_slice %arg16[%mul3A_104] : memref<64xi32, #tpu.memory_space<vmem_shared>> -> memref<8xi32, #tpu.memory_space<vmem_shared>>
          tpu.enqueue_dma source(%dma_start3A_113 : memref<8xi32, #tpu.memory_space<vmem_shared>>) target(%arg11 : memref<8xi32, #tpu.memory_space<vmem>>) target_semaphore(%run_scoped3A : memref<!tpu.dma_semaphore, #tpu.memory_space<semaphore_mem>>)
          %dma_wait3A_114 = tpu.memref_slice %arg16[%mul3A_104] : memref<64xi32, #tpu.memory_space<vmem_shared>> -> memref<8xi32, #tpu.memory_space<vmem_shared>>
          %dma_wait3A_115 = tpu.memref_slice %arg16[%mul3A_104] : memref<64xi32, #tpu.memory_space<vmem_shared>> -> memref<8xi32, #tpu.memory_space<vmem_shared>>
          tpu.wait_dma2 semaphore(%run_scoped3A : memref<!tpu.dma_semaphore, #tpu.memory_space<semaphore_mem>>) src(%dma_wait3A_115 : memref<8xi32, #tpu.memory_space<vmem_shared>>) dst(%arg11 : memref<8xi32, #tpu.memory_space<vmem>>)
          tpu.yield
        }) : () -> ()
        %dma_start3A = arith.constant 0 : i32
        %dma_start3A_105 = arith.constant 0 : i32
        %dma_start3A_106 = tpu.memref_slice %arg3[%dma_start3A, %dma_start3A_105] : memref<50000x1024xf32, #tpu.memory_space<hbm>> -> memref<50000x1024xf32, #tpu.memory_space<hbm>>
        tpu.enqueue_indirect_dma source(%dma_start3A_106 : memref<50000x1024xf32, #tpu.memory_space<hbm>>) target(%arg12 : memref<8x1024xf32, #tpu.memory_space<vmem>>) offsets(%arg11 : memref<8xi32, #tpu.memory_space<vmem>>) semaphore(%arg13 : memref<!tpu.dma_semaphore, #tpu.memory_space<semaphore_mem>>)
        %dma_wait3A = arith.constant 0 : i32
        %dma_wait3A_107 = arith.constant 0 : i32
        %dma_wait3A_108 = tpu.memref_slice %arg3[%dma_wait3A, %dma_wait3A_107] : memref<50000x1024xf32, #tpu.memory_space<hbm>> -> memref<50000x1024xf32, #tpu.memory_space<hbm>>
        tpu.wait_indirect_dma semaphore(%arg13 : memref<!tpu.dma_semaphore, #tpu.memory_space<semaphore_mem>>) src(%dma_wait3A_108 : memref<50000x1024xf32, #tpu.memory_space<hbm>>) dst(%arg12 : memref<8x1024xf32, #tpu.memory_space<vmem>>)
        %mul3A_109 = arith.constant 8 : i32
        %mul3A_110 = arith.muli %arg1, %mul3A_109 : i32
        %add3A = arith.constant 0 : i32
        %add3A_111 = arith.addi %add3A, %mul3A_110 : i32
        "tpu.region"() ({
          %run_scoped3A = tpu.sem_alloc : memref<!tpu.dma_semaphore, #tpu.memory_space<semaphore_mem>>
          %dma_start3A_112 = arith.constant 0 : i32
          %dma_start3A_113 = tpu.memref_slice %arg4[%add3A_111, %dma_start3A_112] : memref<128x1024xf32, #tpu.memory_space<hbm>> -> memref<8x1024xf32, #tpu.memory_space<hbm>>
          %dma_start3A_114 = arith.constant 0 : i32
          %dma_start3A_115 = tpu.memref_slice %arg4[%add3A_111, %dma_start3A_114] : memref<128x1024xf32, #tpu.memory_space<hbm>> -> memref<8x1024xf32, #tpu.memory_space<hbm>>
          tpu.enqueue_dma source(%arg12 : memref<8x1024xf32, #tpu.memory_space<vmem>>) target(%dma_start3A_115 : memref<8x1024xf32, #tpu.memory_space<hbm>>) target_semaphore(%run_scoped3A : memref<!tpu.dma_semaphore, #tpu.memory_space<semaphore_mem>>)
          %dma_wait3A_116 = arith.constant 0 : i32
          %dma_wait3A_117 = tpu.memref_slice %arg4[%add3A_111, %dma_wait3A_116] : memref<128x1024xf32, #tpu.memory_space<hbm>> -> memref<8x1024xf32, #tpu.memory_space<hbm>>
          %dma_wait3A_118 = arith.constant 0 : i32
          %dma_wait3A_119 = tpu.memref_slice %arg4[%add3A_111, %dma_wait3A_118] : memref<128x1024xf32, #tpu.memory_space<hbm>> -> memref<8x1024xf32, #tpu.memory_space<hbm>>
          tpu.wait_dma2 semaphore(%run_scoped3A : memref<!tpu.dma_semaphore, #tpu.memory_space<semaphore_mem>>) src(%arg12 : memref<8x1024xf32, #tpu.memory_space<vmem>>) dst(%dma_wait3A_119 : memref<8x1024xf32, #tpu.memory_space<hbm>>)
          tpu.yield
        }) : () -> ()
      } else {
      }
    } else {
    }
    %eq3A_11 = arith.constant 1 : i32
    %eq3A_12 = arith.cmpi eq, %arg0, %eq3A_11 : i32
    %convert_element_type3A_13 = arith.extui %eq3A_12 : i1 to i32
    %cond3A_14 = arith.constant 0 : i32
    %cond3A_15 = arith.cmpi ne, %convert_element_type3A_13, %cond3A_14 : i32
    scf.if %cond3A_15 {
      %mul3A = arith.constant 3136 : i32
      %mul3A_16 = arith.muli %arg1, %mul3A : i32
      %broadcast_in_dim3A = arith.constant 1.000000e+30 : f32
      %broadcast_in_dim3A_17 = vector.broadcast %broadcast_in_dim3A : f32 to vector<16xf32>
      %swap3A = arith.constant 3136 : index
      %swap3A_18 = tpu.vector_load %arg5[%swap3A] {strides = array<i32>} : memref<3328xf32, #tpu.memory_space<vmem>>, vector<16xf32>,
      tpu.vector_store %arg5[%swap3A], %broadcast_in_dim3A_17 {strides = array<i32>} : memref<3328xf32, #tpu.memory_space<vmem>>, vector<16xf32>,
      %broadcast_in_dim3A_19 = arith.constant 1.000000e+30 : f32
      %broadcast_in_dim3A_20 = vector.broadcast %broadcast_in_dim3A_19 : f32 to vector<16xf32>
      %swap3A_21 = arith.constant 3152 : index
      %swap3A_22 = tpu.vector_load %arg5[%swap3A_21] {strides = array<i32>} : memref<3328xf32, #tpu.memory_space<vmem>>, vector<16xf32>,
      tpu.vector_store %arg5[%swap3A_21], %broadcast_in_dim3A_20 {strides = array<i32>} : memref<3328xf32, #tpu.memory_space<vmem>>, vector<16xf32>,
      %broadcast_in_dim3A_23 = arith.constant 1.000000e+30 : f32
      %broadcast_in_dim3A_24 = vector.broadcast %broadcast_in_dim3A_23 : f32 to vector<16xf32>
      %swap3A_25 = arith.constant 3168 : index
      %swap3A_26 = tpu.vector_load %arg5[%swap3A_25] {strides = array<i32>} : memref<3328xf32, #tpu.memory_space<vmem>>, vector<16xf32>,
      tpu.vector_store %arg5[%swap3A_25], %broadcast_in_dim3A_24 {strides = array<i32>} : memref<3328xf32, #tpu.memory_space<vmem>>, vector<16xf32>,
      %broadcast_in_dim3A_27 = arith.constant 1.000000e+30 : f32
      %broadcast_in_dim3A_28 = vector.broadcast %broadcast_in_dim3A_27 : f32 to vector<16xf32>
      %swap3A_29 = arith.constant 3184 : index
      %swap3A_30 = tpu.vector_load %arg5[%swap3A_29] {strides = array<i32>} : memref<3328xf32, #tpu.memory_space<vmem>>, vector<16xf32>,
      tpu.vector_store %arg5[%swap3A_29], %broadcast_in_dim3A_28 {strides = array<i32>} : memref<3328xf32, #tpu.memory_space<vmem>>, vector<16xf32>,
      %broadcast_in_dim3A_31 = arith.constant 1.000000e+30 : f32
      %broadcast_in_dim3A_32 = vector.broadcast %broadcast_in_dim3A_31 : f32 to vector<16xf32>
      %swap3A_33 = arith.constant 3200 : index
      %swap3A_34 = tpu.vector_load %arg5[%swap3A_33] {strides = array<i32>} : memref<3328xf32, #tpu.memory_space<vmem>>, vector<16xf32>,
      tpu.vector_store %arg5[%swap3A_33], %broadcast_in_dim3A_32 {strides = array<i32>} : memref<3328xf32, #tpu.memory_space<vmem>>, vector<16xf32>,
      %broadcast_in_dim3A_35 = arith.constant 1.000000e+30 : f32
      %broadcast_in_dim3A_36 = vector.broadcast %broadcast_in_dim3A_35 : f32 to vector<16xf32>
      %swap3A_37 = arith.constant 3216 : index
      %swap3A_38 = tpu.vector_load %arg5[%swap3A_37] {strides = array<i32>} : memref<3328xf32, #tpu.memory_space<vmem>>, vector<16xf32>,
      tpu.vector_store %arg5[%swap3A_37], %broadcast_in_dim3A_36 {strides = array<i32>} : memref<3328xf32, #tpu.memory_space<vmem>>, vector<16xf32>,
      %broadcast_in_dim3A_39 = arith.constant 1.000000e+30 : f32
      %broadcast_in_dim3A_40 = vector.broadcast %broadcast_in_dim3A_39 : f32 to vector<16xf32>
      %swap3A_41 = arith.constant 3232 : index
      %swap3A_42 = tpu.vector_load %arg5[%swap3A_41] {strides = array<i32>} : memref<3328xf32, #tpu.memory_space<vmem>>, vector<16xf32>,
      tpu.vector_store %arg5[%swap3A_41], %broadcast_in_dim3A_40 {strides = array<i32>} : memref<3328xf32, #tpu.memory_space<vmem>>, vector<16xf32>,
      %broadcast_in_dim3A_43 = arith.constant 1.000000e+30 : f32
      %broadcast_in_dim3A_44 = vector.broadcast %broadcast_in_dim3A_43 : f32 to vector<16xf32>
      %swap3A_45 = arith.constant 3248 : index
      %swap3A_46 = tpu.vector_load %arg5[%swap3A_45] {strides = array<i32>} : memref<3328xf32, #tpu.memory_space<vmem>>, vector<16xf32>,
      tpu.vector_store %arg5[%swap3A_45], %broadcast_in_dim3A_44 {strides = array<i32>} : memref<3328xf32, #tpu.memory_space<vmem>>, vector<16xf32>,
      %broadcast_in_dim3A_47 = arith.constant 1.000000e+30 : f32
      %broadcast_in_dim3A_48 = vector.broadcast %broadcast_in_dim3A_47 : f32 to vector<16xf32>
      %swap3A_49 = arith.constant 3264 : index
      %swap3A_50 = tpu.vector_load %arg5[%swap3A_49] {strides = array<i32>} : memref<3328xf32, #tpu.memory_space<vmem>>, vector<16xf32>,
      tpu.vector_store %arg5[%swap3A_49], %broadcast_in_dim3A_48 {strides = array<i32>} : memref<3328xf32, #tpu.memory_space<vmem>>, vector<16xf32>,
      %broadcast_in_dim3A_51 = arith.constant 1.000000e+30 : f32
      %broadcast_in_dim3A_52 = vector.broadcast %broadcast_in_dim3A_51 : f32 to vector<16xf32>
      %swap3A_53 = arith.constant 3280 : index
      %swap3A_54 = tpu.vector_load %arg5[%swap3A_53] {strides = array<i32>} : memref<3328xf32, #tpu.memory_space<vmem>>, vector<16xf32>,
      tpu.vector_store %arg5[%swap3A_53], %broadcast_in_dim3A_52 {strides = array<i32>} : memref<3328xf32, #tpu.memory_space<vmem>>, vector<16xf32>,
      %broadcast_in_dim3A_55 = arith.constant 1.000000e+30 : f32
      %broadcast_in_dim3A_56 = vector.broadcast %broadcast_in_dim3A_55 : f32 to vector<16xf32>
      %swap3A_57 = arith.constant 3296 : index
      %swap3A_58 = tpu.vector_load %arg5[%swap3A_57] {strides = array<i32>} : memref<3328xf32, #tpu.memory_space<vmem>>, vector<16xf32>,
      tpu.vector_store %arg5[%swap3A_57], %broadcast_in_dim3A_56 {strides = array<i32>} : memref<3328xf32, #tpu.memory_space<vmem>>, vector<16xf32>,
      %broadcast_in_dim3A_59 = arith.constant 1.000000e+30 : f32
      %broadcast_in_dim3A_60 = vector.broadcast %broadcast_in_dim3A_59 : f32 to vector<16xf32>
      %swap3A_61 = arith.constant 3312 : index
      %swap3A_62 = tpu.vector_load %arg5[%swap3A_61] {strides = array<i32>} : memref<3328xf32, #tpu.memory_space<vmem>>, vector<16xf32>,
      tpu.vector_store %arg5[%swap3A_61], %broadcast_in_dim3A_60 {strides = array<i32>} : memref<3328xf32, #tpu.memory_space<vmem>>, vector<16xf32>,
      %eq3A_63 = arith.constant 15 : i32
      %eq3A_64 = arith.cmpi eq, %arg1, %eq3A_63 : i32
      %convert_element_type3A_65 = arith.extui %eq3A_64 : i1 to i32
      %cond3A_66 = arith.constant 0 : i32
      %cond3A_67 = arith.cmpi ne, %convert_element_type3A_65, %cond3A_66 : i32
      scf.if %cond3A_67 {
        %broadcast_in_dim3A_103 = arith.constant 1.000000e+30 : f32
        %broadcast_in_dim3A_104 = vector.broadcast %broadcast_in_dim3A_103 : f32 to vector<16xf32>
        %swap3A_105 = arith.constant 2960 : index
        %swap3A_106 = tpu.vector_load %arg5[%swap3A_105] {strides = array<i32>} : memref<3328xf32, #tpu.memory_space<vmem>>, vector<16xf32>,
        tpu.vector_store %arg5[%swap3A_105], %broadcast_in_dim3A_104 {strides = array<i32>} : memref<3328xf32, #tpu.memory_space<vmem>>, vector<16xf32>,
        %broadcast_in_dim3A_107 = arith.constant 1.000000e+30 : f32
        %broadcast_in_dim3A_108 = vector.broadcast %broadcast_in_dim3A_107 : f32 to vector<16xf32>
        %swap3A_109 = arith.constant 2976 : index
        %swap3A_110 = tpu.vector_load %arg5[%swap3A_109] {strides = array<i32>} : memref<3328xf32, #tpu.memory_space<vmem>>, vector<16xf32>,
        tpu.vector_store %arg5[%swap3A_109], %broadcast_in_dim3A_108 {strides = array<i32>} : memref<3328xf32, #tpu.memory_space<vmem>>, vector<16xf32>,
        %broadcast_in_dim3A_111 = arith.constant 1.000000e+30 : f32
        %broadcast_in_dim3A_112 = vector.broadcast %broadcast_in_dim3A_111 : f32 to vector<16xf32>
        %swap3A_113 = arith.constant 2992 : index
        %swap3A_114 = tpu.vector_load %arg5[%swap3A_113] {strides = array<i32>} : memref<3328xf32, #tpu.memory_space<vmem>>, vector<16xf32>,
        tpu.vector_store %arg5[%swap3A_113], %broadcast_in_dim3A_112 {strides = array<i32>} : memref<3328xf32, #tpu.memory_space<vmem>>, vector<16xf32>,
        %broadcast_in_dim3A_115 = arith.constant 1.000000e+30 : f32
        %broadcast_in_dim3A_116 = vector.broadcast %broadcast_in_dim3A_115 : f32 to vector<16xf32>
        %swap3A_117 = arith.constant 3008 : index
        %swap3A_118 = tpu.vector_load %arg5[%swap3A_117] {strides = array<i32>} : memref<3328xf32, #tpu.memory_space<vmem>>, vector<16xf32>,
        tpu.vector_store %arg5[%swap3A_117], %broadcast_in_dim3A_116 {strides = array<i32>} : memref<3328xf32, #tpu.memory_space<vmem>>, vector<16xf32>,
        %broadcast_in_dim3A_119 = arith.constant 1.000000e+30 : f32
        %broadcast_in_dim3A_120 = vector.broadcast %broadcast_in_dim3A_119 : f32 to vector<16xf32>
        %swap3A_121 = arith.constant 3024 : index
        %swap3A_122 = tpu.vector_load %arg5[%swap3A_121] {strides = array<i32>} : memref<3328xf32, #tpu.memory_space<vmem>>, vector<16xf32>,
        tpu.vector_store %arg5[%swap3A_121], %broadcast_in_dim3A_120 {strides = array<i32>} : memref<3328xf32, #tpu.memory_space<vmem>>, vector<16xf32>,
        %broadcast_in_dim3A_123 = arith.constant 1.000000e+30 : f32
        %broadcast_in_dim3A_124 = vector.broadcast %broadcast_in_dim3A_123 : f32 to vector<16xf32>
        %swap3A_125 = arith.constant 3040 : index
        %swap3A_126 = tpu.vector_load %arg5[%swap3A_125] {strides = array<i32>} : memref<3328xf32, #tpu.memory_space<vmem>>, vector<16xf32>,
        tpu.vector_store %arg5[%swap3A_125], %broadcast_in_dim3A_124 {strides = array<i32>} : memref<3328xf32, #tpu.memory_space<vmem>>, vector<16xf32>,
        %broadcast_in_dim3A_127 = arith.constant 1.000000e+30 : f32
        %broadcast_in_dim3A_128 = vector.broadcast %broadcast_in_dim3A_127 : f32 to vector<16xf32>
        %swap3A_129 = arith.constant 3056 : index
        %swap3A_130 = tpu.vector_load %arg5[%swap3A_129] {strides = array<i32>} : memref<3328xf32, #tpu.memory_space<vmem>>, vector<16xf32>,
        tpu.vector_store %arg5[%swap3A_129], %broadcast_in_dim3A_128 {strides = array<i32>} : memref<3328xf32, #tpu.memory_space<vmem>>, vector<16xf32>,
        %broadcast_in_dim3A_131 = arith.constant 1.000000e+30 : f32
        %broadcast_in_dim3A_132 = vector.broadcast %broadcast_in_dim3A_131 : f32 to vector<16xf32>
        %swap3A_133 = arith.constant 3072 : index
        %swap3A_134 = tpu.vector_load %arg5[%swap3A_133] {strides = array<i32>} : memref<3328xf32, #tpu.memory_space<vmem>>, vector<16xf32>,
        tpu.vector_store %arg5[%swap3A_133], %broadcast_in_dim3A_132 {strides = array<i32>} : memref<3328xf32, #tpu.memory_space<vmem>>, vector<16xf32>,
        %broadcast_in_dim3A_135 = arith.constant 1.000000e+30 : f32
        %broadcast_in_dim3A_136 = vector.broadcast %broadcast_in_dim3A_135 : f32 to vector<16xf32>
        %swap3A_137 = arith.constant 3088 : index
        %swap3A_138 = tpu.vector_load %arg5[%swap3A_137] {strides = array<i32>} : memref<3328xf32, #tpu.memory_space<vmem>>, vector<16xf32>,
        tpu.vector_store %arg5[%swap3A_137], %broadcast_in_dim3A_136 {strides = array<i32>} : memref<3328xf32, #tpu.memory_space<vmem>>, vector<16xf32>,
        %broadcast_in_dim3A_139 = arith.constant 1.000000e+30 : f32
        %broadcast_in_dim3A_140 = vector.broadcast %broadcast_in_dim3A_139 : f32 to vector<16xf32>
        %swap3A_141 = arith.constant 3104 : index
        %swap3A_142 = tpu.vector_load %arg5[%swap3A_141] {strides = array<i32>} : memref<3328xf32, #tpu.memory_space<vmem>>, vector<16xf32>,
        tpu.vector_store %arg5[%swap3A_141], %broadcast_in_dim3A_140 {strides = array<i32>} : memref<3328xf32, #tpu.memory_space<vmem>>, vector<16xf32>,
        %broadcast_in_dim3A_143 = arith.constant 1.000000e+30 : f32
        %broadcast_in_dim3A_144 = vector.broadcast %broadcast_in_dim3A_143 : f32 to vector<16xf32>
        %swap3A_145 = arith.constant 3120 : index
        %swap3A_146 = tpu.vector_load %arg5[%swap3A_145] {strides = array<i32>} : memref<3328xf32, #tpu.memory_space<vmem>>, vector<16xf32>,
        tpu.vector_store %arg5[%swap3A_145], %broadcast_in_dim3A_144 {strides = array<i32>} : memref<3328xf32, #tpu.memory_space<vmem>>, vector<16xf32>,
      } else {
      }
      %iota3A = tpu.iota {dimensions = array<i32: 0>} : vector<16xi32>
      %eq3A_68 = arith.constant 0 : i32
      %eq3A_69 = vector.broadcast %eq3A_68 : i32 to vector<16xi32>
      %eq3A_70 = arith.cmpi eq, %iota3A, %eq3A_69 : vector<16xi32>
      %iota3A_71 = tpu.iota {dimensions = array<i32: 0>} : vector<16xi32>
      %eq3A_72 = arith.constant 0 : i32
      %eq3A_73 = vector.broadcast %eq3A_72 : i32 to vector<16xi32>
      %eq3A_74 = arith.cmpi eq, %iota3A_71, %eq3A_73 : vector<16xi32>
      %broadcast_in_dim3A_75 = arith.constant 1.000000e+30 : f32
      %broadcast_in_dim3A_76 = vector.broadcast %broadcast_in_dim3A_75 : f32 to vector<16xf32>
      %broadcast_in_dim3A_77 = arith.constant 0 : i32
      %broadcast_in_dim3A_78 = vector.broadcast %broadcast_in_dim3A_77 : i32 to vector<16xi32>
      %scan3A = arith.constant 0 : i32
      %scan3A_79 = arith.constant 49 : i32
      %scan3A_80 = arith.addi %scan3A, %scan3A_79 : i32
      %scan3A_81 = arith.constant 1 : i32
      %scan3A_82:2 = scf.for %scan3A_103 = %scan3A to %scan3A_80 step %scan3A_81 iter_args(%scan3A_104 = %broadcast_in_dim3A_76, %scan3A_105 = %broadcast_in_dim3A_78) -> (vector<16xf32>, vector<16xi32>)  : i32 {
        %mul3A_106 = arith.constant 4 : i32
        %mul3A_107 = arith.muli %scan3A_103, %mul3A_106 : i32
        %add3A = arith.constant 0 : i32
        %add3A_108 = arith.addi %mul3A_107, %add3A : i32
        %mul3A_109 = arith.constant 16 : i32
        %mul3A_110 = arith.muli %add3A_108, %mul3A_109 : i32
        %get3A = arith.index_cast %mul3A_110 : i32 to index
        %get3A_111 = tpu.vector_load %arg5[%get3A] {strides = array<i32>} : memref<3328xf32, #tpu.memory_space<vmem>>, vector<16xf32>,
        %lt3A_112 = arith.cmpf olt, %get3A_111, %scan3A_104 : vector<16xf32>
        %select_n3A = arith.select %lt3A_112, %get3A_111, %scan3A_104 : vector<16xi1>, vector<16xf32>
        %broadcast_in_dim3A_113 = vector.broadcast %add3A_108 : i32 to vector<16xi32>
        %select_n3A_114 = arith.select %lt3A_112, %broadcast_in_dim3A_113, %scan3A_105 : vector<16xi1>, vector<16xi32>
        %mul3A_115 = arith.constant 4 : i32
        %mul3A_116 = arith.muli %scan3A_103, %mul3A_115 : i32
        %add3A_117 = arith.constant 1 : i32
        %add3A_118 = arith.addi %mul3A_116, %add3A_117 : i32
        %mul3A_119 = arith.constant 16 : i32
        %mul3A_120 = arith.muli %add3A_118, %mul3A_119 : i32
        %get3A_121 = arith.index_cast %mul3A_120 : i32 to index
        %get3A_122 = tpu.vector_load %arg5[%get3A_121] {strides = array<i32>} : memref<3328xf32, #tpu.memory_space<vmem>>, vector<16xf32>,
        %lt3A_123 = arith.cmpf olt, %get3A_122, %select_n3A : vector<16xf32>
        %select_n3A_124 = arith.select %lt3A_123, %get3A_122, %select_n3A : vector<16xi1>, vector<16xf32>
        %broadcast_in_dim3A_125 = vector.broadcast %add3A_118 : i32 to vector<16xi32>
        %select_n3A_126 = arith.select %lt3A_123, %broadcast_in_dim3A_125, %select_n3A_114 : vector<16xi1>, vector<16xi32>
        %mul3A_127 = arith.constant 4 : i32
        %mul3A_128 = arith.muli %scan3A_103, %mul3A_127 : i32
        %add3A_129 = arith.constant 2 : i32
        %add3A_130 = arith.addi %mul3A_128, %add3A_129 : i32
        %mul3A_131 = arith.constant 16 : i32
        %mul3A_132 = arith.muli %add3A_130, %mul3A_131 : i32
        %get3A_133 = arith.index_cast %mul3A_132 : i32 to index
        %get3A_134 = tpu.vector_load %arg5[%get3A_133] {strides = array<i32>} : memref<3328xf32, #tpu.memory_space<vmem>>, vector<16xf32>,
        %lt3A_135 = arith.cmpf olt, %get3A_134, %select_n3A_124 : vector<16xf32>
        %select_n3A_136 = arith.select %lt3A_135, %get3A_134, %select_n3A_124 : vector<16xi1>, vector<16xf32>
        %broadcast_in_dim3A_137 = vector.broadcast %add3A_130 : i32 to vector<16xi32>
        %select_n3A_138 = arith.select %lt3A_135, %broadcast_in_dim3A_137, %select_n3A_126 : vector<16xi1>, vector<16xi32>
        %mul3A_139 = arith.constant 4 : i32
        %mul3A_140 = arith.muli %scan3A_103, %mul3A_139 : i32
        %add3A_141 = arith.constant 3 : i32
        %add3A_142 = arith.addi %mul3A_140, %add3A_141 : i32
        %mul3A_143 = arith.constant 16 : i32
        %mul3A_144 = arith.muli %add3A_142, %mul3A_143 : i32
        %get3A_145 = arith.index_cast %mul3A_144 : i32 to index
        %get3A_146 = tpu.vector_load %arg5[%get3A_145] {strides = array<i32>} : memref<3328xf32, #tpu.memory_space<vmem>>, vector<16xf32>,
        %lt3A_147 = arith.cmpf olt, %get3A_146, %select_n3A_136 : vector<16xf32>
        %select_n3A_148 = arith.select %lt3A_147, %get3A_146, %select_n3A_136 : vector<16xi1>, vector<16xf32>
        %broadcast_in_dim3A_149 = vector.broadcast %add3A_142 : i32 to vector<16xi32>
        %select_n3A_150 = arith.select %lt3A_147, %broadcast_in_dim3A_149, %select_n3A_138 : vector<16xi1>, vector<16xi32>
        scf.yield %select_n3A_148, %select_n3A_150 : vector<16xf32>, vector<16xi32>
      }
      %scan3A_83 = arith.constant 49 : i32
      %scan3A_84 = arith.constant 0 : i32
      %scan3A_85 = arith.constant 64 : i32
      %scan3A_86 = arith.addi %scan3A_84, %scan3A_85 : i32
      %scan3A_87 = arith.constant 1 : i32
      %scan3A_88:2 = scf.for %scan3A_103 = %scan3A_84 to %scan3A_86 step %scan3A_87 iter_args(%scan3A_104 = %scan3A_82#0, %scan3A_105 = %scan3A_82#1) -> (vector<16xf32>, vector<16xi32>)  : i32 {
        %reduce_min3A = arith.constant true
        %reduce_min3A_106 = vector.broadcast %reduce_min3A : i1 to vector<16xi1>
        %reduce_min3A_107 = tpu.scan <min>, %scan3A_104 masked %reduce_min3A_106 : vector<16xf32>, vector<16xi1> -> vector<16xf32>
        %reduce_min3A_108 = vector.extract %reduce_min3A_107[15] : f32 from vector<16xf32>
        %eq3A_109 = vector.broadcast %reduce_min3A_108 : f32 to vector<16xf32>
        %eq3A_110 = arith.cmpf oeq, %scan3A_104, %eq3A_109 : vector<16xf32>
        %mul3A_111 = arith.constant 16 : i32
        %mul3A_112 = vector.broadcast %mul3A_111 : i32 to vector<16xi32>
        %mul3A_113 = arith.muli %scan3A_105, %mul3A_112 : vector<16xi32>
        %add3A = arith.addi %mul3A_113, %iota3A_71 : vector<16xi32>
        %jit3A = arith.constant 1073741824 : i32
        %broadcast_in_dim3A_114 = vector.broadcast %jit3A : i32 to vector<16xi32>
        %select_n3A = arith.select %eq3A_110, %add3A, %broadcast_in_dim3A_114 : vector<16xi1>, vector<16xi32>
        %reduce_min3A_115 = arith.constant true
        %reduce_min3A_116 = vector.broadcast %reduce_min3A_115 : i1 to vector<16xi1>
        %reduce_min3A_117 = arith.constant -2147483648 : i32
        %reduce_min3A_118 = vector.broadcast %reduce_min3A_117 : i32 to vector<16xi32>
        %reduce_min3A_119 = arith.xori %select_n3A, %reduce_min3A_118 : vector<16xi32>
        %reduce_min3A_120 = tpu.scan <min>, %reduce_min3A_119 masked %reduce_min3A_116 : vector<16xi32>, vector<16xi1> -> vector<16xi32>
        %reduce_min3A_121 = arith.xori %reduce_min3A_120, %reduce_min3A_118 : vector<16xi32>
        %reduce_min3A_122 = vector.extract %reduce_min3A_121[15] : i32 from vector<16xi32>
        %broadcast_in_dim3A_123 = vector.broadcast %scan3A_103 : i32 to vector<16xi32>
        %broadcast_in_dim3A_124 = vector.broadcast %reduce_min3A_108 : f32 to vector<16xf32>
        tpu.vector_store_idx %arg6[%broadcast_in_dim3A_123], %broadcast_in_dim3A_124 masked %eq3A_70 : memref<64xf32, #tpu.memory_space<vmem>>[vector<16xi32>], vector<16xf32>, vector<16xi1>
        %add3A_125 = arith.addi %mul3A_16, %reduce_min3A_122 : i32
        %broadcast_in_dim3A_126 = vector.broadcast %add3A_125 : i32 to vector<16xi32>
        tpu.vector_store_idx %arg7[%broadcast_in_dim3A_123], %broadcast_in_dim3A_126 masked %eq3A_70 : memref<64xi32, #tpu.memory_space<vmem>>[vector<16xi32>], vector<16xi32>, vector<16xi1>
        %broadcast_in_dim3A_127 = vector.broadcast %reduce_min3A_122 : i32 to vector<16xi32>
        %broadcast_in_dim3A_128 = arith.constant 1.000000e+30 : f32
        %broadcast_in_dim3A_129 = vector.broadcast %broadcast_in_dim3A_128 : f32 to vector<16xf32>
        tpu.vector_store_idx %arg5[%broadcast_in_dim3A_127], %broadcast_in_dim3A_129 masked %eq3A_74 : memref<3328xf32, #tpu.memory_space<vmem>>[vector<16xi32>], vector<16xf32>, vector<16xi1>
        %and3A = arith.constant 15 : i32
        %and3A_130 = arith.andi %reduce_min3A_122, %and3A : i32
        %broadcast_in_dim3A_131 = arith.constant 1.000000e+30 : f32
        %broadcast_in_dim3A_132 = vector.broadcast %broadcast_in_dim3A_131 : f32 to vector<16xf32>
        %broadcast_in_dim3A_133 = arith.constant 0 : i32
        %broadcast_in_dim3A_134 = vector.broadcast %broadcast_in_dim3A_133 : i32 to vector<16xi32>
        %add3A_135 = arith.constant 0 : i32
        %add3A_136 = vector.broadcast %add3A_135 : i32 to vector<16xi32>
        %add3A_137 = arith.addi %add3A_136, %iota3A_71 : vector<16xi32>
        %mul3A_138 = arith.constant 16 : i32
        %mul3A_139 = vector.broadcast %mul3A_138 : i32 to vector<16xi32>
        %mul3A_140 = arith.muli %add3A_137, %mul3A_139 : vector<16xi32>
        %add3A_141 = vector.broadcast %and3A_130 : i32 to vector<16xi32>
        %add3A_142 = arith.addi %mul3A_140, %add3A_141 : vector<16xi32>
        %gather3A = tpu.vector_load_idx %arg5[%add3A_142] : memref<3328xf32, #tpu.memory_space<vmem>>[vector<16xi32>], vector<16xf32>,
        %lt3A_143 = arith.cmpf olt, %gather3A, %broadcast_in_dim3A_132 : vector<16xf32>
        %select_n3A_144 = arith.select %lt3A_143, %gather3A, %broadcast_in_dim3A_132 : vector<16xi1>, vector<16xf32>
        %select_n3A_145 = arith.select %lt3A_143, %add3A_137, %broadcast_in_dim3A_134 : vector<16xi1>, vector<16xi32>
        %add3A_146 = arith.constant 16 : i32
        %add3A_147 = vector.broadcast %add3A_146 : i32 to vector<16xi32>
        %add3A_148 = arith.addi %add3A_147, %iota3A_71 : vector<16xi32>
        %mul3A_149 = arith.constant 16 : i32
        %mul3A_150 = vector.broadcast %mul3A_149 : i32 to vector<16xi32>
        %mul3A_151 = arith.muli %add3A_148, %mul3A_150 : vector<16xi32>
        %add3A_152 = vector.broadcast %and3A_130 : i32 to vector<16xi32>
        %add3A_153 = arith.addi %mul3A_151, %add3A_152 : vector<16xi32>
        %gather3A_154 = tpu.vector_load_idx %arg5[%add3A_153] : memref<3328xf32, #tpu.memory_space<vmem>>[vector<16xi32>], vector<16xf32>,
        %lt3A_155 = arith.cmpf olt, %gather3A_154, %select_n3A_144 : vector<16xf32>
        %select_n3A_156 = arith.select %lt3A_155, %gather3A_154, %select_n3A_144 : vector<16xi1>, vector<16xf32>
        %select_n3A_157 = arith.select %lt3A_155, %add3A_148, %select_n3A_145 : vector<16xi1>, vector<16xi32>
        %add3A_158 = arith.constant 32 : i32
        %add3A_159 = vector.broadcast %add3A_158 : i32 to vector<16xi32>
        %add3A_160 = arith.addi %add3A_159, %iota3A_71 : vector<16xi32>
        %mul3A_161 = arith.constant 16 : i32
        %mul3A_162 = vector.broadcast %mul3A_161 : i32 to vector<16xi32>
        %mul3A_163 = arith.muli %add3A_160, %mul3A_162 : vector<16xi32>
        %add3A_164 = vector.broadcast %and3A_130 : i32 to vector<16xi32>
        %add3A_165 = arith.addi %mul3A_163, %add3A_164 : vector<16xi32>
        %gather3A_166 = tpu.vector_load_idx %arg5[%add3A_165] : memref<3328xf32, #tpu.memory_space<vmem>>[vector<16xi32>], vector<16xf32>,
        %lt3A_167 = arith.cmpf olt, %gather3A_166, %select_n3A_156 : vector<16xf32>
        %select_n3A_168 = arith.select %lt3A_167, %gather3A_166, %select_n3A_156 : vector<16xi1>, vector<16xf32>
        %select_n3A_169 = arith.select %lt3A_167, %add3A_160, %select_n3A_157 : vector<16xi1>, vector<16xi32>
        %add3A_170 = arith.constant 48 : i32
        %add3A_171 = vector.broadcast %add3A_170 : i32 to vector<16xi32>
        %add3A_172 = arith.addi %add3A_171, %iota3A_71 : vector<16xi32>
        %mul3A_173 = arith.constant 16 : i32
        %mul3A_174 = vector.broadcast %mul3A_173 : i32 to vector<16xi32>
        %mul3A_175 = arith.muli %add3A_172, %mul3A_174 : vector<16xi32>
        %add3A_176 = vector.broadcast %and3A_130 : i32 to vector<16xi32>
        %add3A_177 = arith.addi %mul3A_175, %add3A_176 : vector<16xi32>
        %gather3A_178 = tpu.vector_load_idx %arg5[%add3A_177] : memref<3328xf32, #tpu.memory_space<vmem>>[vector<16xi32>], vector<16xf32>,
        %lt3A_179 = arith.cmpf olt, %gather3A_178, %select_n3A_168 : vector<16xf32>
        %select_n3A_180 = arith.select %lt3A_179, %gather3A_178, %select_n3A_168 : vector<16xi1>, vector<16xf32>
        %select_n3A_181 = arith.select %lt3A_179, %add3A_172, %select_n3A_169 : vector<16xi1>, vector<16xi32>
        %add3A_182 = arith.constant 64 : i32
        %add3A_183 = vector.broadcast %add3A_182 : i32 to vector<16xi32>
        %add3A_184 = arith.addi %add3A_183, %iota3A_71 : vector<16xi32>
        %mul3A_185 = arith.constant 16 : i32
        %mul3A_186 = vector.broadcast %mul3A_185 : i32 to vector<16xi32>
        %mul3A_187 = arith.muli %add3A_184, %mul3A_186 : vector<16xi32>
        %add3A_188 = vector.broadcast %and3A_130 : i32 to vector<16xi32>
        %add3A_189 = arith.addi %mul3A_187, %add3A_188 : vector<16xi32>
        %gather3A_190 = tpu.vector_load_idx %arg5[%add3A_189] : memref<3328xf32, #tpu.memory_space<vmem>>[vector<16xi32>], vector<16xf32>,
        %lt3A_191 = arith.cmpf olt, %gather3A_190, %select_n3A_180 : vector<16xf32>
        %select_n3A_192 = arith.select %lt3A_191, %gather3A_190, %select_n3A_180 : vector<16xi1>, vector<16xf32>
        %select_n3A_193 = arith.select %lt3A_191, %add3A_184, %select_n3A_181 : vector<16xi1>, vector<16xi32>
        %add3A_194 = arith.constant 80 : i32
        %add3A_195 = vector.broadcast %add3A_194 : i32 to vector<16xi32>
        %add3A_196 = arith.addi %add3A_195, %iota3A_71 : vector<16xi32>
        %mul3A_197 = arith.constant 16 : i32
        %mul3A_198 = vector.broadcast %mul3A_197 : i32 to vector<16xi32>
        %mul3A_199 = arith.muli %add3A_196, %mul3A_198 : vector<16xi32>
        %add3A_200 = vector.broadcast %and3A_130 : i32 to vector<16xi32>
        %add3A_201 = arith.addi %mul3A_199, %add3A_200 : vector<16xi32>
        %gather3A_202 = tpu.vector_load_idx %arg5[%add3A_201] : memref<3328xf32, #tpu.memory_space<vmem>>[vector<16xi32>], vector<16xf32>,
        %lt3A_203 = arith.cmpf olt, %gather3A_202, %select_n3A_192 : vector<16xf32>
        %select_n3A_204 = arith.select %lt3A_203, %gather3A_202, %select_n3A_192 : vector<16xi1>, vector<16xf32>
        %select_n3A_205 = arith.select %lt3A_203, %add3A_196, %select_n3A_193 : vector<16xi1>, vector<16xi32>
        %add3A_206 = arith.constant 96 : i32
        %add3A_207 = vector.broadcast %add3A_206 : i32 to vector<16xi32>
        %add3A_208 = arith.addi %add3A_207, %iota3A_71 : vector<16xi32>
        %mul3A_209 = arith.constant 16 : i32
        %mul3A_210 = vector.broadcast %mul3A_209 : i32 to vector<16xi32>
        %mul3A_211 = arith.muli %add3A_208, %mul3A_210 : vector<16xi32>
        %add3A_212 = vector.broadcast %and3A_130 : i32 to vector<16xi32>
        %add3A_213 = arith.addi %mul3A_211, %add3A_212 : vector<16xi32>
        %gather3A_214 = tpu.vector_load_idx %arg5[%add3A_213] : memref<3328xf32, #tpu.memory_space<vmem>>[vector<16xi32>], vector<16xf32>,
        %lt3A_215 = arith.cmpf olt, %gather3A_214, %select_n3A_204 : vector<16xf32>
        %select_n3A_216 = arith.select %lt3A_215, %gather3A_214, %select_n3A_204 : vector<16xi1>, vector<16xf32>
        %select_n3A_217 = arith.select %lt3A_215, %add3A_208, %select_n3A_205 : vector<16xi1>, vector<16xi32>
        %add3A_218 = arith.constant 112 : i32
        %add3A_219 = vector.broadcast %add3A_218 : i32 to vector<16xi32>
        %add3A_220 = arith.addi %add3A_219, %iota3A_71 : vector<16xi32>
        %mul3A_221 = arith.constant 16 : i32
        %mul3A_222 = vector.broadcast %mul3A_221 : i32 to vector<16xi32>
        %mul3A_223 = arith.muli %add3A_220, %mul3A_222 : vector<16xi32>
        %add3A_224 = vector.broadcast %and3A_130 : i32 to vector<16xi32>
        %add3A_225 = arith.addi %mul3A_223, %add3A_224 : vector<16xi32>
        %gather3A_226 = tpu.vector_load_idx %arg5[%add3A_225] : memref<3328xf32, #tpu.memory_space<vmem>>[vector<16xi32>], vector<16xf32>,
        %lt3A_227 = arith.cmpf olt, %gather3A_226, %select_n3A_216 : vector<16xf32>
        %select_n3A_228 = arith.select %lt3A_227, %gather3A_226, %select_n3A_216 : vector<16xi1>, vector<16xf32>
        %select_n3A_229 = arith.select %lt3A_227, %add3A_220, %select_n3A_217 : vector<16xi1>, vector<16xi32>
        %add3A_230 = arith.constant 128 : i32
        %add3A_231 = vector.broadcast %add3A_230 : i32 to vector<16xi32>
        %add3A_232 = arith.addi %add3A_231, %iota3A_71 : vector<16xi32>
        %mul3A_233 = arith.constant 16 : i32
        %mul3A_234 = vector.broadcast %mul3A_233 : i32 to vector<16xi32>
        %mul3A_235 = arith.muli %add3A_232, %mul3A_234 : vector<16xi32>
        %add3A_236 = vector.broadcast %and3A_130 : i32 to vector<16xi32>
        %add3A_237 = arith.addi %mul3A_235, %add3A_236 : vector<16xi32>
        %gather3A_238 = tpu.vector_load_idx %arg5[%add3A_237] : memref<3328xf32, #tpu.memory_space<vmem>>[vector<16xi32>], vector<16xf32>,
        %lt3A_239 = arith.cmpf olt, %gather3A_238, %select_n3A_228 : vector<16xf32>
        %select_n3A_240 = arith.select %lt3A_239, %gather3A_238, %select_n3A_228 : vector<16xi1>, vector<16xf32>
        %select_n3A_241 = arith.select %lt3A_239, %add3A_232, %select_n3A_229 : vector<16xi1>, vector<16xi32>
        %add3A_242 = arith.constant 144 : i32
        %add3A_243 = vector.broadcast %add3A_242 : i32 to vector<16xi32>
        %add3A_244 = arith.addi %add3A_243, %iota3A_71 : vector<16xi32>
        %mul3A_245 = arith.constant 16 : i32
        %mul3A_246 = vector.broadcast %mul3A_245 : i32 to vector<16xi32>
        %mul3A_247 = arith.muli %add3A_244, %mul3A_246 : vector<16xi32>
        %add3A_248 = vector.broadcast %and3A_130 : i32 to vector<16xi32>
        %add3A_249 = arith.addi %mul3A_247, %add3A_248 : vector<16xi32>
        %gather3A_250 = tpu.vector_load_idx %arg5[%add3A_249] : memref<3328xf32, #tpu.memory_space<vmem>>[vector<16xi32>], vector<16xf32>,
        %lt3A_251 = arith.cmpf olt, %gather3A_250, %select_n3A_240 : vector<16xf32>
        %select_n3A_252 = arith.select %lt3A_251, %gather3A_250, %select_n3A_240 : vector<16xi1>, vector<16xf32>
        %select_n3A_253 = arith.select %lt3A_251, %add3A_244, %select_n3A_241 : vector<16xi1>, vector<16xi32>
        %add3A_254 = arith.constant 160 : i32
        %add3A_255 = vector.broadcast %add3A_254 : i32 to vector<16xi32>
        %add3A_256 = arith.addi %add3A_255, %iota3A_71 : vector<16xi32>
        %mul3A_257 = arith.constant 16 : i32
        %mul3A_258 = vector.broadcast %mul3A_257 : i32 to vector<16xi32>
        %mul3A_259 = arith.muli %add3A_256, %mul3A_258 : vector<16xi32>
        %add3A_260 = vector.broadcast %and3A_130 : i32 to vector<16xi32>
        %add3A_261 = arith.addi %mul3A_259, %add3A_260 : vector<16xi32>
        %gather3A_262 = tpu.vector_load_idx %arg5[%add3A_261] : memref<3328xf32, #tpu.memory_space<vmem>>[vector<16xi32>], vector<16xf32>,
        %lt3A_263 = arith.cmpf olt, %gather3A_262, %select_n3A_252 : vector<16xf32>
        %select_n3A_264 = arith.select %lt3A_263, %gather3A_262, %select_n3A_252 : vector<16xi1>, vector<16xf32>
        %select_n3A_265 = arith.select %lt3A_263, %add3A_256, %select_n3A_253 : vector<16xi1>, vector<16xi32>
        %add3A_266 = arith.constant 176 : i32
        %add3A_267 = vector.broadcast %add3A_266 : i32 to vector<16xi32>
        %add3A_268 = arith.addi %add3A_267, %iota3A_71 : vector<16xi32>
        %mul3A_269 = arith.constant 16 : i32
        %mul3A_270 = vector.broadcast %mul3A_269 : i32 to vector<16xi32>
        %mul3A_271 = arith.muli %add3A_268, %mul3A_270 : vector<16xi32>
        %add3A_272 = vector.broadcast %and3A_130 : i32 to vector<16xi32>
        %add3A_273 = arith.addi %mul3A_271, %add3A_272 : vector<16xi32>
        %gather3A_274 = tpu.vector_load_idx %arg5[%add3A_273] : memref<3328xf32, #tpu.memory_space<vmem>>[vector<16xi32>], vector<16xf32>,
        %lt3A_275 = arith.cmpf olt, %gather3A_274, %select_n3A_264 : vector<16xf32>
        %select_n3A_276 = arith.select %lt3A_275, %gather3A_274, %select_n3A_264 : vector<16xi1>, vector<16xf32>
        %select_n3A_277 = arith.select %lt3A_275, %add3A_268, %select_n3A_265 : vector<16xi1>, vector<16xi32>
        %add3A_278 = arith.constant 192 : i32
        %add3A_279 = vector.broadcast %add3A_278 : i32 to vector<16xi32>
        %add3A_280 = arith.addi %add3A_279, %iota3A_71 : vector<16xi32>
        %mul3A_281 = arith.constant 16 : i32
        %mul3A_282 = vector.broadcast %mul3A_281 : i32 to vector<16xi32>
        %mul3A_283 = arith.muli %add3A_280, %mul3A_282 : vector<16xi32>
        %add3A_284 = vector.broadcast %and3A_130 : i32 to vector<16xi32>
        %add3A_285 = arith.addi %mul3A_283, %add3A_284 : vector<16xi32>
        %gather3A_286 = tpu.vector_load_idx %arg5[%add3A_285] : memref<3328xf32, #tpu.memory_space<vmem>>[vector<16xi32>], vector<16xf32>,
        %lt3A_287 = arith.cmpf olt, %gather3A_286, %select_n3A_276 : vector<16xf32>
        %select_n3A_288 = arith.select %lt3A_287, %gather3A_286, %select_n3A_276 : vector<16xi1>, vector<16xf32>
        %select_n3A_289 = arith.select %lt3A_287, %add3A_280, %select_n3A_277 : vector<16xi1>, vector<16xi32>
        %reduce_min3A_290 = arith.constant true
        %reduce_min3A_291 = vector.broadcast %reduce_min3A_290 : i1 to vector<16xi1>
        %reduce_min3A_292 = tpu.scan <min>, %select_n3A_288 masked %reduce_min3A_291 : vector<16xf32>, vector<16xi1> -> vector<16xf32>
        %reduce_min3A_293 = vector.extract %reduce_min3A_292[15] : f32 from vector<16xf32>
        %eq3A_294 = vector.broadcast %reduce_min3A_293 : f32 to vector<16xf32>
        %eq3A_295 = arith.cmpf oeq, %select_n3A_288, %eq3A_294 : vector<16xf32>
        %jit3A_296 = arith.constant 1073741824 : i32
        %broadcast_in_dim3A_297 = vector.broadcast %jit3A_296 : i32 to vector<16xi32>
        %select_n3A_298 = arith.select %eq3A_295, %select_n3A_289, %broadcast_in_dim3A_297 : vector<16xi1>, vector<16xi32>
        %reduce_min3A_299 = arith.constant true
        %reduce_min3A_300 = vector.broadcast %reduce_min3A_299 : i1 to vector<16xi1>
        %reduce_min3A_301 = arith.constant -2147483648 : i32
        %reduce_min3A_302 = vector.broadcast %reduce_min3A_301 : i32 to vector<16xi32>
        %reduce_min3A_303 = arith.xori %select_n3A_298, %reduce_min3A_302 : vector<16xi32>
        %reduce_min3A_304 = tpu.scan <min>, %reduce_min3A_303 masked %reduce_min3A_300 : vector<16xi32>, vector<16xi1> -> vector<16xi32>
        %reduce_min3A_305 = arith.xori %reduce_min3A_304, %reduce_min3A_302 : vector<16xi32>
        %reduce_min3A_306 = vector.extract %reduce_min3A_305[15] : i32 from vector<16xi32>
        %eq3A_307 = vector.broadcast %and3A_130 : i32 to vector<16xi32>
        %eq3A_308 = arith.cmpi eq, %iota3A_71, %eq3A_307 : vector<16xi32>
        %broadcast_in_dim3A_309 = vector.broadcast %reduce_min3A_293 : f32 to vector<16xf32>
        %select_n3A_310 = arith.select %eq3A_308, %broadcast_in_dim3A_309, %scan3A_104 : vector<16xi1>, vector<16xf32>
        %eq3A_311 = vector.broadcast %and3A_130 : i32 to vector<16xi32>
        %eq3A_312 = arith.cmpi eq, %iota3A_71, %eq3A_311 : vector<16xi32>
        %broadcast_in_dim3A_313 = vector.broadcast %reduce_min3A_306 : i32 to vector<16xi32>
        %select_n3A_314 = arith.select %eq3A_312, %broadcast_in_dim3A_313, %scan3A_105 : vector<16xi1>, vector<16xi32>
        scf.yield %select_n3A_310, %select_n3A_314 : vector<16xf32>, vector<16xi32>
      }
      %scan3A_89 = arith.constant 64 : i32
      %mul3A_90 = arith.constant 64 : i32
      %mul3A_91 = arith.muli %arg1, %mul3A_90 : i32
      "tpu.region"() ({
        %run_scoped3A = tpu.sem_alloc : memref<!tpu.dma_semaphore, #tpu.memory_space<semaphore_mem>>
        %dma_start3A = tpu.memref_slice %arg14[%mul3A_91] : memref<1024xf32, #tpu.memory_space<vmem_shared>> -> memref<64xf32, #tpu.memory_space<vmem_shared>>
        %dma_start3A_103 = tpu.memref_slice %arg14[%mul3A_91] : memref<1024xf32, #tpu.memory_space<vmem_shared>> -> memref<64xf32, #tpu.memory_space<vmem_shared>>
        tpu.enqueue_dma source(%arg6 : memref<64xf32, #tpu.memory_space<vmem>>) target(%dma_start3A_103 : memref<64xf32, #tpu.memory_space<vmem_shared>>) target_semaphore(%run_scoped3A : memref<!tpu.dma_semaphore, #tpu.memory_space<semaphore_mem>>)
        %dma_wait3A = tpu.memref_slice %arg14[%mul3A_91] : memref<1024xf32, #tpu.memory_space<vmem_shared>> -> memref<64xf32, #tpu.memory_space<vmem_shared>>
        %dma_wait3A_104 = tpu.memref_slice %arg14[%mul3A_91] : memref<1024xf32, #tpu.memory_space<vmem_shared>> -> memref<64xf32, #tpu.memory_space<vmem_shared>>
        tpu.wait_dma2 semaphore(%run_scoped3A : memref<!tpu.dma_semaphore, #tpu.memory_space<semaphore_mem>>) src(%arg6 : memref<64xf32, #tpu.memory_space<vmem>>) dst(%dma_wait3A_104 : memref<64xf32, #tpu.memory_space<vmem_shared>>)
        tpu.yield
      }) : () -> ()
      "tpu.region"() ({
        %run_scoped3A = tpu.sem_alloc : memref<!tpu.dma_semaphore, #tpu.memory_space<semaphore_mem>>
        %dma_start3A = tpu.memref_slice %arg15[%mul3A_91] : memref<1024xi32, #tpu.memory_space<vmem_shared>> -> memref<64xi32, #tpu.memory_space<vmem_shared>>
        %dma_start3A_103 = tpu.memref_slice %arg15[%mul3A_91] : memref<1024xi32, #tpu.memory_space<vmem_shared>> -> memref<64xi32, #tpu.memory_space<vmem_shared>>
        tpu.enqueue_dma source(%arg7 : memref<64xi32, #tpu.memory_space<vmem>>) target(%dma_start3A_103 : memref<64xi32, #tpu.memory_space<vmem_shared>>) target_semaphore(%run_scoped3A : memref<!tpu.dma_semaphore, #tpu.memory_space<semaphore_mem>>)
        %dma_wait3A = tpu.memref_slice %arg15[%mul3A_91] : memref<1024xi32, #tpu.memory_space<vmem_shared>> -> memref<64xi32, #tpu.memory_space<vmem_shared>>
        %dma_wait3A_104 = tpu.memref_slice %arg15[%mul3A_91] : memref<1024xi32, #tpu.memory_space<vmem_shared>> -> memref<64xi32, #tpu.memory_space<vmem_shared>>
        tpu.wait_dma2 semaphore(%run_scoped3A : memref<!tpu.dma_semaphore, #tpu.memory_space<semaphore_mem>>) src(%arg7 : memref<64xi32, #tpu.memory_space<vmem>>) dst(%dma_wait3A_104 : memref<64xi32, #tpu.memory_space<vmem_shared>>)
        tpu.yield
      }) : () -> ()
      %barrier3A = arith.constant 0 : index
      tpu.barrier barrier_id(%barrier3A)
      %eq3A_92 = arith.constant 0 : i32
      %eq3A_93 = arith.cmpi eq, %arg1, %eq3A_92 : i32
      %convert_element_type3A_94 = arith.extui %eq3A_93 : i1 to i32
      %cond3A_95 = arith.constant 0 : i32
      %cond3A_96 = arith.cmpi ne, %convert_element_type3A_94, %cond3A_95 : i32
      scf.if %cond3A_96 {
        "tpu.region"() ({
          %run_scoped3A = tpu.sem_alloc : memref<!tpu.dma_semaphore, #tpu.memory_space<semaphore_mem>>
          tpu.enqueue_dma source(%arg14 : memref<1024xf32, #tpu.memory_space<vmem_shared>>) target(%arg8 : memref<1024xf32, #tpu.memory_space<vmem>>) target_semaphore(%run_scoped3A : memref<!tpu.dma_semaphore, #tpu.memory_space<semaphore_mem>>)
          tpu.wait_dma2 semaphore(%run_scoped3A : memref<!tpu.dma_semaphore, #tpu.memory_space<semaphore_mem>>) src(%arg14 : memref<1024xf32, #tpu.memory_space<vmem_shared>>) dst(%arg8 : memref<1024xf32, #tpu.memory_space<vmem>>)
          tpu.yield
        }) : () -> ()
        "tpu.region"() ({
          %run_scoped3A = tpu.sem_alloc : memref<!tpu.dma_semaphore, #tpu.memory_space<semaphore_mem>>
          tpu.enqueue_dma source(%arg15 : memref<1024xi32, #tpu.memory_space<vmem_shared>>) target(%arg9 : memref<1024xi32, #tpu.memory_space<vmem>>) target_semaphore(%run_scoped3A : memref<!tpu.dma_semaphore, #tpu.memory_space<semaphore_mem>>)
          tpu.wait_dma2 semaphore(%run_scoped3A : memref<!tpu.dma_semaphore, #tpu.memory_space<semaphore_mem>>) src(%arg15 : memref<1024xi32, #tpu.memory_space<vmem_shared>>) dst(%arg9 : memref<1024xi32, #tpu.memory_space<vmem>>)
          tpu.yield
        }) : () -> ()
        %iota3A_103 = tpu.iota {dimensions = array<i32: 0>} : vector<16xi32>
        %eq3A_104 = arith.constant 0 : i32
        %eq3A_105 = vector.broadcast %eq3A_104 : i32 to vector<16xi32>
        %eq3A_106 = arith.cmpi eq, %iota3A_103, %eq3A_105 : vector<16xi32>
        %iota3A_107 = tpu.iota {dimensions = array<i32: 0>} : vector<16xi32>
        %eq3A_108 = arith.constant 0 : i32
        %eq3A_109 = vector.broadcast %eq3A_108 : i32 to vector<16xi32>
        %eq3A_110 = arith.cmpi eq, %iota3A_107, %eq3A_109 : vector<16xi32>
        %broadcast_in_dim3A_111 = arith.constant 1.000000e+30 : f32
        %broadcast_in_dim3A_112 = vector.broadcast %broadcast_in_dim3A_111 : f32 to vector<16xf32>
        %broadcast_in_dim3A_113 = arith.constant 0 : i32
        %broadcast_in_dim3A_114 = vector.broadcast %broadcast_in_dim3A_113 : i32 to vector<16xi32>
        %scan3A_115 = arith.constant 0 : i32
        %scan3A_116 = arith.constant 16 : i32
        %scan3A_117 = arith.addi %scan3A_115, %scan3A_116 : i32
        %scan3A_118 = arith.constant 1 : i32
        %scan3A_119:2 = scf.for %scan3A_127 = %scan3A_115 to %scan3A_117 step %scan3A_118 iter_args(%scan3A_128 = %broadcast_in_dim3A_112, %scan3A_129 = %broadcast_in_dim3A_114) -> (vector<16xf32>, vector<16xi32>)  : i32 {
          %mul3A_130 = arith.constant 4 : i32
          %mul3A_131 = arith.muli %scan3A_127, %mul3A_130 : i32
          %add3A = arith.constant 0 : i32
          %add3A_132 = arith.addi %mul3A_131, %add3A : i32
          %mul3A_133 = arith.constant 16 : i32
          %mul3A_134 = arith.muli %add3A_132, %mul3A_133 : i32
          %get3A = arith.index_cast %mul3A_134 : i32 to index
          %get3A_135 = tpu.vector_load %arg8[%get3A] {strides = array<i32>} : memref<1024xf32, #tpu.memory_space<vmem>>, vector<16xf32>,
          %lt3A_136 = arith.cmpf olt, %get3A_135, %scan3A_128 : vector<16xf32>
          %select_n3A = arith.select %lt3A_136, %get3A_135, %scan3A_128 : vector<16xi1>, vector<16xf32>
          %broadcast_in_dim3A_137 = vector.broadcast %add3A_132 : i32 to vector<16xi32>
          %select_n3A_138 = arith.select %lt3A_136, %broadcast_in_dim3A_137, %scan3A_129 : vector<16xi1>, vector<16xi32>
          %mul3A_139 = arith.constant 4 : i32
          %mul3A_140 = arith.muli %scan3A_127, %mul3A_139 : i32
          %add3A_141 = arith.constant 1 : i32
          %add3A_142 = arith.addi %mul3A_140, %add3A_141 : i32
          %mul3A_143 = arith.constant 16 : i32
          %mul3A_144 = arith.muli %add3A_142, %mul3A_143 : i32
          %get3A_145 = arith.index_cast %mul3A_144 : i32 to index
          %get3A_146 = tpu.vector_load %arg8[%get3A_145] {strides = array<i32>} : memref<1024xf32, #tpu.memory_space<vmem>>, vector<16xf32>,
          %lt3A_147 = arith.cmpf olt, %get3A_146, %select_n3A : vector<16xf32>
          %select_n3A_148 = arith.select %lt3A_147, %get3A_146, %select_n3A : vector<16xi1>, vector<16xf32>
          %broadcast_in_dim3A_149 = vector.broadcast %add3A_142 : i32 to vector<16xi32>
          %select_n3A_150 = arith.select %lt3A_147, %broadcast_in_dim3A_149, %select_n3A_138 : vector<16xi1>, vector<16xi32>
          %mul3A_151 = arith.constant 4 : i32
          %mul3A_152 = arith.muli %scan3A_127, %mul3A_151 : i32
          %add3A_153 = arith.constant 2 : i32
          %add3A_154 = arith.addi %mul3A_152, %add3A_153 : i32
          %mul3A_155 = arith.constant 16 : i32
          %mul3A_156 = arith.muli %add3A_154, %mul3A_155 : i32
          %get3A_157 = arith.index_cast %mul3A_156 : i32 to index
          %get3A_158 = tpu.vector_load %arg8[%get3A_157] {strides = array<i32>} : memref<1024xf32, #tpu.memory_space<vmem>>, vector<16xf32>,
          %lt3A_159 = arith.cmpf olt, %get3A_158, %select_n3A_148 : vector<16xf32>
          %select_n3A_160 = arith.select %lt3A_159, %get3A_158, %select_n3A_148 : vector<16xi1>, vector<16xf32>
          %broadcast_in_dim3A_161 = vector.broadcast %add3A_154 : i32 to vector<16xi32>
          %select_n3A_162 = arith.select %lt3A_159, %broadcast_in_dim3A_161, %select_n3A_150 : vector<16xi1>, vector<16xi32>
          %mul3A_163 = arith.constant 4 : i32
          %mul3A_164 = arith.muli %scan3A_127, %mul3A_163 : i32
          %add3A_165 = arith.constant 3 : i32
          %add3A_166 = arith.addi %mul3A_164, %add3A_165 : i32
          %mul3A_167 = arith.constant 16 : i32
          %mul3A_168 = arith.muli %add3A_166, %mul3A_167 : i32
          %get3A_169 = arith.index_cast %mul3A_168 : i32 to index
          %get3A_170 = tpu.vector_load %arg8[%get3A_169] {strides = array<i32>} : memref<1024xf32, #tpu.memory_space<vmem>>, vector<16xf32>,
          %lt3A_171 = arith.cmpf olt, %get3A_170, %select_n3A_160 : vector<16xf32>
          %select_n3A_172 = arith.select %lt3A_171, %get3A_170, %select_n3A_160 : vector<16xi1>, vector<16xf32>
          %broadcast_in_dim3A_173 = vector.broadcast %add3A_166 : i32 to vector<16xi32>
          %select_n3A_174 = arith.select %lt3A_171, %broadcast_in_dim3A_173, %select_n3A_162 : vector<16xi1>, vector<16xi32>
          scf.yield %select_n3A_172, %select_n3A_174 : vector<16xf32>, vector<16xi32>
        }
        %scan3A_120 = arith.constant 16 : i32
        %scan3A_121 = arith.constant 0 : i32
        %scan3A_122 = arith.constant 64 : i32
        %scan3A_123 = arith.addi %scan3A_121, %scan3A_122 : i32
        %scan3A_124 = arith.constant 1 : i32
        %scan3A_125:2 = scf.for %scan3A_127 = %scan3A_121 to %scan3A_123 step %scan3A_124 iter_args(%scan3A_128 = %scan3A_119#0, %scan3A_129 = %scan3A_119#1) -> (vector<16xf32>, vector<16xi32>)  : i32 {
          %reduce_min3A = arith.constant true
          %reduce_min3A_130 = vector.broadcast %reduce_min3A : i1 to vector<16xi1>
          %reduce_min3A_131 = tpu.scan <min>, %scan3A_128 masked %reduce_min3A_130 : vector<16xf32>, vector<16xi1> -> vector<16xf32>
          %reduce_min3A_132 = vector.extract %reduce_min3A_131[15] : f32 from vector<16xf32>
          %eq3A_133 = vector.broadcast %reduce_min3A_132 : f32 to vector<16xf32>
          %eq3A_134 = arith.cmpf oeq, %scan3A_128, %eq3A_133 : vector<16xf32>
          %mul3A_135 = arith.constant 16 : i32
          %mul3A_136 = vector.broadcast %mul3A_135 : i32 to vector<16xi32>
          %mul3A_137 = arith.muli %scan3A_129, %mul3A_136 : vector<16xi32>
          %add3A = arith.addi %mul3A_137, %iota3A_107 : vector<16xi32>
          %jit3A = arith.constant 1073741824 : i32
          %broadcast_in_dim3A_138 = vector.broadcast %jit3A : i32 to vector<16xi32>
          %select_n3A = arith.select %eq3A_134, %add3A, %broadcast_in_dim3A_138 : vector<16xi1>, vector<16xi32>
          %reduce_min3A_139 = arith.constant true
          %reduce_min3A_140 = vector.broadcast %reduce_min3A_139 : i1 to vector<16xi1>
          %reduce_min3A_141 = arith.constant -2147483648 : i32
          %reduce_min3A_142 = vector.broadcast %reduce_min3A_141 : i32 to vector<16xi32>
          %reduce_min3A_143 = arith.xori %select_n3A, %reduce_min3A_142 : vector<16xi32>
          %reduce_min3A_144 = tpu.scan <min>, %reduce_min3A_143 masked %reduce_min3A_140 : vector<16xi32>, vector<16xi1> -> vector<16xi32>
          %reduce_min3A_145 = arith.xori %reduce_min3A_144, %reduce_min3A_142 : vector<16xi32>
          %reduce_min3A_146 = vector.extract %reduce_min3A_145[15] : i32 from vector<16xi32>
          %broadcast_in_dim3A_147 = vector.broadcast %reduce_min3A_146 : i32 to vector<16xi32>
          %gather3A = tpu.vector_load_idx %arg9[%broadcast_in_dim3A_147] : memref<1024xi32, #tpu.memory_space<vmem>>[vector<16xi32>], vector<16xi32>,
          %broadcast_in_dim3A_148 = vector.broadcast %scan3A_127 : i32 to vector<16xi32>
          tpu.vector_store_idx %arg10[%broadcast_in_dim3A_148], %gather3A masked %eq3A_106 : memref<64xi32, #tpu.memory_space<vmem>>[vector<16xi32>], vector<16xi32>, vector<16xi1>
          %broadcast_in_dim3A_149 = vector.broadcast %reduce_min3A_146 : i32 to vector<16xi32>
          %broadcast_in_dim3A_150 = arith.constant 1.000000e+30 : f32
          %broadcast_in_dim3A_151 = vector.broadcast %broadcast_in_dim3A_150 : f32 to vector<16xf32>
          tpu.vector_store_idx %arg8[%broadcast_in_dim3A_149], %broadcast_in_dim3A_151 masked %eq3A_110 : memref<1024xf32, #tpu.memory_space<vmem>>[vector<16xi32>], vector<16xf32>, vector<16xi1>
          %and3A = arith.constant 15 : i32
          %and3A_152 = arith.andi %reduce_min3A_146, %and3A : i32
          %broadcast_in_dim3A_153 = arith.constant 1.000000e+30 : f32
          %broadcast_in_dim3A_154 = vector.broadcast %broadcast_in_dim3A_153 : f32 to vector<16xf32>
          %broadcast_in_dim3A_155 = arith.constant 0 : i32
          %broadcast_in_dim3A_156 = vector.broadcast %broadcast_in_dim3A_155 : i32 to vector<16xi32>
          %add3A_157 = arith.constant 0 : i32
          %add3A_158 = vector.broadcast %add3A_157 : i32 to vector<16xi32>
          %add3A_159 = arith.addi %add3A_158, %iota3A_107 : vector<16xi32>
          %mul3A_160 = arith.constant 16 : i32
          %mul3A_161 = vector.broadcast %mul3A_160 : i32 to vector<16xi32>
          %mul3A_162 = arith.muli %add3A_159, %mul3A_161 : vector<16xi32>
          %add3A_163 = vector.broadcast %and3A_152 : i32 to vector<16xi32>
          %add3A_164 = arith.addi %mul3A_162, %add3A_163 : vector<16xi32>
          %gather3A_165 = tpu.vector_load_idx %arg8[%add3A_164] : memref<1024xf32, #tpu.memory_space<vmem>>[vector<16xi32>], vector<16xf32>,
          %lt3A_166 = arith.cmpf olt, %gather3A_165, %broadcast_in_dim3A_154 : vector<16xf32>
          %select_n3A_167 = arith.select %lt3A_166, %gather3A_165, %broadcast_in_dim3A_154 : vector<16xi1>, vector<16xf32>
          %select_n3A_168 = arith.select %lt3A_166, %add3A_159, %broadcast_in_dim3A_156 : vector<16xi1>, vector<16xi32>
          %add3A_169 = arith.constant 16 : i32
          %add3A_170 = vector.broadcast %add3A_169 : i32 to vector<16xi32>
          %add3A_171 = arith.addi %add3A_170, %iota3A_107 : vector<16xi32>
          %mul3A_172 = arith.constant 16 : i32
          %mul3A_173 = vector.broadcast %mul3A_172 : i32 to vector<16xi32>
          %mul3A_174 = arith.muli %add3A_171, %mul3A_173 : vector<16xi32>
          %add3A_175 = vector.broadcast %and3A_152 : i32 to vector<16xi32>
          %add3A_176 = arith.addi %mul3A_174, %add3A_175 : vector<16xi32>
          %gather3A_177 = tpu.vector_load_idx %arg8[%add3A_176] : memref<1024xf32, #tpu.memory_space<vmem>>[vector<16xi32>], vector<16xf32>,
          %lt3A_178 = arith.cmpf olt, %gather3A_177, %select_n3A_167 : vector<16xf32>
          %select_n3A_179 = arith.select %lt3A_178, %gather3A_177, %select_n3A_167 : vector<16xi1>, vector<16xf32>
          %select_n3A_180 = arith.select %lt3A_178, %add3A_171, %select_n3A_168 : vector<16xi1>, vector<16xi32>
          %add3A_181 = arith.constant 32 : i32
          %add3A_182 = vector.broadcast %add3A_181 : i32 to vector<16xi32>
          %add3A_183 = arith.addi %add3A_182, %iota3A_107 : vector<16xi32>
          %mul3A_184 = arith.constant 16 : i32
          %mul3A_185 = vector.broadcast %mul3A_184 : i32 to vector<16xi32>
          %mul3A_186 = arith.muli %add3A_183, %mul3A_185 : vector<16xi32>
          %add3A_187 = vector.broadcast %and3A_152 : i32 to vector<16xi32>
          %add3A_188 = arith.addi %mul3A_186, %add3A_187 : vector<16xi32>
          %gather3A_189 = tpu.vector_load_idx %arg8[%add3A_188] : memref<1024xf32, #tpu.memory_space<vmem>>[vector<16xi32>], vector<16xf32>,
          %lt3A_190 = arith.cmpf olt, %gather3A_189, %select_n3A_179 : vector<16xf32>
          %select_n3A_191 = arith.select %lt3A_190, %gather3A_189, %select_n3A_179 : vector<16xi1>, vector<16xf32>
          %select_n3A_192 = arith.select %lt3A_190, %add3A_183, %select_n3A_180 : vector<16xi1>, vector<16xi32>
          %add3A_193 = arith.constant 48 : i32
          %add3A_194 = vector.broadcast %add3A_193 : i32 to vector<16xi32>
          %add3A_195 = arith.addi %add3A_194, %iota3A_107 : vector<16xi32>
          %mul3A_196 = arith.constant 16 : i32
          %mul3A_197 = vector.broadcast %mul3A_196 : i32 to vector<16xi32>
          %mul3A_198 = arith.muli %add3A_195, %mul3A_197 : vector<16xi32>
          %add3A_199 = vector.broadcast %and3A_152 : i32 to vector<16xi32>
          %add3A_200 = arith.addi %mul3A_198, %add3A_199 : vector<16xi32>
          %gather3A_201 = tpu.vector_load_idx %arg8[%add3A_200] : memref<1024xf32, #tpu.memory_space<vmem>>[vector<16xi32>], vector<16xf32>,
          %lt3A_202 = arith.cmpf olt, %gather3A_201, %select_n3A_191 : vector<16xf32>
          %select_n3A_203 = arith.select %lt3A_202, %gather3A_201, %select_n3A_191 : vector<16xi1>, vector<16xf32>
          %select_n3A_204 = arith.select %lt3A_202, %add3A_195, %select_n3A_192 : vector<16xi1>, vector<16xi32>
          %reduce_min3A_205 = arith.constant true
          %reduce_min3A_206 = vector.broadcast %reduce_min3A_205 : i1 to vector<16xi1>
          %reduce_min3A_207 = tpu.scan <min>, %select_n3A_203 masked %reduce_min3A_206 : vector<16xf32>, vector<16xi1> -> vector<16xf32>
          %reduce_min3A_208 = vector.extract %reduce_min3A_207[15] : f32 from vector<16xf32>
          %eq3A_209 = vector.broadcast %reduce_min3A_208 : f32 to vector<16xf32>
          %eq3A_210 = arith.cmpf oeq, %select_n3A_203, %eq3A_209 : vector<16xf32>
          %jit3A_211 = arith.constant 1073741824 : i32
          %broadcast_in_dim3A_212 = vector.broadcast %jit3A_211 : i32 to vector<16xi32>
          %select_n3A_213 = arith.select %eq3A_210, %select_n3A_204, %broadcast_in_dim3A_212 : vector<16xi1>, vector<16xi32>
          %reduce_min3A_214 = arith.constant true
          %reduce_min3A_215 = vector.broadcast %reduce_min3A_214 : i1 to vector<16xi1>
          %reduce_min3A_216 = arith.constant -2147483648 : i32
          %reduce_min3A_217 = vector.broadcast %reduce_min3A_216 : i32 to vector<16xi32>
          %reduce_min3A_218 = arith.xori %select_n3A_213, %reduce_min3A_217 : vector<16xi32>
          %reduce_min3A_219 = tpu.scan <min>, %reduce_min3A_218 masked %reduce_min3A_215 : vector<16xi32>, vector<16xi1> -> vector<16xi32>
          %reduce_min3A_220 = arith.xori %reduce_min3A_219, %reduce_min3A_217 : vector<16xi32>
          %reduce_min3A_221 = vector.extract %reduce_min3A_220[15] : i32 from vector<16xi32>
          %eq3A_222 = vector.broadcast %and3A_152 : i32 to vector<16xi32>
          %eq3A_223 = arith.cmpi eq, %iota3A_107, %eq3A_222 : vector<16xi32>
          %broadcast_in_dim3A_224 = vector.broadcast %reduce_min3A_208 : f32 to vector<16xf32>
          %select_n3A_225 = arith.select %eq3A_223, %broadcast_in_dim3A_224, %scan3A_128 : vector<16xi1>, vector<16xf32>
          %eq3A_226 = vector.broadcast %and3A_152 : i32 to vector<16xi32>
          %eq3A_227 = arith.cmpi eq, %iota3A_107, %eq3A_226 : vector<16xi32>
          %broadcast_in_dim3A_228 = vector.broadcast %reduce_min3A_221 : i32 to vector<16xi32>
          %select_n3A_229 = arith.select %eq3A_227, %broadcast_in_dim3A_228, %scan3A_129 : vector<16xi1>, vector<16xi32>
          scf.yield %select_n3A_225, %select_n3A_229 : vector<16xf32>, vector<16xi32>
        }
        %scan3A_126 = arith.constant 64 : i32
        "tpu.region"() ({
          %run_scoped3A = tpu.sem_alloc : memref<!tpu.dma_semaphore, #tpu.memory_space<semaphore_mem>>
          tpu.enqueue_dma source(%arg10 : memref<64xi32, #tpu.memory_space<vmem>>) target(%arg16 : memref<64xi32, #tpu.memory_space<vmem_shared>>) target_semaphore(%run_scoped3A : memref<!tpu.dma_semaphore, #tpu.memory_space<semaphore_mem>>)
          tpu.wait_dma2 semaphore(%run_scoped3A : memref<!tpu.dma_semaphore, #tpu.memory_space<semaphore_mem>>) src(%arg10 : memref<64xi32, #tpu.memory_space<vmem>>) dst(%arg16 : memref<64xi32, #tpu.memory_space<vmem_shared>>)
          tpu.yield
        }) : () -> ()
      } else {
      }
      %barrier3A_97 = arith.constant 0 : index
      tpu.barrier barrier_id(%barrier3A_97)
      %lt3A_98 = arith.constant 8 : i32
      %lt3A_99 = arith.cmpi slt, %arg1, %lt3A_98 : i32
      %convert_element_type3A_100 = arith.extui %lt3A_99 : i1 to i32
      %cond3A_101 = arith.constant 0 : i32
      %cond3A_102 = arith.cmpi ne, %convert_element_type3A_100, %cond3A_101 : i32
      scf.if %cond3A_102 {
        %mul3A_103 = arith.constant 8 : i32
        %mul3A_104 = arith.muli %arg1, %mul3A_103 : i32
        "tpu.region"() ({
          %run_scoped3A = tpu.sem_alloc : memref<!tpu.dma_semaphore, #tpu.memory_space<semaphore_mem>>
          %dma_start3A_112 = tpu.memref_slice %arg16[%mul3A_104] : memref<64xi32, #tpu.memory_space<vmem_shared>> -> memref<8xi32, #tpu.memory_space<vmem_shared>>
          %dma_start3A_113 = tpu.memref_slice %arg16[%mul3A_104] : memref<64xi32, #tpu.memory_space<vmem_shared>> -> memref<8xi32, #tpu.memory_space<vmem_shared>>
          tpu.enqueue_dma source(%dma_start3A_113 : memref<8xi32, #tpu.memory_space<vmem_shared>>) target(%arg11 : memref<8xi32, #tpu.memory_space<vmem>>) target_semaphore(%run_scoped3A : memref<!tpu.dma_semaphore, #tpu.memory_space<semaphore_mem>>)
          %dma_wait3A_114 = tpu.memref_slice %arg16[%mul3A_104] : memref<64xi32, #tpu.memory_space<vmem_shared>> -> memref<8xi32, #tpu.memory_space<vmem_shared>>
          %dma_wait3A_115 = tpu.memref_slice %arg16[%mul3A_104] : memref<64xi32, #tpu.memory_space<vmem_shared>> -> memref<8xi32, #tpu.memory_space<vmem_shared>>
          tpu.wait_dma2 semaphore(%run_scoped3A : memref<!tpu.dma_semaphore, #tpu.memory_space<semaphore_mem>>) src(%dma_wait3A_115 : memref<8xi32, #tpu.memory_space<vmem_shared>>) dst(%arg11 : memref<8xi32, #tpu.memory_space<vmem>>)
          tpu.yield
        }) : () -> ()
        %dma_start3A = arith.constant 0 : i32
        %dma_start3A_105 = arith.constant 0 : i32
        %dma_start3A_106 = tpu.memref_slice %arg3[%dma_start3A, %dma_start3A_105] : memref<50000x1024xf32, #tpu.memory_space<hbm>> -> memref<50000x1024xf32, #tpu.memory_space<hbm>>
        tpu.enqueue_indirect_dma source(%dma_start3A_106 : memref<50000x1024xf32, #tpu.memory_space<hbm>>) target(%arg12 : memref<8x1024xf32, #tpu.memory_space<vmem>>) offsets(%arg11 : memref<8xi32, #tpu.memory_space<vmem>>) semaphore(%arg13 : memref<!tpu.dma_semaphore, #tpu.memory_space<semaphore_mem>>)
        %dma_wait3A = arith.constant 0 : i32
        %dma_wait3A_107 = arith.constant 0 : i32
        %dma_wait3A_108 = tpu.memref_slice %arg3[%dma_wait3A, %dma_wait3A_107] : memref<50000x1024xf32, #tpu.memory_space<hbm>> -> memref<50000x1024xf32, #tpu.memory_space<hbm>>
        tpu.wait_indirect_dma semaphore(%arg13 : memref<!tpu.dma_semaphore, #tpu.memory_space<semaphore_mem>>) src(%dma_wait3A_108 : memref<50000x1024xf32, #tpu.memory_space<hbm>>) dst(%arg12 : memref<8x1024xf32, #tpu.memory_space<vmem>>)
        %mul3A_109 = arith.constant 8 : i32
        %mul3A_110 = arith.muli %arg1, %mul3A_109 : i32
        %add3A = arith.constant 64 : i32
        %add3A_111 = arith.addi %add3A, %mul3A_110 : i32
        "tpu.region"() ({
          %run_scoped3A = tpu.sem_alloc : memref<!tpu.dma_semaphore, #tpu.memory_space<semaphore_mem>>
          %dma_start3A_112 = arith.constant 0 : i32
          %dma_start3A_113 = tpu.memref_slice %arg4[%add3A_111, %dma_start3A_112] : memref<128x1024xf32, #tpu.memory_space<hbm>> -> memref<8x1024xf32, #tpu.memory_space<hbm>>
          %dma_start3A_114 = arith.constant 0 : i32
          %dma_start3A_115 = tpu.memref_slice %arg4[%add3A_111, %dma_start3A_114] : memref<128x1024xf32, #tpu.memory_space<hbm>> -> memref<8x1024xf32, #tpu.memory_space<hbm>>
          tpu.enqueue_dma source(%arg12 : memref<8x1024xf32, #tpu.memory_space<vmem>>) target(%dma_start3A_115 : memref<8x1024xf32, #tpu.memory_space<hbm>>) target_semaphore(%run_scoped3A : memref<!tpu.dma_semaphore, #tpu.memory_space<semaphore_mem>>)
          %dma_wait3A_116 = arith.constant 0 : i32
          %dma_wait3A_117 = tpu.memref_slice %arg4[%add3A_111, %dma_wait3A_116] : memref<128x1024xf32, #tpu.memory_space<hbm>> -> memref<8x1024xf32, #tpu.memory_space<hbm>>
          %dma_wait3A_118 = arith.constant 0 : i32
          %dma_wait3A_119 = tpu.memref_slice %arg4[%add3A_111, %dma_wait3A_118] : memref<128x1024xf32, #tpu.memory_space<hbm>> -> memref<8x1024xf32, #tpu.memory_space<hbm>>
          tpu.wait_dma2 semaphore(%run_scoped3A : memref<!tpu.dma_semaphore, #tpu.memory_space<semaphore_mem>>) src(%arg12 : memref<8x1024xf32, #tpu.memory_space<vmem>>) dst(%dma_wait3A_119 : memref<8x1024xf32, #tpu.memory_space<hbm>>)
          tpu.yield
        }) : () -> ()
      } else {
      }
    } else {
    }
    return
  }
}

module attributes {stable_mosaic.version = 14 : i64} {
  func.func @_attn_body(%arg0: i32, %arg1: memref<2000x1024xf32, #tpu.memory_space<vmem>>, %arg2: memref<1024x768xbf16, #tpu.memory_space<vmem>>, %arg3: memref<1x768xf32, #tpu.memory_space<vmem>>, %arg4: memref<768x1024xbf16, #tpu.memory_space<vmem>>, %arg5: memref<1x512xf32, #tpu.memory_space<vmem>>, %arg6: memref<1x512xf32, #tpu.memory_space<vmem>>, %arg7: memref<1x512xf32, #tpu.memory_space<vmem>>, %arg8: memref<1x1xf32, #tpu.memory_space<vmem>>, %arg9: memref<1x1x2000xf32, #tpu.memory_space<vmem>>, %arg10: memref<1x768xf32, #tpu.memory_space<vmem>>, %arg11: memref<1x1xf32, #tpu.memory_space<smem>>, %arg12: memref<1x768xf32, #tpu.memory_space<vmem>>) attributes {dimension_semantics = [#tpu.dimension_semantics<arbitrary>], iteration_bounds = array<i64: 25>, scalar_prefetch = 0 : i64, scratch_operands = 2 : i64, tpu.core_type = #tpu.core_type<tc>, window_params = [{transform_indices = @transform_0, window_bounds = array<i64: 2000, 1024>}, {pipeline_mode = #tpu.pipeline_mode<synchronous>, transform_indices = @transform_1, window_bounds = array<i64: 1024, 768>}, {pipeline_mode = #tpu.pipeline_mode<synchronous>, transform_indices = @transform_2, window_bounds = array<i64: 1, 768>}, {pipeline_mode = #tpu.pipeline_mode<synchronous>, transform_indices = @transform_3, window_bounds = array<i64: 768, 1024>}, {pipeline_mode = #tpu.pipeline_mode<synchronous>, transform_indices = @transform_4, window_bounds = array<i64: 1, 512>}, {pipeline_mode = #tpu.pipeline_mode<synchronous>, transform_indices = @transform_5, window_bounds = array<i64: 1, 512>}, {pipeline_mode = #tpu.pipeline_mode<synchronous>, transform_indices = @transform_6, window_bounds = array<i64: 1, 512>}, {pipeline_mode = #tpu.pipeline_mode<synchronous>, transform_indices = @transform_7, window_bounds = array<i64: 1, 1>}, {transform_indices = @transform_8, window_bounds = array<i64: 1, 1, 2000>}, {pipeline_mode = #tpu.pipeline_mode<synchronous>, transform_indices = @transform_9, window_bounds = array<i64: 1, 768>}]} {
    %eq3A = arith.constant 0 : i32
    %eq3A_0 = arith.cmpi eq, %arg0, %eq3A : i32
    %convert_element_type3A = arith.extui %eq3A_0 : i1 to i32
    %cond3A = arith.constant 0 : i32
    %cond3A_1 = arith.cmpi ne, %convert_element_type3A, %cond3A : i32
    scf.if %cond3A_1 {
      %swap3A_77 = arith.constant 0.000000e+00 : f32
      %swap3A_78 = arith.constant 0 : index
      %swap3A_79 = arith.constant 0 : index
      %swap3A_80 = memref.load %arg11[%swap3A_78, %swap3A_79] : memref<1x1xf32, #tpu.memory_space<smem>>
      memref.store %swap3A_77, %arg11[%swap3A_78, %swap3A_79] : memref<1x1xf32, #tpu.memory_space<smem>>
      %broadcast_in_dim3A = arith.constant 0.000000e+00 : f32
      %broadcast_in_dim3A_81 = vector.broadcast %broadcast_in_dim3A : f32 to vector<1x768xf32>
      %swap3A_82 = arith.constant 0 : index
      %swap3A_83 = arith.constant 0 : index
      %swap3A_84 = vector.load %arg12[%swap3A_82, %swap3A_83] : memref<1x768xf32, #tpu.memory_space<vmem>>, vector<1x768xf32>
      tpu.vector_store %arg12[%swap3A_82, %swap3A_83], %broadcast_in_dim3A_81 {strides = array<i32>} : memref<1x768xf32, #tpu.memory_space<vmem>>, vector<1x768xf32>,
    } else {
    }
    %get3A = arith.constant 0 : index
    %get3A_2 = arith.constant 0 : index
    %get3A_3 = vector.load %arg1[%get3A, %get3A_2] : memref<2000x1024xf32, #tpu.memory_space<vmem>>, vector<2000x1024xf32>
    %convert_element_type3A_4 = arith.truncf %get3A_3 : vector<2000x1024xf32> to vector<2000x1024xbf16>
    %get3A_5 = arith.constant 0 : index
    %get3A_6 = arith.constant 0 : index
    %get3A_7 = vector.load %arg2[%get3A_5, %get3A_6] : memref<1024x768xbf16, #tpu.memory_space<vmem>>, vector<1024x768xbf16>
    %dot_general3A = arith.constant dense<0.000000e+00> : vector<2000x768xf32>
    %dot_general3A_8 = tpu.matmul %convert_element_type3A_4, %get3A_7, %dot_general3A {dimension_numbers = #tpu.dot_dimension_numbers<[1], [0], [0], [1], [0, 0, 1, 1], [], []>, transpose_lhs_hint = false} : vector<2000x1024xbf16>, vector<1024x768xbf16>, vector<2000x768xf32> -> vector<2000x768xf32>
    %get3A_9 = arith.constant 0 : index
    %get3A_10 = arith.constant 0 : index
    %get3A_11 = vector.load %arg3[%get3A_9, %get3A_10] : memref<1x768xf32, #tpu.memory_space<vmem>>, vector<1x768xf32>
    %add3A = vector.broadcast %get3A_11 : vector<1x768xf32> to vector<2000x768xf32>
    %add3A_12 = arith.addf %dot_general3A_8, %add3A : vector<2000x768xf32>
    %max3A = arith.constant 0.000000e+00 : f32
    %max3A_13 = vector.broadcast %max3A : f32 to vector<2000x768xf32>
    %max3A_14 = arith.maximumf %add3A_12, %max3A_13 : vector<2000x768xf32>
    %convert_element_type3A_15 = arith.truncf %max3A_14 : vector<2000x768xf32> to vector<2000x768xbf16>
    %get3A_16 = arith.constant 0 : index
    %get3A_17 = arith.constant 0 : index
    %get3A_18 = vector.load %arg4[%get3A_16, %get3A_17] : memref<768x1024xbf16, #tpu.memory_space<vmem>>, vector<768x1024xbf16>
    %dot_general3A_19 = arith.constant dense<0.000000e+00> : vector<2000x1024xf32>
    %dot_general3A_20 = tpu.matmul %convert_element_type3A_15, %get3A_18, %dot_general3A_19 {dimension_numbers = #tpu.dot_dimension_numbers<[1], [0], [0], [1], [0, 0, 1, 1], [], []>, transpose_lhs_hint = false} : vector<2000x768xbf16>, vector<768x1024xbf16>, vector<2000x1024xf32> -> vector<2000x1024xf32>
    %slice3A = vector.extract_strided_slice %dot_general3A_20 {offsets = [0, 0], sizes = [2000, 512], strides = [1, 1]} : vector<2000x1024xf32> to vector<2000x512xf32>
    %get3A_21 = arith.constant 0 : index
    %get3A_22 = arith.constant 0 : index
    %get3A_23 = vector.load %arg5[%get3A_21, %get3A_22] : memref<1x512xf32, #tpu.memory_space<vmem>>, vector<1x512xf32>
    %add3A_24 = vector.broadcast %get3A_23 : vector<1x512xf32> to vector<2000x512xf32>
    %add3A_25 = arith.addf %slice3A, %add3A_24 : vector<2000x512xf32>
    %tanh3A = math.tanh %add3A_25 : vector<2000x512xf32>
    %slice3A_26 = vector.extract_strided_slice %dot_general3A_20 {offsets = [0, 512], sizes = [2000, 512], strides = [1, 1]} : vector<2000x1024xf32> to vector<2000x512xf32>
    %get3A_27 = arith.constant 0 : index
    %get3A_28 = arith.constant 0 : index
    %get3A_29 = vector.load %arg6[%get3A_27, %get3A_28] : memref<1x512xf32, #tpu.memory_space<vmem>>, vector<1x512xf32>
    %add3A_30 = vector.broadcast %get3A_29 : vector<1x512xf32> to vector<2000x512xf32>
    %add3A_31 = arith.addf %slice3A_26, %add3A_30 : vector<2000x512xf32>
    %logistic3A = arith.negf %add3A_31 : vector<2000x512xf32>
    %logistic3A_32 = math.exp %logistic3A : vector<2000x512xf32>
    %logistic3A_33 = arith.constant 1.000000e+00 : f32
    %logistic3A_34 = vector.broadcast %logistic3A_33 : f32 to vector<2000x512xf32>
    %logistic3A_35 = arith.addf %logistic3A_34, %logistic3A_32 : vector<2000x512xf32>
    %logistic3A_36 = arith.divf %logistic3A_34, %logistic3A_35 : vector<2000x512xf32>
    %get3A_37 = arith.constant 0 : index
    %get3A_38 = arith.constant 0 : index
    %get3A_39 = vector.load %arg7[%get3A_37, %get3A_38] : memref<1x512xf32, #tpu.memory_space<vmem>>, vector<1x512xf32>
    %mul3A = arith.mulf %tanh3A, %logistic3A_36 : vector<2000x512xf32>
    %dot_general3A_40 = arith.constant dense<0.000000e+00> : vector<1x2000xf32>
    %dot_general3A_41 = tpu.matmul %get3A_39, %mul3A, %dot_general3A_40 {dimension_numbers = #tpu.dot_dimension_numbers<[1], [1], [0], [0], [0, 0, 1, 0], [], []>, transpose_lhs_hint = false} : vector<1x512xf32>, vector<2000x512xf32>, vector<1x2000xf32> -> vector<1x2000xf32>
    %get3A_42 = arith.constant 0 : index
    %get3A_43 = arith.constant 0 : index
    %get3A_44 = vector.load %arg8[%get3A_42, %get3A_43] : memref<1x1xf32, #tpu.memory_space<vmem>>, vector<1x1xf32>
    %get3A_45 = vector.extract %get3A_44[0, 0] : f32 from vector<1x1xf32>
    %add3A_46 = vector.broadcast %get3A_45 : f32 to vector<1x2000xf32>
    %add3A_47 = arith.addf %dot_general3A_41, %add3A_46 : vector<1x2000xf32>
    %reshape3A = vector.shape_cast %add3A_47 : vector<1x2000xf32> to vector<1x1x2000xf32>
    %swap3A = arith.constant 0 : index
    %swap3A_48 = arith.constant 0 : index
    %swap3A_49 = arith.constant 0 : index
    %swap3A_50 = vector.load %arg9[%swap3A, %swap3A_48, %swap3A_49] : memref<1x1x2000xf32, #tpu.memory_space<vmem>>, vector<1x1x2000xf32>
    tpu.vector_store %arg9[%swap3A, %swap3A_48, %swap3A_49], %reshape3A {strides = array<i32>} : memref<1x1x2000xf32, #tpu.memory_space<vmem>>, vector<1x1x2000xf32>,
    %exp3A = math.exp %add3A_47 : vector<1x2000xf32>
    %get3A_51 = arith.constant 0 : index
    %get3A_52 = arith.constant 0 : index
    %get3A_53 = memref.load %arg11[%get3A_51, %get3A_52] : memref<1x1xf32, #tpu.memory_space<smem>>
    %reduce_sum3A = vector.shape_cast %exp3A : vector<1x2000xf32> to vector<1x1x2000xf32>
    %reduce_sum3A_54 = arith.constant dense<0.000000e+00> : vector<1xf32>
    %reduce_sum3A_55 = vector.multi_reduction <add>, %reduce_sum3A, %reduce_sum3A_54 [1, 2] : vector<1x1x2000xf32> to vector<1xf32>
    %reduce_sum3A_56 = vector.shape_cast %reduce_sum3A_55 : vector<1xf32> to vector<1x1x1xf32>
    %reduce_sum3A_57 = vector.extract %reduce_sum3A_56[0, 0, 0] : f32 from vector<1x1x1xf32>
    %add3A_58 = arith.addf %get3A_53, %reduce_sum3A_57 : f32
    %swap3A_59 = arith.constant 0 : index
    %swap3A_60 = arith.constant 0 : index
    %swap3A_61 = memref.load %arg11[%swap3A_59, %swap3A_60] : memref<1x1xf32, #tpu.memory_space<smem>>
    memref.store %add3A_58, %arg11[%swap3A_59, %swap3A_60] : memref<1x1xf32, #tpu.memory_space<smem>>
    %get3A_62 = arith.constant 0 : index
    %get3A_63 = arith.constant 0 : index
    %get3A_64 = vector.load %arg12[%get3A_62, %get3A_63] : memref<1x768xf32, #tpu.memory_space<vmem>>, vector<1x768xf32>
    %convert_element_type3A_65 = arith.truncf %exp3A : vector<1x2000xf32> to vector<1x2000xbf16>
    %dot_general3A_66 = arith.constant dense<0.000000e+00> : vector<1x768xf32>
    %dot_general3A_67 = tpu.matmul %convert_element_type3A_65, %convert_element_type3A_15, %dot_general3A_66 {dimension_numbers = #tpu.dot_dimension_numbers<[1], [0], [0], [1], [0, 0, 1, 1], [], []>, transpose_lhs_hint = false} : vector<1x2000xbf16>, vector<2000x768xbf16>, vector<1x768xf32> -> vector<1x768xf32>
    %add3A_68 = arith.addf %get3A_64, %dot_general3A_67 : vector<1x768xf32>
    %swap3A_69 = arith.constant 0 : index
    %swap3A_70 = arith.constant 0 : index
    %swap3A_71 = vector.load %arg12[%swap3A_69, %swap3A_70] : memref<1x768xf32, #tpu.memory_space<vmem>>, vector<1x768xf32>
    tpu.vector_store %arg12[%swap3A_69, %swap3A_70], %add3A_68 {strides = array<i32>} : memref<1x768xf32, #tpu.memory_space<vmem>>, vector<1x768xf32>,
    %eq3A_72 = arith.constant 24 : i32
    %eq3A_73 = arith.cmpi eq, %arg0, %eq3A_72 : i32
    %convert_element_type3A_74 = arith.extui %eq3A_73 : i1 to i32
    %cond3A_75 = arith.constant 0 : i32
    %cond3A_76 = arith.cmpi ne, %convert_element_type3A_74, %cond3A_75 : i32
    scf.if %cond3A_76 {
      %get3A_77 = arith.constant 0 : index
      %get3A_78 = arith.constant 0 : index
      %get3A_79 = vector.load %arg12[%get3A_77, %get3A_78] : memref<1x768xf32, #tpu.memory_space<vmem>>, vector<1x768xf32>
      %get3A_80 = arith.constant 0 : index
      %get3A_81 = arith.constant 0 : index
      %get3A_82 = memref.load %arg11[%get3A_80, %get3A_81] : memref<1x1xf32, #tpu.memory_space<smem>>
      %div3A = vector.broadcast %get3A_82 : f32 to vector<1x768xf32>
      %div3A_83 = arith.divf %get3A_79, %div3A : vector<1x768xf32>
      %swap3A_84 = arith.constant 0 : index
      %swap3A_85 = arith.constant 0 : index
      %swap3A_86 = vector.load %arg10[%swap3A_84, %swap3A_85] : memref<1x768xf32, #tpu.memory_space<vmem>>, vector<1x768xf32>
      tpu.vector_store %arg10[%swap3A_84, %swap3A_85], %div3A_83 {strides = array<i32>} : memref<1x768xf32, #tpu.memory_space<vmem>>, vector<1x768xf32>,
    } else {
    }
    return
  }
  func.func @transform_0(%arg0: i32) -> (i32, i32) {
    %c0_i32 = arith.constant 0 : i32
    %c0_i32_0 = arith.constant 0 : i32
    return %arg0, %c0_i32 : i32, i32
  }
  func.func @transform_1(%arg0: i32) -> (i32, i32) {
    %c0_i32 = arith.constant 0 : i32
    %c0_i32_0 = arith.constant 0 : i32
    %c0_i32_1 = arith.constant 0 : i32
    return %c0_i32, %c0_i32_0 : i32, i32
  }
  func.func @transform_2(%arg0: i32) -> (i32, i32) {
    %c0_i32 = arith.constant 0 : i32
    %c0_i32_0 = arith.constant 0 : i32
    %c0_i32_1 = arith.constant 0 : i32
    return %c0_i32, %c0_i32_0 : i32, i32
  }
  func.func @transform_3(%arg0: i32) -> (i32, i32) {
    %c0_i32 = arith.constant 0 : i32
    %c0_i32_0 = arith.constant 0 : i32
    %c0_i32_1 = arith.constant 0 : i32
    return %c0_i32, %c0_i32_0 : i32, i32
  }
  func.func @transform_4(%arg0: i32) -> (i32, i32) {
    %c0_i32 = arith.constant 0 : i32
    %c0_i32_0 = arith.constant 0 : i32
    %c0_i32_1 = arith.constant 0 : i32
    return %c0_i32, %c0_i32_0 : i32, i32
  }
  func.func @transform_5(%arg0: i32) -> (i32, i32) {
    %c0_i32 = arith.constant 0 : i32
    %c0_i32_0 = arith.constant 0 : i32
    %c0_i32_1 = arith.constant 0 : i32
    return %c0_i32, %c0_i32_0 : i32, i32
  }
  func.func @transform_6(%arg0: i32) -> (i32, i32) {
    %c0_i32 = arith.constant 0 : i32
    %c0_i32_0 = arith.constant 0 : i32
    %c0_i32_1 = arith.constant 0 : i32
    return %c0_i32, %c0_i32_0 : i32, i32
  }
  func.func @transform_7(%arg0: i32) -> (i32, i32) {
    %c0_i32 = arith.constant 0 : i32
    %c0_i32_0 = arith.constant 0 : i32
    %c0_i32_1 = arith.constant 0 : i32
    return %c0_i32, %c0_i32_0 : i32, i32
  }
  func.func @transform_8(%arg0: i32) -> (i32, i32, i32) {
    %c0_i32 = arith.constant 0 : i32
    %c0_i32_0 = arith.constant 0 : i32
    %c0_i32_1 = arith.constant 0 : i32
    return %arg0, %c0_i32, %c0_i32_0 : i32, i32, i32
  }
  func.func @transform_9(%arg0: i32) -> (i32, i32) {
    %c0_i32 = arith.constant 0 : i32
    %c0_i32_0 = arith.constant 0 : i32
    %c0_i32_1 = arith.constant 0 : i32
    return %c0_i32, %c0_i32_0 : i32, i32
  }
}

module attributes {stable_mosaic.version = 14 : i64} {
  func.func @_inst_body(%arg0: memref<128x1024xf32, #tpu.memory_space<vmem>>, %arg1: memref<768x1024xf32, #tpu.memory_space<vmem>>, %arg2: memref<1x768xf32, #tpu.memory_space<vmem>>, %arg3: memref<2x768xf32, #tpu.memory_space<vmem>>, %arg4: memref<1x2xf32, #tpu.memory_space<vmem>>, %arg5: memref<2x768xf32, #tpu.memory_space<vmem>>, %arg6: memref<1x2xf32, #tpu.memory_space<vmem>>, %arg7: memref<1x1xi32, #tpu.memory_space<smem>>, %arg8: memref<1x1xf32, #tpu.memory_space<vmem>>) attributes {dimension_semantics = [], scalar_prefetch = 0 : i64, scratch_operands = 0 : i64, tpu.core_type = #tpu.core_type<tc>} {
    %get3A = arith.constant 0 : index
    %get3A_0 = arith.constant 0 : index
    %get3A_1 = vector.load %arg0[%get3A, %get3A_0] : memref<128x1024xf32, #tpu.memory_space<vmem>>, vector<128x1024xf32>
    %get3A_2 = arith.constant 0 : index
    %get3A_3 = arith.constant 0 : index
    %get3A_4 = vector.load %arg1[%get3A_2, %get3A_3] : memref<768x1024xf32, #tpu.memory_space<vmem>>, vector<768x1024xf32>
    %dot_general3A = arith.constant dense<0.000000e+00> : vector<128x768xf32>
    %dot_general3A_5 = tpu.matmul %get3A_1, %get3A_4, %dot_general3A {dimension_numbers = #tpu.dot_dimension_numbers<[1], [1], [0], [0], [0, 0, 1, 0], [], []>, transpose_lhs_hint = false} : vector<128x1024xf32>, vector<768x1024xf32>, vector<128x768xf32> -> vector<128x768xf32>
    %get3A_6 = arith.constant 0 : index
    %get3A_7 = arith.constant 0 : index
    %get3A_8 = vector.load %arg2[%get3A_6, %get3A_7] : memref<1x768xf32, #tpu.memory_space<vmem>>, vector<1x768xf32>
    %add3A = vector.broadcast %get3A_8 : vector<1x768xf32> to vector<128x768xf32>
    %add3A_9 = arith.addf %dot_general3A_5, %add3A : vector<128x768xf32>
    %max3A = arith.constant 0.000000e+00 : f32
    %max3A_10 = vector.broadcast %max3A : f32 to vector<128x768xf32>
    %max3A_11 = arith.maximumf %add3A_9, %max3A_10 : vector<128x768xf32>
    %iota3A = tpu.iota {dimensions = array<i32: 0>} : vector<128x1xi32>
    %get3A_12 = arith.constant 0 : index
    %get3A_13 = arith.constant 0 : index
    %get3A_14 = memref.load %arg7[%get3A_12, %get3A_13] : memref<1x1xi32, #tpu.memory_space<smem>>
    %get3A_15 = arith.constant 0 : index
    %get3A_16 = arith.constant 0 : index
    %get3A_17 = vector.load %arg3[%get3A_15, %get3A_16] : memref<2x768xf32, #tpu.memory_space<vmem>>, vector<2x768xf32>
    %dot_general3A_18 = arith.constant dense<0.000000e+00> : vector<128x2xf32>
    %dot_general3A_19 = tpu.matmul %max3A_11, %get3A_17, %dot_general3A_18 {dimension_numbers = #tpu.dot_dimension_numbers<[1], [1], [0], [0], [0, 0, 1, 0], [], []>, transpose_lhs_hint = false} : vector<128x768xf32>, vector<2x768xf32>, vector<128x2xf32> -> vector<128x2xf32>
    %get3A_20 = arith.constant 0 : index
    %get3A_21 = arith.constant 0 : index
    %get3A_22 = vector.load %arg4[%get3A_20, %get3A_21] : memref<1x2xf32, #tpu.memory_space<vmem>>, vector<1x2xf32>
    %add3A_23 = vector.broadcast %get3A_22 : vector<1x2xf32> to vector<128x2xf32>
    %add3A_24 = arith.addf %dot_general3A_19, %add3A_23 : vector<128x2xf32>
    %reduce_max3A = arith.constant dense<0xFF800000> : vector<128xf32>
    %reduce_max3A_25 = vector.multi_reduction <maximumf>, %add3A_24, %reduce_max3A [1] : vector<128x2xf32> to vector<128xf32>
    %broadcast_in_dim3A = vector.shape_cast %reduce_max3A_25 : vector<128xf32> to vector<128x1xf32>
    %sub3A = vector.broadcast %broadcast_in_dim3A : vector<128x1xf32> to vector<128x2xf32>
    %sub3A_26 = arith.subf %add3A_24, %sub3A : vector<128x2xf32>
    %exp3A = math.exp %sub3A_26 : vector<128x2xf32>
    %reduce_sum3A = arith.constant dense<0.000000e+00> : vector<128xf32>
    %reduce_sum3A_27 = vector.multi_reduction <add>, %exp3A, %reduce_sum3A [1] : vector<128x2xf32> to vector<128xf32>
    %broadcast_in_dim3A_28 = vector.shape_cast %reduce_sum3A_27 : vector<128xf32> to vector<128x1xf32>
    %log3A = math.log %broadcast_in_dim3A_28 : vector<128x1xf32>
    %add3A_29 = arith.addf %broadcast_in_dim3A, %log3A : vector<128x1xf32>
    %sub3A_30 = vector.broadcast %add3A_29 : vector<128x1xf32> to vector<128x2xf32>
    %sub3A_31 = arith.subf %sub3A_30, %add3A_24 : vector<128x2xf32>
    %slice3A = vector.extract_strided_slice %sub3A_31 {offsets = [0, 0], sizes = [128, 1], strides = [1, 1]} : vector<128x2xf32> to vector<128x1xf32>
    %slice3A_32 = vector.extract_strided_slice %sub3A_31 {offsets = [0, 1], sizes = [128, 1], strides = [1, 1]} : vector<128x2xf32> to vector<128x1xf32>
    %lt3A = arith.constant 64 : i32
    %lt3A_33 = vector.broadcast %lt3A : i32 to vector<128x1xi32>
    %lt3A_34 = arith.cmpi slt, %iota3A, %lt3A_33 : vector<128x1xi32>
    %select_n3A = arith.select %lt3A_34, %slice3A_32, %slice3A : vector<128x1xi1>, vector<128x1xf32>
    %reduce_sum3A_35 = vector.shape_cast %select_n3A : vector<128x1xf32> to vector<1x128x1xf32>
    %reduce_sum3A_36 = arith.constant dense<0.000000e+00> : vector<1xf32>
    %reduce_sum3A_37 = vector.multi_reduction <add>, %reduce_sum3A_35, %reduce_sum3A_36 [1, 2] : vector<1x128x1xf32> to vector<1xf32>
    %reduce_sum3A_38 = vector.shape_cast %reduce_sum3A_37 : vector<1xf32> to vector<1x1x1xf32>
    %reduce_sum3A_39 = vector.extract %reduce_sum3A_38[0, 0, 0] : f32 from vector<1x1x1xf32>
    %div3A = arith.constant 1.280000e+02 : f32
    %div3A_40 = arith.divf %reduce_sum3A_39, %div3A : f32
    %lt3A_41 = arith.constant 64 : i32
    %lt3A_42 = vector.broadcast %lt3A_41 : i32 to vector<128x1xi32>
    %lt3A_43 = arith.cmpi slt, %iota3A, %lt3A_42 : vector<128x1xi32>
    %jit3A = arith.constant 0.000000e+00 : f32
    %broadcast_in_dim3A_44 = vector.broadcast %jit3A : f32 to vector<128x1xf32>
    %select_n3A_45 = arith.select %lt3A_43, %slice3A, %broadcast_in_dim3A_44 : vector<128x1xi1>, vector<128x1xf32>
    %reduce_sum3A_46 = vector.shape_cast %select_n3A_45 : vector<128x1xf32> to vector<1x128x1xf32>
    %reduce_sum3A_47 = arith.constant dense<0.000000e+00> : vector<1xf32>
    %reduce_sum3A_48 = vector.multi_reduction <add>, %reduce_sum3A_46, %reduce_sum3A_47 [1, 2] : vector<1x128x1xf32> to vector<1xf32>
    %reduce_sum3A_49 = vector.shape_cast %reduce_sum3A_48 : vector<1xf32> to vector<1x1x1xf32>
    %reduce_sum3A_50 = vector.extract %reduce_sum3A_49[0, 0, 0] : f32 from vector<1x1x1xf32>
    %div3A_51 = arith.constant 6.400000e+01 : f32
    %div3A_52 = arith.divf %reduce_sum3A_50, %div3A_51 : f32
    %eq3A = arith.constant 0 : i32
    %eq3A_53 = arith.cmpi eq, %get3A_14, %eq3A : i32
    %select_n3A_54 = arith.select %eq3A_53, %div3A_40, %div3A_52 : f32
    %add3A_55 = arith.constant 0.000000e+00 : f32
    %add3A_56 = arith.addf %add3A_55, %select_n3A_54 : f32
    %get3A_57 = arith.constant 0 : index
    %get3A_58 = arith.constant 0 : index
    %get3A_59 = vector.load %arg5[%get3A_57, %get3A_58] : memref<2x768xf32, #tpu.memory_space<vmem>>, vector<2x768xf32>
    %dot_general3A_60 = arith.constant dense<0.000000e+00> : vector<128x2xf32>
    %dot_general3A_61 = tpu.matmul %max3A_11, %get3A_59, %dot_general3A_60 {dimension_numbers = #tpu.dot_dimension_numbers<[1], [1], [0], [0], [0, 0, 1, 0], [], []>, transpose_lhs_hint = false} : vector<128x768xf32>, vector<2x768xf32>, vector<128x2xf32> -> vector<128x2xf32>
    %get3A_62 = arith.constant 0 : index
    %get3A_63 = arith.constant 0 : index
    %get3A_64 = vector.load %arg6[%get3A_62, %get3A_63] : memref<1x2xf32, #tpu.memory_space<vmem>>, vector<1x2xf32>
    %add3A_65 = vector.broadcast %get3A_64 : vector<1x2xf32> to vector<128x2xf32>
    %add3A_66 = arith.addf %dot_general3A_61, %add3A_65 : vector<128x2xf32>
    %reduce_max3A_67 = arith.constant dense<0xFF800000> : vector<128xf32>
    %reduce_max3A_68 = vector.multi_reduction <maximumf>, %add3A_66, %reduce_max3A_67 [1] : vector<128x2xf32> to vector<128xf32>
    %broadcast_in_dim3A_69 = vector.shape_cast %reduce_max3A_68 : vector<128xf32> to vector<128x1xf32>
    %sub3A_70 = vector.broadcast %broadcast_in_dim3A_69 : vector<128x1xf32> to vector<128x2xf32>
    %sub3A_71 = arith.subf %add3A_66, %sub3A_70 : vector<128x2xf32>
    %exp3A_72 = math.exp %sub3A_71 : vector<128x2xf32>
    %reduce_sum3A_73 = arith.constant dense<0.000000e+00> : vector<128xf32>
    %reduce_sum3A_74 = vector.multi_reduction <add>, %exp3A_72, %reduce_sum3A_73 [1] : vector<128x2xf32> to vector<128xf32>
    %broadcast_in_dim3A_75 = vector.shape_cast %reduce_sum3A_74 : vector<128xf32> to vector<128x1xf32>
    %log3A_76 = math.log %broadcast_in_dim3A_75 : vector<128x1xf32>
    %add3A_77 = arith.addf %broadcast_in_dim3A_69, %log3A_76 : vector<128x1xf32>
    %sub3A_78 = vector.broadcast %add3A_77 : vector<128x1xf32> to vector<128x2xf32>
    %sub3A_79 = arith.subf %sub3A_78, %add3A_66 : vector<128x2xf32>
    %slice3A_80 = vector.extract_strided_slice %sub3A_79 {offsets = [0, 0], sizes = [128, 1], strides = [1, 1]} : vector<128x2xf32> to vector<128x1xf32>
    %slice3A_81 = vector.extract_strided_slice %sub3A_79 {offsets = [0, 1], sizes = [128, 1], strides = [1, 1]} : vector<128x2xf32> to vector<128x1xf32>
    %lt3A_82 = arith.constant 64 : i32
    %lt3A_83 = vector.broadcast %lt3A_82 : i32 to vector<128x1xi32>
    %lt3A_84 = arith.cmpi slt, %iota3A, %lt3A_83 : vector<128x1xi32>
    %select_n3A_85 = arith.select %lt3A_84, %slice3A_81, %slice3A_80 : vector<128x1xi1>, vector<128x1xf32>
    %reduce_sum3A_86 = vector.shape_cast %select_n3A_85 : vector<128x1xf32> to vector<1x128x1xf32>
    %reduce_sum3A_87 = arith.constant dense<0.000000e+00> : vector<1xf32>
    %reduce_sum3A_88 = vector.multi_reduction <add>, %reduce_sum3A_86, %reduce_sum3A_87 [1, 2] : vector<1x128x1xf32> to vector<1xf32>
    %reduce_sum3A_89 = vector.shape_cast %reduce_sum3A_88 : vector<1xf32> to vector<1x1x1xf32>
    %reduce_sum3A_90 = vector.extract %reduce_sum3A_89[0, 0, 0] : f32 from vector<1x1x1xf32>
    %div3A_91 = arith.constant 1.280000e+02 : f32
    %div3A_92 = arith.divf %reduce_sum3A_90, %div3A_91 : f32
    %lt3A_93 = arith.constant 64 : i32
    %lt3A_94 = vector.broadcast %lt3A_93 : i32 to vector<128x1xi32>
    %lt3A_95 = arith.cmpi slt, %iota3A, %lt3A_94 : vector<128x1xi32>
    %jit3A_96 = arith.constant 0.000000e+00 : f32
    %broadcast_in_dim3A_97 = vector.broadcast %jit3A_96 : f32 to vector<128x1xf32>
    %select_n3A_98 = arith.select %lt3A_95, %slice3A_80, %broadcast_in_dim3A_97 : vector<128x1xi1>, vector<128x1xf32>
    %reduce_sum3A_99 = vector.shape_cast %select_n3A_98 : vector<128x1xf32> to vector<1x128x1xf32>
    %reduce_sum3A_100 = arith.constant dense<0.000000e+00> : vector<1xf32>
    %reduce_sum3A_101 = vector.multi_reduction <add>, %reduce_sum3A_99, %reduce_sum3A_100 [1, 2] : vector<1x128x1xf32> to vector<1xf32>
    %reduce_sum3A_102 = vector.shape_cast %reduce_sum3A_101 : vector<1xf32> to vector<1x1x1xf32>
    %reduce_sum3A_103 = vector.extract %reduce_sum3A_102[0, 0, 0] : f32 from vector<1x1x1xf32>
    %div3A_104 = arith.constant 6.400000e+01 : f32
    %div3A_105 = arith.divf %reduce_sum3A_103, %div3A_104 : f32
    %eq3A_106 = arith.constant 1 : i32
    %eq3A_107 = arith.cmpi eq, %get3A_14, %eq3A_106 : i32
    %select_n3A_108 = arith.select %eq3A_107, %div3A_92, %div3A_105 : f32
    %add3A_109 = arith.addf %add3A_56, %select_n3A_108 : f32
    %div3A_110 = arith.constant 2.000000e+00 : f32
    %div3A_111 = arith.divf %add3A_109, %div3A_110 : f32
    %reshape3A = vector.broadcast %div3A_111 : f32 to vector<1x1xf32>
    %swap3A = arith.constant 0 : index
    %swap3A_112 = arith.constant 0 : index
    %swap3A_113 = vector.load %arg8[%swap3A, %swap3A_112] : memref<1x1xf32, #tpu.memory_space<vmem>>, vector<1x1xf32>
    tpu.vector_store %arg8[%swap3A, %swap3A_112], %reshape3A {strides = array<i32>} : memref<1x1xf32, #tpu.memory_space<vmem>>, vector<1x1xf32>,
    return
  }
}

</mosaic_0001>

<sc_bundles>
// kernel: kernel.5.cloned.1.call-start
scs
__scs_entry_jumppad:
0x0: {  	(pc) =	sbr.rel $0x88, $3  }
0x1: {  	(tag) =	ssettag $0x0;
	lr =	simm.s32 $0x1  }
0x2: {  	[smem:$0x3F93] =	sst lr;
	_ =	strace $0xD0000000  }
0x3: {  	_ = 	snop  }
0x4: {  	_ = 	snop  }
0x5: {  	_ = 	snop  }
0x6: {  	_ = 	snop  }
0x7: {  	_ = 	snop  }
__scs_overlays_trampoline_lowered:
0x8: {  	[smem:$0x3FA2] =	sst s0  }
0x9: {  	[smem:$0x3FA3] =	sst s1  }
0xa: {  	[smem:$0x3FA4] =	sst s2  }
0xb: {  	[smem:$0x3FA5] =	sst s3  }
0xc: {  	[smem:$0x3FA6] =	sst s4  }
0xd: {  	[smem:$0x3FA7] =	sst s5  }
0xe: {  	[smem:$0x3FA8] =	sst s6  }
0xf: {  	[smem:$0x3FA9] =	sst s7  }
0x10: {  	[smem:$0x3FAA] =	sst s8  }
0x11: {  	[smem:$0x3FAB] =	sst s9;
	s0 =	simm.s32 @!p0 $0x0  }
0x12: {  	s1 =	sld [smem:$0x3F91];
	s0 =	simm.s32 @p0 $0x1  }
0x13: {  	[smem:$0x3FAC] =	sst s0;
	s0 =	simm.s32 @!p1 $0x0  }
0x14: {  	s2 =	sld [smem:$0x3F90];
	s0 =	simm.s32 @p1 $0x1  }
0x15: {  	[smem:$0x3FAD] =	sst s0;
	s0 =	simm.s32 @!p2 $0x0  }
0x16: {  	s3 =	sld [smem:$0x3FDB];
	s0 =	simm.s32 @p2 $0x1  }
0x17: {  	s4 =	simm.s32 $0x1BF5;
	[smem:$0x3FAF] =	sst s0  }
0x18: {  	s0 =	sld [smem:$0x3F92];
	_ =	swait.ge [sflag:s4], $0x0  }
0x19: {  	s7 =	sld [smem:$0x3F93]  }
0x1a: {  	s8 =	sadd.s32 $0xFFFFE003, lr  }
0x1b: {  	s9 =	sadd.s32 $0xFFFFFEF7, lr;
	s5 =	simm.s32 $0xFFFFFFFF;
	p2 =	slt.u32 s8, $0xFFFFF086  }
0x1c: {  	p1 =	slt.u32 s9, $0xF7A;
	s5 =	simm.s32 @!p2 $0x0  }
0x1d: {  	s5 =	simm.s32 @p1 $0x1;
	p0 =	seq.s32 s7, s2  }
0x1e: {  	s7 =	smul.u32 @!p0 $0xF7A, s2;
	p2 =	seq.s32 @!p0 s5, $0x0  }
0x1f: {  	s9 =	smul.u32 $0xF7A, s1;
	s8 =	simm.s32 @!p0 $0x1BF5;
	p2 =	por !p2, p0  }
0x20: {  	[sflag:s8] =	ssyncset.s32 @!p0 $0xFFFFF086;
	s6 =	sadd.s32 @!p0 s3, s7;
	s7 =	simm.s32 @!p0 $0x108  }
0x21: {  	s3 =	sadd.s32 s3, s9;
	s6 =	sadd.s32 @!p0 $0x88, s6;
	s7 =	simm.s32 @p2 $0x1082  }
0x22: {  	[simem:s7], [sflag:s8] =	dma.local @!p0 [hbm:s6], $0xF7A  }
0x23: {  	s9 =	sor.u32 $0xD0000000, s2;
	s6 =	simm.s32 $0x108;
	_ =	swait.ge @!p0 [sflag:s8], $0x0  }
0x24: {  	s3 =	sadd.s32 $0x88, s3;
	s6 =	simm.s32 @!p1 $0x1082;
	[sflag:s4] =	ssyncset.s32 $0xFFFFF086  }
0x25: {  	[simem:s6], [sflag:s4] =	dma.local [hbm:s3], $0xF7A  }
0x26: {  	[smem:$0x3F93] =	sst s1;
	(tag) =	ssettag s2;
	_ =	strace s9  }
0x27: {  	s1 =	sld [smem:$0x3FA3]  }
0x28: {  	s2 =	sld [smem:$0x3FA4]  }
0x29: {  	s4 =	sld [smem:$0x3FA6]  }
0x2a: {  	p0 =	seq.s32 s5, $0x0;
	s5 =	sld [smem:$0x3FA7]  }
0x2b: {  	s6 =	sld [smem:$0x3FA8]  }
0x2c: {  	s7 =	sld [smem:$0x3FA9]  }
0x2d: {  	s3 =	simm.s32 $0x108;
	s8 =	sld [smem:$0x3FAA]  }
0x2e: {  	s3 =	simm.s32 @!p0 $0x1082;
	s9 =	sld [smem:$0x3FAB]  }
0x2f: {  	lr =	sadd.s32 s0, s3;
	s0 =	sld [smem:$0x3FA2]  }
0x30: {  	s3 =	sld [smem:$0x3FA5]  }
0x31: {  	[smem:$0x3FAE] =	sst s10  }
0x32: {  	s10 =	sld [smem:$0x3FAC];
	_ =	sdelay $0x3  }
0x33: {  	p0 =	seq.s32 s10, $0x1;
	s10 =	sld [smem:$0x3FAE];
	_ =	sdelay $0x3  }
0x34: {  	[smem:$0x3FAE] =	sst s10  }
0x35: {  	s10 =	sld [smem:$0x3FAD];
	_ =	sdelay $0x3  }
0x36: {  	p1 =	seq.s32 s10, $0x1;
	s10 =	sld [smem:$0x3FAE];
	_ =	sdelay $0x3  }
0x37: {  	[smem:$0x3FAE] =	sst s10  }
0x38: {  	s10 =	sld [smem:$0x3FAF]  }
0x39: {  	_ = 	snop;
	(pc) =	sbr.ind lr, $3  }
0x3a: {  	_ = 	snop  }
0x3b: {  	_ = 	snop  }
0x3c: {  	p2 =	seq.s32 s10, $0x1;
	s10 =	sld [smem:$0x3FAE]  }
0x3d: {  	_ =	shalt  }
0x3e: {  	_ =	shalt  }
0x3f: {  	_ =	shalt  }
0x40: {  	_ =	shalt  }
0x41: {  	_ =	shalt  }
0x42: {  	_ =	shalt  }
0x43: {  	_ =	shalt  }
0x44: {  	_ =	shalt  }
0x45: {  	_ =	shalt  }
0x46: {  	_ =	shalt  }
0x47: {  	_ =	shalt  }
0x48: {  	_ =	shalt  }
0x49: {  	_ =	shalt  }
0x4a: {  	_ =	shalt  }
0x4b: {  	_ =	shalt  }
0x4c: {  	_ =	shalt  }
0x4d: {  	_ =	shalt  }
0x4e: {  	_ =	shalt  }
0x4f: {  	_ =	shalt  }
0x50: {  	_ =	shalt  }
0x51: {  	_ =	shalt  }
0x52: {  	_ =	shalt  }
0x53: {  	_ =	shalt  }
0x54: {  	_ =	shalt  }
0x55: {  	_ =	shalt  }
0x56: {  	_ =	shalt  }
0x57: {  	_ =	shalt  }
0x58: {  	_ =	shalt  }
0x59: {  	_ =	shalt  }
0x5a: {  	_ =	shalt  }
0x5b: {  	_ =	shalt  }
0x5c: {  	_ =	shalt  }
0x5d: {  	_ =	shalt  }
0x5e: {  	_ =	shalt  }
0x5f: {  	_ =	shalt  }
0x60: {  	_ =	shalt  }
0x61: {  	_ =	shalt  }
0x62: {  	_ =	shalt  }
0x63: {  	_ =	shalt  }
0x64: {  	_ =	shalt  }
0x65: {  	_ =	shalt  }
0x66: {  	_ =	shalt  }
0x67: {  	_ =	shalt  }
0x68: {  	_ =	shalt  }
0x69: {  	_ =	shalt  }
0x6a: {  	_ =	shalt  }
0x6b: {  	_ =	shalt  }
0x6c: {  	_ =	shalt  }
0x6d: {  	_ =	shalt  }
0x6e: {  	_ =	shalt  }
0x6f: {  	_ =	shalt  }
0x70: {  	_ =	shalt  }
0x71: {  	_ =	shalt  }
0x72: {  	_ =	shalt  }
0x73: {  	_ =	shalt  }
0x74: {  	_ =	shalt  }
0x75: {  	_ =	shalt  }
0x76: {  	_ =	shalt  }
0x77: {  	_ =	shalt  }
0x78: {  	_ =	shalt  }
0x79: {  	_ =	shalt  }
0x7a: {  	_ =	shalt  }
0x7b: {  	_ =	shalt  }
0x7c: {  	_ =	shalt  }
0x7d: {  	_ =	shalt  }
0x7e: {  	_ =	shalt  }
0x7f: {  	_ =	shalt  }
0x80: {  	_ =	shalt  }
0x81: {  	_ =	shalt  }
0x82: {  	_ =	shalt  }
0x83: {  	_ =	shalt  }
0x84: {  	_ =	shalt  }
0x85: {  	_ =	shalt  }
0x86: {  	_ =	shalt  }
0x87: {  	_ =	shalt  }
.Lfunc_end0:
.L_simem_size_0:
called_computation_lowered:
.L_overlay_start_0:
0x88: {  	s2 =	sld [smem:$0x3FD9]  }
0x89: {  	s3 =	sld [smem:$0x3FFE];
	_ =	sdelay $0x1  }
0x8a: {  	s1 =	srdreg.scid  }
0x8b: {  	s0 =	sand.u32 $0x1, s1  }
0x8c: {  	s17 =	sshll.u32 s0, $0xA;
	s2 =	sadd.s32 s3, s2  }
0x8d: {  	s2 =	sadd.s32 s2, s17  }
0x8e: {  	[smem:$0x3FBA] =	sst s2  }
0x8f: {  	_ = 	snop  }
0x90: {  	s2 =	sld [smem:$0x3FC9];
	(tm) =	ssettm $0x1  }
0x91: {  	s18 =	sld [smem:$0x3FFB];
	_ =	sdelay $0x3  }
0x92: {  	_ =	strace s18  }
0x93: {  	s3 =	sld [smem:$0x3FFC];
	_ =	sdelay $0x3  }
0x94: {  	_ =	strace s3  }
0x95: {  	s3 =	sld [smem:$0x3FFD];
	_ =	sdelay $0x3  }
0x96: {  	_ =	strace s3  }
0x97: {  	_ =	strace $0x8FFFFFFF  }
0x98: {  	s19 =	sld [smem:$0x3FDB];
	_ =	sdelay $0x1  }
0x99: {  	s4 =	simm.s32 $_scs_section_size  }
0x9a: {  	s5 =	simm.s32 $_size__tile_overlayer_lowered;
	s6 =	simm.s32 $_tile_overlayer_lowered  }
0x9b: {  	s22 =	simm.s32 $0x1BFF;
	s21 =	sshll.u32 s6, $0x1;
	s3 =	sadd.s32 s4, s19  }
0x9c: {  	s7 =	simm.s32 $0x0;
	s20 =	sshll.u32 s5, $0x1;
	s5 =	sadd.s32 s21, s3  }
0x9d: {  	[timem:s7], [sflag:s22] =	dma.local [hbm:s5], s20  }
0x9e: {  	_ =	swait.ge [sflag:s22], s20  }
0x9f: {  	s4 =	ssub.s32 $0x0, s20;
	[sflag:s22] =	ssyncset.done $0x0  }
0xa0: {  	[sflag:s22] =	ssyncadd.s32 s4;
	_ =	sdelay $0x1  }
0xa1: {  	s23 =	simm.s32 $0x1B8B  }
0xa2: {  	_ =	swait.ge [sflag:s23], $0x1  }
0xa3: {  	[sflag:s23] =	ssyncset.done $0x0  }
0xa4: {  	s25 =	simm.s32 $0x1B8E;
	s24 =	sld [smem:$0x3FFE];
	[sflag:s23] =	ssyncadd.s32 $0xFFFFFFFF  }
0xa5: {  	s26 =	simm.s32 $execute0_lowered;
	[smem:$0x3FD2] =	sst s25  }
0xa6: {  	s5 =	sshll.u32 s26, $0x1;
	_ =	strace $0x80000046;
	[dreg:$0x1] =	wrdreg $0xFFFFFFFF  }
0xa7: {  	s28 =	simm.s32 $_size_execute0_lowered;
	s3 =	sadd.s32 s3, s5;
	[dreg:$0x0] =	wrdreg $0x0  }
0xa8: {  	s5 =	sshll.u32 s28, $0x1;
	[dreg:$0x2] =	wrdreg s3  }
0xa9: {  	[dreg:$0x3] =	wrdreg s5  }
0xaa: {  	[dreg:$0x4] =	wrdreg $0xC0  }
0xab: {  	_ =	task [dreg:s7], $0x5FFFF  }
0xac: {  	[dreg:$0x1] =	wrdreg $0xFFFFFFFF  }
0xad: {  	[dreg:$0x0] =	wrdreg $0x60  }
0xae: {  	[dreg:$0x2] =	wrdreg s24  }
0xaf: {  	[dreg:$0x3] =	wrdreg s2  }
0xb0: {  	[dreg:$0x4] =	wrdreg $0x37000  }
0xb1: {  	[dreg:$0x5] =	wrdreg $0x37400  }
0xb2: {  	[dreg:$0x6] =	wrdreg $0x37800  }
0xb3: {  	[dreg:$0x7] =	wrdreg $0x9  }
0xb4: {  	_ =	task.clear_ibuf [dreg:s7], $0x8FFFF;
	_ =	strace $0x90000046  }
0xb5: {  	s29 =	simm.s32 $0x9;
	_ =	strace $0x80000048  }
0xb6: {  	_ =	swait.ge [sflag:s29], $0x1  }
0xb7: {  	[sflag:s29] =	ssyncadd.s32 $0xFFFFFFFF  }
0xb8: {  	_ =	strace $0x90000048  }
0xb9: {  	_ =	sfence  }
0xba: {  	s30 =	sld [smem:$0x0];
	_ =	sdelay $0x2  }
0xbb: {  	s31 =	sshll.u32 s1, $0xD;
	s1 =	sshrl.u32 s1, $0x2  }
0xbc: {  	s3 =	sand.u32 $0x4000, s31;
	s1 =	sadd.s32 s1, s30  }
0xbd: {  	s0 =	sor.u32 s3, s0;
	s1 =	sshll.u32 s1, $0x11  }
0xbe: {  	s0 =	sor.u32 s1, s0  }
0xbf: {  	s0 =	sadd.s32 $0x8F2B, s0  }
0xc0: {  	[sflag:s0] =	ssyncadd.remote.s32 $0x1  }
0xc1: {  	_ =	sfence.sel $0xFFFF  }
0xc2: {  	[dreg:$0x0] =	wrdreg $0xFFFFFFFF;
	(pc) =	sbr.abs _section_cstart, $3  }
0xc3: {  	[dreg:$0x1] =	wrdreg $0xFFFFFFFF  }
0xc4: {  	_ =	task.clear_ibuf [dreg:s7], $0x2FFFF;
	_ =	strace $0x9FFFFFFF  }
0xc5: {  	(tm) =	ssettm $0x7FFFFFFF  }
tec
execute0_lowered:
.L_overlay_start_1:
0x0: {  	(tag) =	ssettag $0x1  }
0x1: {  	s0 =	rddreg [dreg:$0x0]  }
0x2: {  	s1 =	rddreg [dreg:$0x1]  }
0x3: {  	s15 =	rddreg [dreg:$0x2]  }
0x4: {  	s16 =	rddreg [dreg:$0x3]  }
0x5: {  	s17 =	rddreg [dreg:$0x4];
	s5 =	simm.s32 $0x0;
	s2 =	stileid.u32  }
0x6: {  	s3 =	srdreg.scid;
	s13 =	simm.s32 $0xD00;
	s14 =	simm.s32 $0xD80  }
0x7: {  	s20 =	simm.s32 $0x2;
	s21 =	simm.s32 $0xE00;
	s22 =	simm.s32 $0x1200  }
0x8: {  	s23 =	simm.s32 $0x1600;
	s28 =	simm.s32 $0x2700;
	s29 =	simm.s32 $0x2F00  }
0x9: {  	v2 =	vimm.f32 $1.000000020e+30;
	s30 =	simm.s32 $0x1;
	[smem:$0x7FF] =	sst s5;
	s4 =	smul.u32 $0x188, s2  }
0xa: {  	v0 =	vlaneseq.u32;
	v28 =	vimm.f32 $-1.000000020e+30;
	s6 =	sshll.u32 s2, $0xA;
	s8 =	smul.u32 $0xC40, s2;
	s9 =	sadd.s32 $0x200, s1  }
0xb: {  	v1 =	vmul.u32 $0x10, v0;
	s10 =	sadd.s32 $0x300, s1;
	p1 =	seq.s32 s2, $0xF;
	p2 =	sne.s32 s2, $0xF;
	v14 =	vor.u32 $0x80000010, v0;
	v15 =	vor.u32 $0x80000020, v0  }
0xc: {  	s31 =	simm.s32 $0x0;
	s3 =	sand.u32 $0x1, s3;
	s25 =	sshll.u32 s2, $0x6;
	v16 =	vor.u32 $0x80000030, v0;
	v17 =	vor.u32 $0x80000040, v0;
	v18 =	vor.u32 $0x80000050, v0  }
0xd: {  	s26 =	sshll.u32 s2, $0x3;
	s18 =	sadd.s32 $0x100, s1;
	v19 =	vor.u32 $0x80000060, v0;
	p3 =	sne.s32 s2, $0x0;
	v20 =	vor.u32 $0x80000070, v0;
	v21 =	vor.u32 $0x80000080, v0  }
0xe: {  	v22 =	vor.u32 $0x80000090, v0;
	v23 =	vor.u32 $0x800000A0, v0;
	p4 =	slt.u32 s2, $0x8;
	_ =	strace $0x80000047;
	s7 =	ssub.s32 $0x2, s3  }
.Ltmp0:
0xf: {  	v3 =	vor.u32 $0x80000000, v0;
	v25 =	vor.u32 $0x800000B0, v0;
	v27 =	vor.u32 $0x800000C0, v0;
	s12 =	sadd.s32 s6, s0;
	p0 =	seq.s32 s3, $0x1;
	(pc) =	sbr.rel .LBB2_1-.Ltmp0, $4  }
0x10: {  	s15 =	sadd.s32 s25, s15;
	s16 =	sadd.s32 s25, s16;
	s17 =	sadd.s32 s26, s17;
	v4 =	vor.u32 $0x100, v1;
	v5 =	vor.u32 $0x200, v1;
	v6 =	vor.u32 $0x300, v1  }
0x11: {  	s25 =	simm.s32 $0x1700;
	s4 =	sadd.s32 s4, s0;
	s24 =	sshrl.u32 s7, $0x1;
	v7 =	vor.u32 $0x400, v1;
	v8 =	vor.u32 $0x500, v1;
	v9 =	vor.u32 $0x600, v1  }
0x12: {  	s11 =	sadd.s32 $0x5A00, s12;
	s12 =	sadd.s32 $0x7A00, s12;
	v10 =	vor.u32 $0x700, v1;
	v11 =	vor.u32 $0x800, v1;
	v12 =	vor.u32 $0x900, v1;
	s19 =	ssub.s32 s7, s24  }
0x13: {  	v13 =	vor.u32 $0xA00, v1;
	v24 =	vor.u32 $0xB00, v1;
	v26 =	vor.u32 $0xC00, v1;
	s6 =	sadd.s32 $0x4000, s4;
	s7 =	sadd.s32 $0x56F8, s0;
	s19 =	smax.u32 s19, $0x1  }
.LBB2_23:
0x14: {  	s2 =	rddreg [dreg:$0x4]  }
0x15: {  	[spmem:s2] =	stream.linear.scatter [tilespmem:s23], [sflag:$0x2], $0x80, $0x38;
	[tilespmem:$0x3788] =	vst v63  }
0x16: {  	_ =	swait.ge [sflag:s20], $0x80  }
0x17: {  	[sflag:s20] =	ssyncset.done $0x0  }
0x18: {  	[sflag:s20] =	ssyncadd.s32 $0xFFFFFF80  }
0x19: {  	[bflag:$0x0] =	sbarrier.arrive $0xFFFF  }
.LBB2_24:
0x1a: {  	s2 =	simm.s32 $0x1680  }
0x1b: {  	[tilespmem:s2], [sflag:$0x2] =	stream.linear.gather [spmem:s17], $0x8, $0x38;
	[tilespmem:$0x3788] =	vst v63  }
0x1c: {  	_ =	swait.ge [sflag:s20], $0x8  }
0x1d: {  	[sflag:s20] =	ssyncset.done $0x0  }
0x1e: {  	[sflag:s20] =	ssyncadd.s32 $0xFFFFFFF8  }
0x1f: {  	v29 =	vld.msk [tilespmem:$0x1680], $0xff;
	_ =	sdelay $0x4  }
0x20: {  	v30 =	vshll.u32 v29, $0x3  }
0x21: {  	v29 =	vand.u32 $0x7, v29;
	v30 =	vand.u32 $0xFFFFFFC0, v30  }
0x22: {  	v31 =	vshrl.u32 v0, $0x3;
	v29 =	vor.u32 v29, v30;
	v30 =	vand.u32 $0x7, v0  }
0x23: {  	v29 =	vperm.xlane v29, v30;
	v30 =	vmul.u32 $0x8, v31;
	_ =	sdelay $0x1  }
0x24: {  	v29 =	vadd.s32 v30, v29;
	_ =	sdelay $0x3  }
0x25: {  	vm0 =	vmmov $0xffff  }
0x26: {  	[tilespmem:s25], [sflag:$0x1] =	stream.indirect_vreg.gather [hbm4b:s1+s5], $0x80, v29, vm0, $0xb8;
	[tilespmem:$0x3788] =	vst v63  }
0x27: {  	s26 =	simm.s32 $0x1F00  }
0x28: {  	[tilespmem:s26], [sflag:$0x1] =	stream.indirect_vreg.gather [hbm4b:s18+s5], $0x80, v29, vm0, $0xb8;
	[tilespmem:$0x3788] =	vst v63  }
0x29: {  	_ = 	snop  }
0x2a: {  	[tilespmem:s28], [sflag:$0x1] =	stream.indirect_vreg.gather [hbm4b:s9+s5], $0x80, v29, vm0, $0xb8;
	[tilespmem:$0x3788] =	vst v63  }
0x2b: {  	_ = 	snop  }
0x2c: {  	[tilespmem:s29], [sflag:$0x1] =	stream.indirect_vreg.gather [hbm4b:s10+s5], $0x80, v29, vm0, $0xb8;
	[tilespmem:$0x3788] =	vst v63  }
0x2d: {  	_ =	swait.ge [sflag:s30], $0x2000  }
0x2e: {  	[sflag:s30] =	ssyncset.done $0x0  }
0x2f: {  	[sflag:s30] =	ssyncadd.s32 $0xFFFFE000  }
0x30: {  	[hbm4b:s0+s5] =	stream.linear.scatter [tilespmem:s25], [sflag:$0x2], $0x2000, $0x38;
	[tilespmem:$0x3788] =	vst v63  }
0x31: {  	_ =	swait.ge [sflag:s20], $0x2000  }
0x32: {  	[sflag:s20] =	ssyncset.done $0x0  }
0x33: {  	[sflag:s20] =	ssyncadd.s32 $0xFFFFE000  }
.LBB2_25:
0x34: {  	s31 =	sadd.s32 $0x1, s31  }
0x35: {  	p5 =	sne.s32 s31, s19  }
.Ltmp1:
0x36: {  	_ = 	snop;
	(pc) =	sbr.rel @!p5 .LBB2_26-.Ltmp1, $1  }
0x37: {  	_ =	sdelay $0x3  }
.LBB2_1:
0x38: {  	s0 =	simm.s32 @p1 $0x0  }
0x39: {  	[tilespmem:s0], [sflag:$0x2] =	stream.linear.gather @p1 [hbm4b:s7+s0], $0xB90, $0x38;
	[tilespmem:$0x3788] =	vst v63  }
0x3a: {  	s0 =	simm.s32 @p1 $0x2  }
0x3b: {  	_ =	swait.ge @p1 [sflag:s0], $0xB90  }
0x3c: {  	[sflag:s0] =	ssyncset.done @p1 $0x0  }
0x3d: {  	[sflag:s0] =	ssyncadd.s32 @p1 $0xFFFFF470;
	s0 =	simm.s32 @!p1 $0x0  }
0x3e: {  	[tilespmem:s0], [sflag:$0x2] =	stream.linear.gather @!p1 [hbm4b:s6+s0], $0xC40, $0x38;
	[tilespmem:$0x3788] =	vst v63  }
.Ltmp2:
0x3f: {  	_ = 	snop;
	(pc) =	sbr.rel @!p0 .LBB2_2-.Ltmp2, $4  }
0x40: {  	s0 =	simm.s32 @!p1 $0x2  }
0x41: {  	_ =	swait.ge @!p1 [sflag:s0], $0xC40  }
0x42: {  	[sflag:s0] =	ssyncset.done @!p1 $0x0  }
0x43: {  	[sflag:s0] =	ssyncadd.s32 @!p1 $0xFFFFF3C0  }
0x44: {  	[tilespmem:$0xC40] =	vst v2  }
0x45: {  	[tilespmem:$0xC50] =	vst v2  }
0x46: {  	[tilespmem:$0xC60] =	vst v2  }
0x47: {  	[tilespmem:$0xC70] =	vst v2  }
0x48: {  	[tilespmem:$0xC80] =	vst v2  }
0x49: {  	[tilespmem:$0xC90] =	vst v2  }
0x4a: {  	[tilespmem:$0xCA0] =	vst v2  }
0x4b: {  	[tilespmem:$0xCB0] =	vst v2  }
0x4c: {  	[tilespmem:$0xCC0] =	vst v2  }
0x4d: {  	[tilespmem:$0xCD0] =	vst v2  }
0x4e: {  	[tilespmem:$0xCE0] =	vst v2  }
0x4f: {  	[tilespmem:$0xCF0] =	vst v2;
	v29 =	vimm.f32 @!p2 $1.000000020e+30  }
0x50: {  	[tilespmem:$0xB90] =	vst @!p2 v29  }
0x51: {  	[tilespmem:$0xBA0] =	vst @!p2 v29  }
0x52: {  	[tilespmem:$0xBB0] =	vst @!p2 v29  }
0x53: {  	[tilespmem:$0xBC0] =	vst @!p2 v29  }
0x54: {  	[tilespmem:$0xBD0] =	vst @!p2 v29  }
0x55: {  	[tilespmem:$0xBE0] =	vst @!p2 v29  }
0x56: {  	[tilespmem:$0xBF0] =	vst @!p2 v29  }
0x57: {  	[tilespmem:$0xC00] =	vst @!p2 v29  }
0x58: {  	[tilespmem:$0xC10] =	vst @!p2 v29  }
0x59: {  	[tilespmem:$0xC20] =	vst @!p2 v29  }
0x5a: {  	s0 =	simm.s32 $0x20;
	[tilespmem:$0xC30] =	vst @!p2 v29  }
0x5b: {  	v30 =	vld [tilespmem:s0+$0xFFFFFFE0];
	_ =	sdelay $0x1  }
0x5c: {  	v32 =	vld [tilespmem:s0+$0xFFFFFFF0];
	_ =	sdelay $0x1  }
0x5d: {  	v31 =	vimm.f32 $1.000000020e+30;
	v29 =	vld [tilespmem:s0+$0x0]  }
0x5e: {  	vm0 =	vlt.f32 v30, v31  }
0x5f: {  	v33 =	vimm.s32 $0x0;
	s2 =	simm.s32 $0x0;
	v34 =	vsel vm0, v30, v31;
	v30 =	vld [tilespmem:s0+$0x10]  }
0x60: {  	s24 =	simm.s32 $0x1;
	s3 =	simm.s32 $0x60;
	v35 =	vsel vm0, s2, v33;
	vm15 =	vlt.f32 v32, v34  }
0x61: {  	s4 =	simm.s32 $0xB;
	s2 =	simm.s32 $0x3;
	s0 =	simm.s32 $0x7;
	v31 =	vld [tilespmem:s3+$0xFFFFFFE0];
	v33 =	vsel vm15, v32, v34;
	v32 =	vsel vm15, s24, v35  }
.LBB2_14:
0x62: {  	p5 =	sne.s32 s4, $0xC3;
	s24 =	sadd.s32 $0xFFFFFFFF, s2;
	vm0 =	vlt.f32 v29, v33  }
0x63: {  	v34 =	vld [tilespmem:s3+$0xFFFFFFF0];
	v33 =	vsel vm0, v29, v33;
	v32 =	vsel vm0, s24, v32  }
0x64: {  	vm0 =	vlt.f32 v30, v33  }
.Ltmp3:
0x65: {  	v29 =	vld [tilespmem:s3+$0x0];
	v30 =	vsel vm0, v30, v33;
	v32 =	vsel vm0, s2, v32;
	s2 =	smov.u32 s0;
	s0 =	smov.u32 s4;
	(pc) =	sbr.rel @p5 .LBB2_14-.Ltmp3, $4  }
0x66: {  	s24 =	sadd.s32 $0xFFFFFFFD, s2;
	vm0 =	vlt.f32 v31, v30  }
0x67: {  	v33 =	vsel vm0, v31, v30;
	v32 =	vsel vm0, s24, v32;
	v30 =	vld [tilespmem:s3+$0x10]  }
0x68: {  	s24 =	sadd.s32 $0xFFFFFFFE, s2;
	s3 =	sadd.s32 $0x40, s3;
	vm0 =	vlt.f32 v34, v33  }
0x69: {  	s4 =	sadd.s32 $0x4, s4;
	v31 =	vld [tilespmem:s3+$0xFFFFFFE0];
	v33 =	vsel vm0, v34, v33;
	v32 =	vsel vm0, s24, v32  }
0x6a: {  	vm0 =	vlt.f32 v29, v33  }
0x6b: {  	v34 =	vld [tilespmem:s3+$0xFFFFFFF0];
	v29 =	vsel vm0, v29, v33  }
0x6c: {  	vm1 =	vlt.f32 v30, v29  }
0x6d: {  	v44 =	vld [tilespmem:s3+$0x0];
	v29 =	vsel vm1, v30, v29  }
0x6e: {  	vm2 =	vlt.f32 v31, v29  }
0x6f: {  	v30 =	vld [tilespmem:s3+$0x10];
	v29 =	vsel vm2, v31, v29  }
0x70: {  	vm3 =	vlt.f32 v34, v29  }
0x71: {  	v29 =	vsel vm3, v34, v29  }
0x72: {  	vm4 =	vlt.f32 v44, v29  }
0x73: {  	v29 =	vsel vm4, v44, v29  }
0x74: {  	vm5 =	vlt.f32 v30, v29  }
0x75: {  	v30 =	vsel vm5, v30, v29  }
0x76: {  	(xrf0) =	vmin.scan.msk.f32 $0xffff, v30  }
0x77: {  	s4 =	sadd.s32 $0xFFFFFFFF, s2  }
0x78: {  	v29 =	vsel vm0, s4, v32  }
0x79: {  	s24 =	sadd.s32 $0xFFFFFFFD, s0;
	v29 =	vsel vm1, s2, v29  }
0x7a: {  	s26 =	sadd.s32 $0xFFFFFFFE, s0;
	v29 =	vsel vm2, s24, v29  }
0x7b: {  	s3 =	sadd.s32 $0xFFFFFFFF, s0;
	v29 =	vsel vm3, s26, v29  }
0x7c: {  	v29 =	vsel vm4, s3, v29;
	v31, _, _ =	vpop (xrf0)  }
0x7d: {  	v29 =	vsel vm5, s0, v29;
	v31 =	vbroadcast v31, $0xF  }
0x7e: {  	v45 =	vshll.u32 v29, $0x4  }
0x7f: {  	v32 =	vxor.u32 v3, v45;
	vm0 =	veq.f32 v30, v31  }
0x80: {  	v32 =	vnsel vm0, $0xC0000000, v32  }
0x81: {  	(xrf0) =	vmin.scan.msk.u32 $0xffff, v32;
	_ =	sdelay $0x5  }
0x82: {  	v32, _, _ =	vpop (xrf0)  }
0x83: {  	(v2sf) =	vpush v32, $0xF;
	_ =	sdelay $0xd  }
0x84: {  	s4 =	simm.s32 $0x0  }
0x85: {  	v46 =	vmov s4;
	s24 =	spop (v2sf)  }
0x86: {  	s26 =	sxor.u32 $0x80000000, s24  }
0x87: {  	s0 =	sand.u32 $0xF, s24;
	v47 =	vmov s26  }
0x88: {  	v48 =	vor.u32 s0, v1  }
0x89: {  	s2 =	sadd.s32 s8, s26  }
0x8a: {  	[tilespmem:v46+s13+$0x0] =	vst.idx.msk $0x1, v31;
	v31 =	vor.u32 s0, v4;
	v35 =	vmov s2  }
0x8b: {  	[tilespmem:v46+s14+$0x0] =	vst.idx.msk $0x1, v35  }
0x8c: {  	v49 =	vor.u32 s0, v5;
	[tilespmem:v47+s5+$0x0] =	vst.idx.msk $0x1, v2  }
0x8d: {  	v33 =	vld.idx.msk [tilespmem:v48+s5+$0x0], $0xffff  }
0x8e: {  	v50 =	vor.u32 s0, v6  }
0x8f: {  	v31 =	vld.idx.msk [tilespmem:v31+s5+$0x0], $0xffff  }
0x90: {  	v51 =	vor.u32 s0, v7  }
0x91: {  	v32 =	vld.idx.msk [tilespmem:v49+s5+$0x0], $0xffff  }
0x92: {  	v36 =	vor.u32 s0, v8;
	vm0 =	vlt.f32 v33, $1.000000020e+30  }
0x93: {  	v34 =	vld.idx.msk [tilespmem:v50+s5+$0x0], $0xffff;
	v33 =	vnsel vm0, $0x7149F2CA, v33  }
0x94: {  	v37 =	vor.u32 s0, v9;
	vm1 =	vlt.f32 v31, v33  }
0x95: {  	v35 =	vld.idx.msk [tilespmem:v51+s5+$0x0], $0xffff;
	v31 =	vsel vm1, v31, v33  }
0x96: {  	v52 =	vor.u32 s0, v10;
	vm2 =	vlt.f32 v32, v31  }
0x97: {  	v36 =	vld.idx.msk [tilespmem:v36+s5+$0x0], $0xffff;
	v31 =	vsel vm2, v32, v31  }
0x98: {  	v53 =	vor.u32 s0, v11;
	vm3 =	vlt.f32 v34, v31  }
0x99: {  	v37 =	vld.idx.msk [tilespmem:v37+s5+$0x0], $0xffff;
	v31 =	vsel vm3, v34, v31  }
0x9a: {  	v54 =	vor.u32 s0, v12;
	vm14 =	vlt.f32 v35, v31  }
0x9b: {  	v33 =	vld.idx.msk [tilespmem:v52+s5+$0x0], $0xffff;
	v31 =	vsel vm14, v35, v31  }
0x9c: {  	v55 =	vor.u32 s0, v13;
	vm15 =	vlt.f32 v36, v31  }
0x9d: {  	v32 =	vld.idx.msk [tilespmem:v53+s5+$0x0], $0xffff;
	v31 =	vsel vm15, v36, v31  }
0x9e: {  	v56 =	vor.u32 s0, v24;
	vm6 =	vlt.f32 v37, v31  }
0x9f: {  	v34 =	vld.idx.msk [tilespmem:v54+s5+$0x0], $0xffff;
	v31 =	vsel vm6, v37, v31  }
0xa0: {  	v57 =	vor.u32 s0, v26;
	vm7 =	vlt.f32 v33, v31  }
0xa1: {  	v35 =	vld.idx.msk [tilespmem:v55+s5+$0x0], $0xffff;
	v31 =	vsel vm7, v33, v31  }
0xa2: {  	vm8 =	vlt.f32 v32, v31  }
0xa3: {  	v58 =	vld.idx.msk [tilespmem:v56+s5+$0x0], $0xffff;
	v31 =	vsel vm8, v32, v31  }
0xa4: {  	vm9 =	vlt.f32 v34, v31  }
0xa5: {  	v59 =	vld.idx.msk [tilespmem:v57+s5+$0x0], $0xffff;
	v31 =	vsel vm9, v34, v31  }
0xa6: {  	vm10 =	vlt.f32 v35, v31  }
0xa7: {  	v31 =	vsel vm10, v35, v31  }
0xa8: {  	vm11 =	vlt.f32 v58, v31  }
0xa9: {  	v60 =	vnsel vm0, $0x80000000, v3;
	v31 =	vsel vm11, v58, v31  }
0xaa: {  	v33 =	vsel vm1, v14, v60;
	vm0 =	vlt.f32 v59, v31  }
0xab: {  	v61 =	vsel vm2, v15, v33;
	v31 =	vsel vm0, v59, v31  }
0xac: {  	v32 =	vsel vm3, v16, v61;
	(xrf0) =	vmin.scan.msk.f32 $0xffff, v31  }
0xad: {  	v32 =	vsel vm14, v17, v32  }
0xae: {  	v32 =	vsel vm15, v18, v32  }
0xaf: {  	v32 =	vsel vm6, v19, v32  }
0xb0: {  	v32 =	vsel vm7, v20, v32  }
0xb1: {  	v32 =	vsel vm8, v21, v32  }
0xb2: {  	v32 =	vsel vm9, v22, v32;
	v62, _, _ =	vpop (xrf0)  }
0xb3: {  	v32 =	vsel vm10, v23, v32;
	v33 =	vbroadcast v62, $0xF  }
0xb4: {  	v32 =	vsel vm11, v25, v32  }
0xb5: {  	vm1 =	veq.f32 v31, v33;
	v31 =	vsel vm0, v27, v32  }
0xb6: {  	v63 =	vmov s0;
	v31 =	vnsel vm1, $0xC0000000, v31  }
0xb7: {  	vm0 =	veq.s32 v63, v0;
	(xrf0) =	vmin.scan.msk.u32 $0xffff, v31  }
0xb8: {  	v30 =	vsel vm0, v33, v30  }
0xb9: {  	(xrf0) =	vmin.scan.msk.f32 $0xffff, v30;
	_ =	sdelay $0x3  }
0xba: {  	v31, _, _ =	vpop (xrf0)  }
0xbb: {  	v31 =	vbroadcast v31, $0xF  }
0xbc: {  	s0 =	simm.s32 $0x1;
	s2 =	simm.s32 $0x2;
	v32, _, _ =	vpop (xrf0)  }
.LBB2_16:
0xbd: {  	p5 =	sne.s32 s2, $0x3F;
	v32 =	vbroadcast v32, $0xF;
	v29 =	vsel vm0, v31, v29;
	s3 =	smov.u32 s2;
	s2 =	sadd.s32 $0x1, s2  }
0xbe: {  	v31 =	vshll.u32 v29, $0x4  }
0xbf: {  	vm0 =	veq.f32 v30, v32;
	v31 =	vxor.u32 v3, v31  }
0xc0: {  	v31 =	vnsel vm0, $0xC0000000, v31  }
0xc1: {  	(xrf0) =	vmin.scan.msk.u32 $0xffff, v31;
	_ =	sdelay $0x5  }
0xc2: {  	v31, _, _ =	vpop (xrf0)  }
0xc3: {  	(v2sf) =	vpush v31, $0xF;
	_ =	sdelay $0xe  }
0xc4: {  	v31 =	vmov s0;
	s0 =	smov.u32 s3;
	s4 =	spop (v2sf)  }
0xc5: {  	s24 =	sxor.u32 $0x80000000, s4;
	s3 =	sand.u32 $0xF, s4  }
0xc6: {  	s4 =	sadd.s32 s8, s24;
	v33 =	vmov s24;
	v34 =	vmov s3  }
0xc7: {  	v36 =	vor.u32 s3, v1;
	v35 =	vmov s4;
	_ =	sdelay $0x1  }
0xc8: {  	[tilespmem:v31+s13+$0x0] =	vst.idx.msk $0x1, v32;
	v32 =	vor.u32 s3, v4  }
0xc9: {  	[tilespmem:v31+s14+$0x0] =	vst.idx.msk $0x1, v35  }
0xca: {  	v31 =	vor.u32 s3, v5;
	[tilespmem:v33+s5+$0x0] =	vst.idx.msk $0x1, v2  }
0xcb: {  	v33 =	vld.idx.msk [tilespmem:v36+s5+$0x0], $0xffff  }
0xcc: {  	v35 =	vor.u32 s3, v6  }
0xcd: {  	v32 =	vld.idx.msk [tilespmem:v32+s5+$0x0], $0xffff  }
0xce: {  	v36 =	vor.u32 s3, v7  }
0xcf: {  	v31 =	vld.idx.msk [tilespmem:v31+s5+$0x0], $0xffff  }
0xd0: {  	v37 =	vor.u32 s3, v8  }
0xd1: {  	vm0 =	vlt.f32 v33, $1.000000020e+30;
	v35 =	vld.idx.msk [tilespmem:v35+s5+$0x0], $0xffff  }
0xd2: {  	v38 =	vor.u32 s3, v9;
	v33 =	vnsel vm0, $0x7149F2CA, v33  }
0xd3: {  	vm1 =	vlt.f32 v32, v33;
	v36 =	vld.idx.msk [tilespmem:v36+s5+$0x0], $0xffff  }
0xd4: {  	v32 =	vsel vm1, v32, v33;
	v33 =	vor.u32 s3, v10  }
0xd5: {  	vm2 =	vlt.f32 v31, v32;
	v37 =	vld.idx.msk [tilespmem:v37+s5+$0x0], $0xffff  }
0xd6: {  	v31 =	vsel vm2, v31, v32;
	v32 =	vor.u32 s3, v11  }
0xd7: {  	vm3 =	vlt.f32 v35, v31;
	v38 =	vld.idx.msk [tilespmem:v38+s5+$0x0], $0xffff  }
0xd8: {  	v31 =	vsel vm3, v35, v31;
	v35 =	vor.u32 s3, v12  }
0xd9: {  	vm4 =	vlt.f32 v36, v31;
	v33 =	vld.idx.msk [tilespmem:v33+s5+$0x0], $0xffff  }
0xda: {  	v31 =	vsel vm4, v36, v31;
	v36 =	vor.u32 s3, v13  }
0xdb: {  	vm5 =	vlt.f32 v37, v31;
	v32 =	vld.idx.msk [tilespmem:v32+s5+$0x0], $0xffff  }
0xdc: {  	v31 =	vsel vm5, v37, v31;
	v37 =	vor.u32 s3, v24  }
0xdd: {  	vm6 =	vlt.f32 v38, v31;
	v35 =	vld.idx.msk [tilespmem:v35+s5+$0x0], $0xffff  }
0xde: {  	v31 =	vsel vm6, v38, v31;
	v38 =	vor.u32 s3, v26  }
0xdf: {  	vm7 =	vlt.f32 v33, v31;
	v36 =	vld.idx.msk [tilespmem:v36+s5+$0x0], $0xffff  }
0xe0: {  	v31 =	vsel vm7, v33, v31  }
0xe1: {  	vm8 =	vlt.f32 v32, v31;
	v33 =	vld.idx.msk [tilespmem:v37+s5+$0x0], $0xffff  }
0xe2: {  	v31 =	vsel vm8, v32, v31  }
0xe3: {  	vm9 =	vlt.f32 v35, v31;
	v32 =	vld.idx.msk [tilespmem:v38+s5+$0x0], $0xffff  }
0xe4: {  	v31 =	vsel vm9, v35, v31  }
0xe5: {  	vm10 =	vlt.f32 v36, v31  }
0xe6: {  	v31 =	vsel vm10, v36, v31  }
0xe7: {  	vm11 =	vlt.f32 v33, v31  }
0xe8: {  	v31 =	vsel vm11, v33, v31;
	v33 =	vnsel vm0, $0x80000000, v3  }
0xe9: {  	vm12 =	vlt.f32 v32, v31;
	v33 =	vsel vm1, v14, v33  }
0xea: {  	v31 =	vsel vm12, v32, v31;
	v32 =	vsel vm2, v15, v33  }
0xeb: {  	v32 =	vsel vm3, v16, v32;
	(xrf0) =	vmin.scan.msk.f32 $0xffff, v31  }
0xec: {  	v32 =	vsel vm4, v17, v32  }
0xed: {  	v32 =	vsel vm5, v18, v32  }
0xee: {  	v32 =	vsel vm6, v19, v32  }
0xef: {  	v32 =	vsel vm7, v20, v32  }
0xf0: {  	v32 =	vsel vm8, v21, v32  }
0xf1: {  	v32 =	vsel vm9, v22, v32;
	v33, _, _ =	vpop (xrf0)  }
0xf2: {  	v32 =	vsel vm10, v23, v32;
	v33 =	vbroadcast v33, $0xF  }
0xf3: {  	vm0 =	veq.s32 v34, v0;
	v32 =	vsel vm11, v25, v32  }
0xf4: {  	vm1 =	veq.f32 v31, v33;
	v31 =	vsel vm12, v27, v32;
	v30 =	vsel vm0, v33, v30  }
0xf5: {  	v31 =	vnsel vm1, $0xC0000000, v31  }
0xf6: {  	(xrf0) =	vmin.scan.msk.u32 $0xffff, v31;
	_ =	sdelay $0x1  }
0xf7: {  	(xrf0) =	vmin.scan.msk.f32 $0xffff, v30;
	_ =	sdelay $0x1  }
.Ltmp4:
0xf8: {  	(pc) =	sbr.rel @p5 .LBB2_16-.Ltmp4, $4  }
0xf9: {  	_ = 	snop  }
0xfa: {  	v31, _, _ =	vpop (xrf0)  }
0xfb: {  	v31 =	vbroadcast v31, $0xF  }
0xfc: {  	v32, _, _ =	vpop (xrf0)  }
0xfd: {  	v32 =	vbroadcast v32, $0xF;
	v29 =	vsel vm0, v31, v29  }
0xfe: {  	v29 =	vshll.u32 v29, $0x4  }
0xff: {  	vm12 =	veq.f32 v30, v32;
	v29 =	vxor.u32 v3, v29  }
0x100: {  	v29 =	vnsel vm12, $0xC0000000, v29  }
0x101: {  	(xrf0) =	vmin.scan.msk.u32 $0xffff, v29;
	_ =	sdelay $0x5  }
0x102: {  	v29, _, _ =	vpop (xrf0)  }
0x103: {  	(v2sf) =	vpush v29, $0xF;
	_ =	sdelay $0xe  }
0x104: {  	v29 =	vmov s0;
	s26 =	spop (v2sf)  }
0x105: {  	s2 =	sxor.u32 $0x80000000, s26  }
0x106: {  	s0 =	sand.u32 $0xF, s26;
	v30 =	vmov s2  }
0x107: {  	v31 =	vor.u32 s0, v1  }
0x108: {  	s2 =	sadd.s32 s8, s2  }
0x109: {  	[tilespmem:v29+s13+$0x0] =	vst.idx.msk $0x1, v32;
	v57 =	vor.u32 s0, v4;
	v33 =	vmov s2  }
0x10a: {  	[tilespmem:v29+s14+$0x0] =	vst.idx.msk $0x1, v33  }
0x10b: {  	v29 =	vor.u32 s0, v5;
	[tilespmem:v30+s5+$0x0] =	vst.idx.msk $0x1, v2  }
0x10c: {  	v30 =	vld.idx.msk [tilespmem:v31+s5+$0x0], $0xffff  }
0x10d: {  	v31 =	vor.u32 s0, v6  }
0x10e: {  	v32 =	vld.idx.msk [tilespmem:v57+s5+$0x0], $0xffff  }
0x10f: {  	v58 =	vor.u32 s0, v7  }
0x110: {  	v29 =	vld.idx.msk [tilespmem:v29+s5+$0x0], $0xffff  }
0x111: {  	v34 =	vor.u32 s0, v8;
	vm13 =	vlt.f32 v30, $1.000000020e+30  }
0x112: {  	v31 =	vld.idx.msk [tilespmem:v31+s5+$0x0], $0xffff;
	v30 =	vnsel vm13, $0x7149F2CA, v30  }
0x113: {  	v35 =	vor.u32 s0, v9;
	vm1 =	vlt.f32 v32, v30  }
0x114: {  	v33 =	vld.idx.msk [tilespmem:v58+s5+$0x0], $0xffff;
	v30 =	vsel vm1, v32, v30  }
0x115: {  	v59 =	vor.u32 s0, v10;
	vm2 =	vlt.f32 v29, v30  }
0x116: {  	v34 =	vld.idx.msk [tilespmem:v34+s5+$0x0], $0xffff;
	v29 =	vsel vm2, v29, v30  }
0x117: {  	v30 =	vor.u32 s0, v11;
	vm3 =	vlt.f32 v31, v29  }
0x118: {  	v35 =	vld.idx.msk [tilespmem:v35+s5+$0x0], $0xffff;
	v29 =	vsel vm3, v31, v29  }
0x119: {  	v31 =	vor.u32 s0, v12;
	vm4 =	vlt.f32 v33, v29  }
0x11a: {  	v32 =	vld.idx.msk [tilespmem:v59+s5+$0x0], $0xffff;
	v29 =	vsel vm4, v33, v29  }
0x11b: {  	v60 =	vor.u32 s0, v13;
	vm5 =	vlt.f32 v34, v29  }
0x11c: {  	v30 =	vld.idx.msk [tilespmem:v30+s5+$0x0], $0xffff;
	v29 =	vsel vm5, v34, v29  }
0x11d: {  	v61 =	vor.u32 s0, v24;
	vm6 =	vlt.f32 v35, v29  }
0x11e: {  	v31 =	vld.idx.msk [tilespmem:v31+s5+$0x0], $0xffff;
	v29 =	vsel vm6, v35, v29  }
0x11f: {  	v62 =	vor.u32 s0, v26;
	vm7 =	vlt.f32 v32, v29  }
0x120: {  	v33 =	vld.idx.msk [tilespmem:v60+s5+$0x0], $0xffff;
	v29 =	vsel vm7, v32, v29  }
0x121: {  	vm8 =	vlt.f32 v30, v29  }
0x122: {  	v63 =	vld.idx.msk [tilespmem:v61+s5+$0x0], $0xffff;
	v29 =	vsel vm8, v30, v29  }
0x123: {  	vm9 =	vlt.f32 v31, v29  }
0x124: {  	v30 =	vld.idx.msk [tilespmem:v62+s5+$0x0], $0xffff;
	v29 =	vsel vm9, v31, v29  }
0x125: {  	vm10 =	vlt.f32 v33, v29  }
0x126: {  	v29 =	vsel vm10, v33, v29  }
0x127: {  	vm11 =	vlt.f32 v63, v29  }
0x128: {  	v31 =	vnsel vm13, $0x80000000, v3;
	v29 =	vsel vm11, v63, v29  }
0x129: {  	v31 =	vsel vm1, v14, v31;
	vm14 =	vlt.f32 v30, v29  }
0x12a: {  	v29 =	vsel vm14, v30, v29;
	v30 =	vsel vm2, v15, v31  }
0x12b: {  	v30 =	vsel vm3, v16, v30;
	(xrf0) =	vmin.scan.msk.f32 $0xffff, v29  }
0x12c: {  	v30 =	vsel vm4, v17, v30  }
0x12d: {  	v30 =	vsel vm5, v18, v30  }
0x12e: {  	v30 =	vsel vm6, v19, v30  }
0x12f: {  	v30 =	vsel vm7, v20, v30  }
0x130: {  	v30 =	vsel vm8, v21, v30  }
0x131: {  	v30 =	vsel vm9, v22, v30;
	v31, _, _ =	vpop (xrf0)  }
0x132: {  	v31 =	vbroadcast v31, $0xF;
	v30 =	vsel vm10, v23, v30  }
0x133: {  	v30 =	vsel vm11, v25, v30  }
0x134: {  	vm15 =	veq.f32 v29, v31;
	v29 =	vsel vm14, v27, v30  }
0x135: {  	v29 =	vnsel vm15, $0xC0000000, v29  }
0x136: {  	(xrf0) =	vmin.scan.msk.u32 $0xffff, v29;
	_ =	sdelay $0x5  }
0x137: {  	[spmem:s15] =	stream.linear.scatter [tilespmem:s13], [sflag:$0x2], $0x40, $0x38;
	v29, _, _ =	vpop (xrf0);
	[tilespmem:$0x3788] =	vst v63  }
0x138: {  	_ =	swait.ge [sflag:s20], $0x40  }
0x139: {  	[sflag:s20] =	ssyncset.done $0x0  }
0x13a: {  	[sflag:s20] =	ssyncadd.s32 $0xFFFFFFC0  }
0x13b: {  	[spmem:s16] =	stream.linear.scatter [tilespmem:s14], [sflag:$0x2], $0x40, $0x38;
	[tilespmem:$0x3788] =	vst v63  }
.Ltmp5:
0x13c: {  	_ =	swait.ge [sflag:s20], $0x40;
	(pc) =	sbr.rel @!p3 .LBB2_18-.Ltmp5, $3  }
0x13d: {  	[sflag:s20] =	ssyncset.done $0x0  }
0x13e: {  	[sflag:s20] =	ssyncadd.s32 $0xFFFFFFC0  }
0x13f: {  	[bflag:$0x0] =	sbarrier.arrive $0xFFFF;
	_ =	sdelay $0x1  }
.Ltmp6:
0x140: {  	(pc) =	sbr.rel @p4 .LBB2_24-.Ltmp6, $4  }
.Ltmp7:
0x141: {  	(pc) =	sbr.rel @!p4 .LBB2_25-.Ltmp7, $4  }
0x142: {  	_ = 	snop  }
0x143: {  	[bflag:$0x0] =	sbarrier.arrive $0xFFFF  }
0x144: {  	s0 =	smov.u32 s12  }
0x145: {  	_ = 	snop  }
.LBB2_2:
0x146: {  	[tilespmem:$0xC40] =	vst v28  }
0x147: {  	[tilespmem:$0xC50] =	vst v28  }
0x148: {  	[tilespmem:$0xC60] =	vst v28  }
0x149: {  	[tilespmem:$0xC70] =	vst v28  }
0x14a: {  	[tilespmem:$0xC80] =	vst v28  }
0x14b: {  	[tilespmem:$0xC90] =	vst v28  }
0x14c: {  	[tilespmem:$0xCA0] =	vst v28  }
0x14d: {  	[tilespmem:$0xCB0] =	vst v28  }
0x14e: {  	[tilespmem:$0xCC0] =	vst v28  }
0x14f: {  	[tilespmem:$0xCD0] =	vst v28  }
0x150: {  	[tilespmem:$0xCE0] =	vst v28  }
0x151: {  	[tilespmem:$0xCF0] =	vst v28;
	v29 =	vimm.f32 @!p2 $-1.000000020e+30  }
0x152: {  	[tilespmem:$0xB90] =	vst @!p2 v29  }
0x153: {  	[tilespmem:$0xBA0] =	vst @!p2 v29  }
0x154: {  	[tilespmem:$0xBB0] =	vst @!p2 v29  }
0x155: {  	[tilespmem:$0xBC0] =	vst @!p2 v29  }
0x156: {  	[tilespmem:$0xBD0] =	vst @!p2 v29  }
0x157: {  	[tilespmem:$0xBE0] =	vst @!p2 v29  }
0x158: {  	[tilespmem:$0xBF0] =	vst @!p2 v29  }
0x159: {  	[tilespmem:$0xC00] =	vst @!p2 v29  }
0x15a: {  	[tilespmem:$0xC10] =	vst @!p2 v29  }
0x15b: {  	[tilespmem:$0xC20] =	vst @!p2 v29  }
0x15c: {  	s0 =	simm.s32 $0x20;
	[tilespmem:$0xC30] =	vst @!p2 v29  }
0x15d: {  	v30 =	vld [tilespmem:s0+$0xFFFFFFE0];
	_ =	sdelay $0x1  }
0x15e: {  	v32 =	vld [tilespmem:s0+$0xFFFFFFF0];
	_ =	sdelay $0x1  }
0x15f: {  	v31 =	vimm.f32 $-1.000000020e+30;
	v29 =	vld [tilespmem:s0+$0x0]  }
0x160: {  	vm0 =	vgt.f32 v30, v31  }
0x161: {  	v33 =	vimm.s32 $0x0;
	s2 =	simm.s32 $0x0;
	v34 =	vsel vm0, v30, v31;
	v30 =	vld [tilespmem:s0+$0x10]  }
0x162: {  	s24 =	simm.s32 $0x1;
	s3 =	simm.s32 $0x60;
	v35 =	vsel vm0, s2, v33;
	vm15 =	vgt.f32 v32, v34  }
0x163: {  	s4 =	simm.s32 $0xB;
	s2 =	simm.s32 $0x3;
	s0 =	simm.s32 $0x7;
	v31 =	vld [tilespmem:s3+$0xFFFFFFE0];
	v33 =	vsel vm15, v32, v34;
	v32 =	vsel vm15, s24, v35  }
.LBB2_3:
0x164: {  	p5 =	sne.s32 s4, $0xC3;
	s24 =	sadd.s32 $0xFFFFFFFF, s2;
	vm0 =	vgt.f32 v29, v33  }
0x165: {  	v34 =	vld [tilespmem:s3+$0xFFFFFFF0];
	v33 =	vsel vm0, v29, v33;
	v32 =	vsel vm0, s24, v32  }
0x166: {  	vm0 =	vgt.f32 v30, v33  }
.Ltmp8:
0x167: {  	v29 =	vld [tilespmem:s3+$0x0];
	v30 =	vsel vm0, v30, v33;
	v32 =	vsel vm0, s2, v32;
	s2 =	smov.u32 s0;
	s0 =	smov.u32 s4;
	(pc) =	sbr.rel @p5 .LBB2_3-.Ltmp8, $4  }
0x168: {  	s24 =	sadd.s32 $0xFFFFFFFD, s2;
	vm0 =	vgt.f32 v31, v30  }
0x169: {  	v33 =	vsel vm0, v31, v30;
	v32 =	vsel vm0, s24, v32;
	v30 =	vld [tilespmem:s3+$0x10]  }
0x16a: {  	s24 =	sadd.s32 $0xFFFFFFFE, s2;
	s3 =	sadd.s32 $0x40, s3;
	vm0 =	vgt.f32 v34, v33  }
0x16b: {  	s4 =	sadd.s32 $0x4, s4;
	v31 =	vld [tilespmem:s3+$0xFFFFFFE0];
	v33 =	vsel vm0, v34, v33;
	v32 =	vsel vm0, s24, v32  }
0x16c: {  	vm0 =	vgt.f32 v29, v33  }
0x16d: {  	v34 =	vld [tilespmem:s3+$0xFFFFFFF0];
	v29 =	vsel vm0, v29, v33  }
0x16e: {  	vm1 =	vgt.f32 v30, v29  }
0x16f: {  	v44 =	vld [tilespmem:s3+$0x0];
	v29 =	vsel vm1, v30, v29  }
0x170: {  	vm2 =	vgt.f32 v31, v29  }
0x171: {  	v30 =	vld [tilespmem:s3+$0x10];
	v29 =	vsel vm2, v31, v29  }
0x172: {  	vm3 =	vgt.f32 v34, v29  }
0x173: {  	v29 =	vsel vm3, v34, v29  }
0x174: {  	vm4 =	vgt.f32 v44, v29  }
0x175: {  	v29 =	vsel vm4, v44, v29  }
0x176: {  	vm5 =	vgt.f32 v30, v29  }
0x177: {  	v30 =	vsel vm5, v30, v29  }
0x178: {  	(xrf0) =	vmax.scan.msk.f32 $0xffff, v30  }
0x179: {  	s4 =	sadd.s32 $0xFFFFFFFF, s2  }
0x17a: {  	v29 =	vsel vm0, s4, v32  }
0x17b: {  	s24 =	sadd.s32 $0xFFFFFFFD, s0;
	v29 =	vsel vm1, s2, v29  }
0x17c: {  	s26 =	sadd.s32 $0xFFFFFFFE, s0;
	v29 =	vsel vm2, s24, v29  }
0x17d: {  	s3 =	sadd.s32 $0xFFFFFFFF, s0;
	v29 =	vsel vm3, s26, v29  }
0x17e: {  	v29 =	vsel vm4, s3, v29;
	v31, _, _ =	vpop (xrf0)  }
0x17f: {  	v29 =	vsel vm5, s0, v29;
	v31 =	vbroadcast v31, $0xF  }
0x180: {  	v45 =	vshll.u32 v29, $0x4  }
0x181: {  	v32 =	vxor.u32 v3, v45;
	vm0 =	veq.f32 v30, v31  }
0x182: {  	v32 =	vnsel vm0, $0xC0000000, v32  }
0x183: {  	(xrf0) =	vmin.scan.msk.u32 $0xffff, v32;
	_ =	sdelay $0x5  }
0x184: {  	v32, _, _ =	vpop (xrf0)  }
0x185: {  	(v2sf) =	vpush v32, $0xF;
	_ =	sdelay $0xd  }
0x186: {  	s4 =	simm.s32 $0x0  }
0x187: {  	v46 =	vmov s4;
	s24 =	spop (v2sf)  }
0x188: {  	s26 =	sxor.u32 $0x80000000, s24  }
0x189: {  	s0 =	sand.u32 $0xF, s24;
	v47 =	vmov s26  }
0x18a: {  	v48 =	vor.u32 s0, v1  }
0x18b: {  	s2 =	sadd.s32 s8, s26  }
0x18c: {  	[tilespmem:v46+s13+$0x0] =	vst.idx.msk $0x1, v31;
	v31 =	vor.u32 s0, v4;
	v35 =	vmov s2  }
0x18d: {  	[tilespmem:v46+s14+$0x0] =	vst.idx.msk $0x1, v35  }
0x18e: {  	v49 =	vor.u32 s0, v5;
	[tilespmem:v47+s5+$0x0] =	vst.idx.msk $0x1, v28  }
0x18f: {  	v33 =	vld.idx.msk [tilespmem:v48+s5+$0x0], $0xffff  }
0x190: {  	v50 =	vor.u32 s0, v6  }
0x191: {  	v31 =	vld.idx.msk [tilespmem:v31+s5+$0x0], $0xffff  }
0x192: {  	v51 =	vor.u32 s0, v7  }
0x193: {  	v32 =	vld.idx.msk [tilespmem:v49+s5+$0x0], $0xffff  }
0x194: {  	v36 =	vor.u32 s0, v8;
	vm0 =	vgt.f32 v33, $-1.000000020e+30  }
0x195: {  	v34 =	vld.idx.msk [tilespmem:v50+s5+$0x0], $0xffff;
	v33 =	vnsel vm0, $0xF149F2CA, v33  }
0x196: {  	v37 =	vor.u32 s0, v9;
	vm1 =	vgt.f32 v31, v33  }
0x197: {  	v35 =	vld.idx.msk [tilespmem:v51+s5+$0x0], $0xffff;
	v31 =	vsel vm1, v31, v33  }
0x198: {  	v52 =	vor.u32 s0, v10;
	vm2 =	vgt.f32 v32, v31  }
0x199: {  	v36 =	vld.idx.msk [tilespmem:v36+s5+$0x0], $0xffff;
	v31 =	vsel vm2, v32, v31  }
0x19a: {  	v53 =	vor.u32 s0, v11;
	vm3 =	vgt.f32 v34, v31  }
0x19b: {  	v37 =	vld.idx.msk [tilespmem:v37+s5+$0x0], $0xffff;
	v31 =	vsel vm3, v34, v31  }
0x19c: {  	v54 =	vor.u32 s0, v12;
	vm14 =	vgt.f32 v35, v31  }
0x19d: {  	v33 =	vld.idx.msk [tilespmem:v52+s5+$0x0], $0xffff;
	v31 =	vsel vm14, v35, v31  }
0x19e: {  	v55 =	vor.u32 s0, v13;
	vm15 =	vgt.f32 v36, v31  }
0x19f: {  	v32 =	vld.idx.msk [tilespmem:v53+s5+$0x0], $0xffff;
	v31 =	vsel vm15, v36, v31  }
0x1a0: {  	v56 =	vor.u32 s0, v24;
	vm6 =	vgt.f32 v37, v31  }
0x1a1: {  	v34 =	vld.idx.msk [tilespmem:v54+s5+$0x0], $0xffff;
	v31 =	vsel vm6, v37, v31  }
0x1a2: {  	v57 =	vor.u32 s0, v26;
	vm7 =	vgt.f32 v33, v31  }
0x1a3: {  	v35 =	vld.idx.msk [tilespmem:v55+s5+$0x0], $0xffff;
	v31 =	vsel vm7, v33, v31  }
0x1a4: {  	vm8 =	vgt.f32 v32, v31  }
0x1a5: {  	v58 =	vld.idx.msk [tilespmem:v56+s5+$0x0], $0xffff;
	v31 =	vsel vm8, v32, v31  }
0x1a6: {  	vm9 =	vgt.f32 v34, v31  }
0x1a7: {  	v59 =	vld.idx.msk [tilespmem:v57+s5+$0x0], $0xffff;
	v31 =	vsel vm9, v34, v31  }
0x1a8: {  	vm10 =	vgt.f32 v35, v31  }
0x1a9: {  	v31 =	vsel vm10, v35, v31  }
0x1aa: {  	vm11 =	vgt.f32 v58, v31  }
0x1ab: {  	v60 =	vnsel vm0, $0x80000000, v3;
	v31 =	vsel vm11, v58, v31  }
0x1ac: {  	v33 =	vsel vm1, v14, v60;
	vm0 =	vgt.f32 v59, v31  }
0x1ad: {  	v61 =	vsel vm2, v15, v33;
	v31 =	vsel vm0, v59, v31  }
0x1ae: {  	v32 =	vsel vm3, v16, v61;
	(xrf0) =	vmax.scan.msk.f32 $0xffff, v31  }
0x1af: {  	v32 =	vsel vm14, v17, v32  }
0x1b0: {  	v32 =	vsel vm15, v18, v32  }
0x1b1: {  	v32 =	vsel vm6, v19, v32  }
0x1b2: {  	v32 =	vsel vm7, v20, v32  }
0x1b3: {  	v32 =	vsel vm8, v21, v32  }
0x1b4: {  	v32 =	vsel vm9, v22, v32;
	v62, _, _ =	vpop (xrf0)  }
0x1b5: {  	v32 =	vsel vm10, v23, v32;
	v33 =	vbroadcast v62, $0xF  }
0x1b6: {  	v32 =	vsel vm11, v25, v32  }
0x1b7: {  	vm1 =	veq.f32 v31, v33;
	v31 =	vsel vm0, v27, v32  }
0x1b8: {  	v63 =	vmov s0;
	v31 =	vnsel vm1, $0xC0000000, v31  }
0x1b9: {  	vm0 =	veq.s32 v63, v0;
	(xrf0) =	vmin.scan.msk.u32 $0xffff, v31  }
0x1ba: {  	v30 =	vsel vm0, v33, v30  }
0x1bb: {  	(xrf0) =	vmax.scan.msk.f32 $0xffff, v30;
	_ =	sdelay $0x3  }
0x1bc: {  	v31, _, _ =	vpop (xrf0)  }
0x1bd: {  	v31 =	vbroadcast v31, $0xF  }
0x1be: {  	s0 =	simm.s32 $0x1;
	s2 =	simm.s32 $0x2;
	v32, _, _ =	vpop (xrf0)  }
.LBB2_5:
0x1bf: {  	p5 =	sne.s32 s2, $0x3F;
	v32 =	vbroadcast v32, $0xF;
	v29 =	vsel vm0, v31, v29;
	s3 =	smov.u32 s2;
	s2 =	sadd.s32 $0x1, s2  }
0x1c0: {  	v31 =	vshll.u32 v29, $0x4  }
0x1c1: {  	vm0 =	veq.f32 v30, v32;
	v31 =	vxor.u32 v3, v31  }
0x1c2: {  	v31 =	vnsel vm0, $0xC0000000, v31  }
0x1c3: {  	(xrf0) =	vmin.scan.msk.u32 $0xffff, v31;
	_ =	sdelay $0x5  }
0x1c4: {  	v31, _, _ =	vpop (xrf0)  }
0x1c5: {  	(v2sf) =	vpush v31, $0xF;
	_ =	sdelay $0xe  }
0x1c6: {  	v31 =	vmov s0;
	s0 =	smov.u32 s3;
	s4 =	spop (v2sf)  }
0x1c7: {  	s24 =	sxor.u32 $0x80000000, s4;
	s3 =	sand.u32 $0xF, s4  }
0x1c8: {  	s4 =	sadd.s32 s8, s24;
	v33 =	vmov s24;
	v34 =	vmov s3  }
0x1c9: {  	v36 =	vor.u32 s3, v1;
	v35 =	vmov s4;
	_ =	sdelay $0x1  }
0x1ca: {  	[tilespmem:v31+s13+$0x0] =	vst.idx.msk $0x1, v32;
	v32 =	vor.u32 s3, v4  }
0x1cb: {  	[tilespmem:v31+s14+$0x0] =	vst.idx.msk $0x1, v35  }
0x1cc: {  	v31 =	vor.u32 s3, v5;
	[tilespmem:v33+s5+$0x0] =	vst.idx.msk $0x1, v28  }
0x1cd: {  	v33 =	vld.idx.msk [tilespmem:v36+s5+$0x0], $0xffff  }
0x1ce: {  	v35 =	vor.u32 s3, v6  }
0x1cf: {  	v32 =	vld.idx.msk [tilespmem:v32+s5+$0x0], $0xffff  }
0x1d0: {  	v36 =	vor.u32 s3, v7  }
0x1d1: {  	v31 =	vld.idx.msk [tilespmem:v31+s5+$0x0], $0xffff  }
0x1d2: {  	v37 =	vor.u32 s3, v8  }
0x1d3: {  	vm0 =	vgt.f32 v33, $-1.000000020e+30;
	v35 =	vld.idx.msk [tilespmem:v35+s5+$0x0], $0xffff  }
0x1d4: {  	v38 =	vor.u32 s3, v9;
	v33 =	vnsel vm0, $0xF149F2CA, v33  }
0x1d5: {  	vm1 =	vgt.f32 v32, v33;
	v36 =	vld.idx.msk [tilespmem:v36+s5+$0x0], $0xffff  }
0x1d6: {  	v32 =	vsel vm1, v32, v33;
	v33 =	vor.u32 s3, v10  }
0x1d7: {  	vm2 =	vgt.f32 v31, v32;
	v37 =	vld.idx.msk [tilespmem:v37+s5+$0x0], $0xffff  }
0x1d8: {  	v31 =	vsel vm2, v31, v32;
	v32 =	vor.u32 s3, v11  }
0x1d9: {  	vm3 =	vgt.f32 v35, v31;
	v38 =	vld.idx.msk [tilespmem:v38+s5+$0x0], $0xffff  }
0x1da: {  	v31 =	vsel vm3, v35, v31;
	v35 =	vor.u32 s3, v12  }
0x1db: {  	vm4 =	vgt.f32 v36, v31;
	v33 =	vld.idx.msk [tilespmem:v33+s5+$0x0], $0xffff  }
0x1dc: {  	v31 =	vsel vm4, v36, v31;
	v36 =	vor.u32 s3, v13  }
0x1dd: {  	vm5 =	vgt.f32 v37, v31;
	v32 =	vld.idx.msk [tilespmem:v32+s5+$0x0], $0xffff  }
0x1de: {  	v31 =	vsel vm5, v37, v31;
	v37 =	vor.u32 s3, v24  }
0x1df: {  	vm6 =	vgt.f32 v38, v31;
	v35 =	vld.idx.msk [tilespmem:v35+s5+$0x0], $0xffff  }
0x1e0: {  	v31 =	vsel vm6, v38, v31;
	v38 =	vor.u32 s3, v26  }
0x1e1: {  	vm7 =	vgt.f32 v33, v31;
	v36 =	vld.idx.msk [tilespmem:v36+s5+$0x0], $0xffff  }
0x1e2: {  	v31 =	vsel vm7, v33, v31  }
0x1e3: {  	vm8 =	vgt.f32 v32, v31;
	v33 =	vld.idx.msk [tilespmem:v37+s5+$0x0], $0xffff  }
0x1e4: {  	v31 =	vsel vm8, v32, v31  }
0x1e5: {  	vm9 =	vgt.f32 v35, v31;
	v32 =	vld.idx.msk [tilespmem:v38+s5+$0x0], $0xffff  }
0x1e6: {  	v31 =	vsel vm9, v35, v31  }
0x1e7: {  	vm10 =	vgt.f32 v36, v31  }
0x1e8: {  	v31 =	vsel vm10, v36, v31  }
0x1e9: {  	vm11 =	vgt.f32 v33, v31  }
0x1ea: {  	v31 =	vsel vm11, v33, v31;
	v33 =	vnsel vm0, $0x80000000, v3  }
0x1eb: {  	vm12 =	vgt.f32 v32, v31;
	v33 =	vsel vm1, v14, v33  }
0x1ec: {  	v31 =	vsel vm12, v32, v31;
	v32 =	vsel vm2, v15, v33  }
0x1ed: {  	v32 =	vsel vm3, v16, v32;
	(xrf0) =	vmax.scan.msk.f32 $0xffff, v31  }
0x1ee: {  	v32 =	vsel vm4, v17, v32  }
0x1ef: {  	v32 =	vsel vm5, v18, v32  }
0x1f0: {  	v32 =	vsel vm6, v19, v32  }
0x1f1: {  	v32 =	vsel vm7, v20, v32  }
0x1f2: {  	v32 =	vsel vm8, v21, v32  }
0x1f3: {  	v32 =	vsel vm9, v22, v32;
	v33, _, _ =	vpop (xrf0)  }
0x1f4: {  	v32 =	vsel vm10, v23, v32;
	v33 =	vbroadcast v33, $0xF  }
0x1f5: {  	vm0 =	veq.s32 v34, v0;
	v32 =	vsel vm11, v25, v32  }
0x1f6: {  	vm1 =	veq.f32 v31, v33;
	v31 =	vsel vm12, v27, v32;
	v30 =	vsel vm0, v33, v30  }
0x1f7: {  	v31 =	vnsel vm1, $0xC0000000, v31  }
0x1f8: {  	(xrf0) =	vmin.scan.msk.u32 $0xffff, v31;
	_ =	sdelay $0x1  }
0x1f9: {  	(xrf0) =	vmax.scan.msk.f32 $0xffff, v30;
	_ =	sdelay $0x1  }
.Ltmp9:
0x1fa: {  	(pc) =	sbr.rel @p5 .LBB2_5-.Ltmp9, $4  }
0x1fb: {  	_ = 	snop  }
0x1fc: {  	v31, _, _ =	vpop (xrf0)  }
0x1fd: {  	v31 =	vbroadcast v31, $0xF  }
0x1fe: {  	v32, _, _ =	vpop (xrf0)  }
0x1ff: {  	v32 =	vbroadcast v32, $0xF;
	v29 =	vsel vm0, v31, v29  }
0x200: {  	v29 =	vshll.u32 v29, $0x4  }
0x201: {  	vm12 =	veq.f32 v30, v32;
	v29 =	vxor.u32 v3, v29  }
0x202: {  	v29 =	vnsel vm12, $0xC0000000, v29  }
0x203: {  	(xrf0) =	vmin.scan.msk.u32 $0xffff, v29;
	_ =	sdelay $0x5  }
0x204: {  	v29, _, _ =	vpop (xrf0)  }
0x205: {  	(v2sf) =	vpush v29, $0xF;
	_ =	sdelay $0xe  }
0x206: {  	v29 =	vmov s0;
	s26 =	spop (v2sf)  }
0x207: {  	s2 =	sxor.u32 $0x80000000, s26  }
0x208: {  	s0 =	sand.u32 $0xF, s26;
	v30 =	vmov s2  }
0x209: {  	v31 =	vor.u32 s0, v1  }
0x20a: {  	s2 =	sadd.s32 s8, s2  }
0x20b: {  	[tilespmem:v29+s13+$0x0] =	vst.idx.msk $0x1, v32;
	v57 =	vor.u32 s0, v4;
	v33 =	vmov s2  }
0x20c: {  	[tilespmem:v29+s14+$0x0] =	vst.idx.msk $0x1, v33  }
0x20d: {  	v29 =	vor.u32 s0, v5;
	[tilespmem:v30+s5+$0x0] =	vst.idx.msk $0x1, v28  }
0x20e: {  	v30 =	vld.idx.msk [tilespmem:v31+s5+$0x0], $0xffff  }
0x20f: {  	v31 =	vor.u32 s0, v6  }
0x210: {  	v32 =	vld.idx.msk [tilespmem:v57+s5+$0x0], $0xffff  }
0x211: {  	v58 =	vor.u32 s0, v7  }
0x212: {  	v29 =	vld.idx.msk [tilespmem:v29+s5+$0x0], $0xffff  }
0x213: {  	v34 =	vor.u32 s0, v8;
	vm13 =	vgt.f32 v30, $-1.000000020e+30  }
0x214: {  	v31 =	vld.idx.msk [tilespmem:v31+s5+$0x0], $0xffff;
	v30 =	vnsel vm13, $0xF149F2CA, v30  }
0x215: {  	v35 =	vor.u32 s0, v9;
	vm1 =	vgt.f32 v32, v30  }
0x216: {  	v33 =	vld.idx.msk [tilespmem:v58+s5+$0x0], $0xffff;
	v30 =	vsel vm1, v32, v30  }
0x217: {  	v59 =	vor.u32 s0, v10;
	vm2 =	vgt.f32 v29, v30  }
0x218: {  	v34 =	vld.idx.msk [tilespmem:v34+s5+$0x0], $0xffff;
	v29 =	vsel vm2, v29, v30  }
0x219: {  	v30 =	vor.u32 s0, v11;
	vm3 =	vgt.f32 v31, v29  }
0x21a: {  	v35 =	vld.idx.msk [tilespmem:v35+s5+$0x0], $0xffff;
	v29 =	vsel vm3, v31, v29  }
0x21b: {  	v31 =	vor.u32 s0, v12;
	vm4 =	vgt.f32 v33, v29  }
0x21c: {  	v32 =	vld.idx.msk [tilespmem:v59+s5+$0x0], $0xffff;
	v29 =	vsel vm4, v33, v29  }
0x21d: {  	v60 =	vor.u32 s0, v13;
	vm5 =	vgt.f32 v34, v29  }
0x21e: {  	v30 =	vld.idx.msk [tilespmem:v30+s5+$0x0], $0xffff;
	v29 =	vsel vm5, v34, v29  }
0x21f: {  	v61 =	vor.u32 s0, v24;
	vm6 =	vgt.f32 v35, v29  }
0x220: {  	v31 =	vld.idx.msk [tilespmem:v31+s5+$0x0], $0xffff;
	v29 =	vsel vm6, v35, v29  }
0x221: {  	v62 =	vor.u32 s0, v26;
	vm7 =	vgt.f32 v32, v29  }
0x222: {  	v33 =	vld.idx.msk [tilespmem:v60+s5+$0x0], $0xffff;
	v29 =	vsel vm7, v32, v29  }
0x223: {  	vm8 =	vgt.f32 v30, v29  }
0x224: {  	v63 =	vld.idx.msk [tilespmem:v61+s5+$0x0], $0xffff;
	v29 =	vsel vm8, v30, v29  }
0x225: {  	vm9 =	vgt.f32 v31, v29  }
0x226: {  	v30 =	vld.idx.msk [tilespmem:v62+s5+$0x0], $0xffff;
	v29 =	vsel vm9, v31, v29  }
0x227: {  	vm10 =	vgt.f32 v33, v29  }
0x228: {  	v29 =	vsel vm10, v33, v29  }
0x229: {  	vm11 =	vgt.f32 v63, v29  }
0x22a: {  	v31 =	vnsel vm13, $0x80000000, v3;
	v29 =	vsel vm11, v63, v29  }
0x22b: {  	v31 =	vsel vm1, v14, v31;
	vm14 =	vgt.f32 v30, v29  }
0x22c: {  	v29 =	vsel vm14, v30, v29;
	v30 =	vsel vm2, v15, v31  }
0x22d: {  	v30 =	vsel vm3, v16, v30;
	(xrf0) =	vmax.scan.msk.f32 $0xffff, v29  }
0x22e: {  	v30 =	vsel vm4, v17, v30  }
0x22f: {  	v30 =	vsel vm5, v18, v30  }
0x230: {  	v30 =	vsel vm6, v19, v30  }
0x231: {  	v30 =	vsel vm7, v20, v30  }
0x232: {  	v30 =	vsel vm8, v21, v30  }
0x233: {  	v30 =	vsel vm9, v22, v30;
	v31, _, _ =	vpop (xrf0)  }
0x234: {  	v31 =	vbroadcast v31, $0xF;
	v30 =	vsel vm10, v23, v30  }
0x235: {  	v30 =	vsel vm11, v25, v30  }
0x236: {  	vm15 =	veq.f32 v29, v31;
	v29 =	vsel vm14, v27, v30  }
0x237: {  	v29 =	vnsel vm15, $0xC0000000, v29  }
0x238: {  	(xrf0) =	vmin.scan.msk.u32 $0xffff, v29;
	_ =	sdelay $0x5  }
0x239: {  	[spmem:s15] =	stream.linear.scatter [tilespmem:s13], [sflag:$0x2], $0x40, $0x38;
	v29, _, _ =	vpop (xrf0);
	[tilespmem:$0x3788] =	vst v63  }
0x23a: {  	_ =	swait.ge [sflag:s20], $0x40  }
0x23b: {  	[sflag:s20] =	ssyncset.done $0x0  }
0x23c: {  	[sflag:s20] =	ssyncadd.s32 $0xFFFFFFC0  }
0x23d: {  	[spmem:s16] =	stream.linear.scatter [tilespmem:s14], [sflag:$0x2], $0x40, $0x38;
	[tilespmem:$0x3788] =	vst v63  }
.Ltmp10:
0x23e: {  	_ =	swait.ge [sflag:s20], $0x40;
	(pc) =	sbr.rel @!p3 .LBB2_7-.Ltmp10, $3  }
0x23f: {  	[sflag:s20] =	ssyncset.done $0x0  }
0x240: {  	[sflag:s20] =	ssyncadd.s32 $0xFFFFFFC0  }
0x241: {  	[bflag:$0x0] =	sbarrier.arrive $0xFFFF;
	_ =	sdelay $0x1  }
.Ltmp11:
0x242: {  	(pc) =	sbr.rel @p4 .LBB2_24-.Ltmp11, $4  }
.Ltmp12:
0x243: {  	(pc) =	sbr.rel @!p4 .LBB2_25-.Ltmp12, $4  }
0x244: {  	_ = 	snop  }
0x245: {  	[bflag:$0x0] =	sbarrier.arrive $0xFFFF  }
0x246: {  	s0 =	smov.u32 s11  }
0x247: {  	_ = 	snop  }
.LBB2_18:
0x248: {  	s0 =	rddreg [dreg:$0x2]  }
0x249: {  	[tilespmem:s21], [sflag:$0x2] =	stream.linear.gather [spmem:s0], $0x400, $0x38;
	[tilespmem:$0x3788] =	vst v63  }
0x24a: {  	_ =	swait.ge [sflag:s20], $0x400  }
0x24b: {  	[sflag:s20] =	ssyncset.done $0x0  }
0x24c: {  	[sflag:s20] =	ssyncadd.s32 $0xFFFFFC00  }
0x24d: {  	s26 =	rddreg [dreg:$0x3]  }
0x24e: {  	[tilespmem:s22], [sflag:$0x2] =	stream.linear.gather [spmem:s26], $0x400, $0x38;
	[tilespmem:$0x3788] =	vst v63  }
0x24f: {  	_ =	swait.ge [sflag:s20], $0x400  }
0x250: {  	[sflag:s20] =	ssyncset.done $0x0  }
0x251: {  	s2 =	simm.s32 $0xE20;
	[sflag:s20] =	ssyncadd.s32 $0xFFFFFC00  }
0x252: {  	v29 =	vld [tilespmem:s2+$0xFFFFFFE0];
	_ =	sdelay $0x1  }
0x253: {  	v32 =	vld [tilespmem:s2+$0xFFFFFFF0];
	_ =	sdelay $0x1  }
0x254: {  	v31 =	vimm.f32 $1.000000020e+30;
	v30 =	vld [tilespmem:s2+$0x0]  }
0x255: {  	vm0 =	vlt.f32 v29, v31  }
0x256: {  	v33 =	vimm.s32 $0x0;
	s0 =	simm.s32 $0x0;
	v34 =	vsel vm0, v29, v31;
	v29 =	vld [tilespmem:s2+$0x10]  }
0x257: {  	s3 =	simm.s32 $0x1;
	s4 =	simm.s32 $0xE60;
	v35 =	vsel vm0, s0, v33;
	vm15 =	vlt.f32 v32, v34  }
0x258: {  	s24 =	simm.s32 $0x8;
	s2 =	simm.s32 $0x4;
	v31 =	vld [tilespmem:s4+$0xFFFFFFE0];
	v33 =	vsel vm15, v32, v34;
	v32 =	vsel vm15, s3, v35;
	s3 =	simm.s32 $0x0  }
.LBB2_19:
0x259: {  	p5 =	sne.s32 s24, $0x3C;
	s26 =	sadd.s32 $0x2, s3;
	vm0 =	vlt.f32 v30, v33  }
0x25a: {  	v34 =	vld [tilespmem:s4+$0xFFFFFFF0];
	v33 =	vsel vm0, v30, v33;
	v32 =	vsel vm0, s26, v32  }
0x25b: {  	s26 =	sadd.s32 $0x3, s3;
	s3 =	smov.u32 s2;
	s2 =	smov.u32 s24;
	vm0 =	vlt.f32 v29, v33  }
.Ltmp13:
0x25c: {  	v30 =	vld [tilespmem:s4+$0x0];
	v29 =	vsel vm0, v29, v33;
	v32 =	vsel vm0, s26, v32;
	(pc) =	sbr.rel @p5 .LBB2_19-.Ltmp13, $4  }
0x25d: {  	vm0 =	vlt.f32 v31, v29  }
0x25e: {  	v33 =	vsel vm0, v31, v29;
	v32 =	vsel vm0, s3, v32;
	v29 =	vld [tilespmem:s4+$0x10]  }
0x25f: {  	s26 =	sadd.s32 $0x1, s3;
	s4 =	sadd.s32 $0x40, s4;
	vm0 =	vlt.f32 v34, v33  }
0x260: {  	s24 =	sadd.s32 $0x4, s24;
	v31 =	vld [tilespmem:s4+$0xFFFFFFE0];
	v33 =	vsel vm0, v34, v33;
	v32 =	vsel vm0, s26, v32  }
0x261: {  	vm0 =	vlt.f32 v30, v33  }
0x262: {  	v34 =	vld [tilespmem:s4+$0xFFFFFFF0];
	v30 =	vsel vm0, v30, v33  }
0x263: {  	vm1 =	vlt.f32 v29, v30  }
0x264: {  	v54 =	vld [tilespmem:s4+$0x0];
	v29 =	vsel vm1, v29, v30  }
0x265: {  	vm2 =	vlt.f32 v31, v29  }
0x266: {  	v30 =	vld [tilespmem:s4+$0x10];
	v29 =	vsel vm2, v31, v29  }
0x267: {  	vm3 =	vlt.f32 v34, v29  }
0x268: {  	v29 =	vsel vm3, v34, v29  }
0x269: {  	vm4 =	vlt.f32 v54, v29  }
0x26a: {  	v29 =	vsel vm4, v54, v29  }
0x26b: {  	vm5 =	vlt.f32 v30, v29  }
0x26c: {  	v30 =	vsel vm5, v30, v29  }
0x26d: {  	(xrf0) =	vmin.scan.msk.f32 $0xffff, v30  }
0x26e: {  	s26 =	sadd.s32 $0x2, s3  }
0x26f: {  	s4 =	sadd.s32 $0x3, s3;
	v29 =	vsel vm0, s26, v32  }
0x270: {  	v29 =	vsel vm1, s4, v29  }
0x271: {  	s24 =	sadd.s32 $0x1, s2;
	v29 =	vsel vm2, s2, v29  }
0x272: {  	s26 =	sadd.s32 $0x2, s2;
	v29 =	vsel vm3, s24, v29  }
0x273: {  	s3 =	sadd.s32 $0x3, s2;
	v29 =	vsel vm4, s26, v29;
	v31, _, _ =	vpop (xrf0)  }
0x274: {  	v29 =	vsel vm5, s3, v29;
	v31 =	vbroadcast v31, $0xF  }
0x275: {  	v55 =	vshll.u32 v29, $0x4  }
0x276: {  	vm0 =	veq.f32 v30, v31;
	v31 =	vxor.u32 v3, v55  }
0x277: {  	v31 =	vnsel vm0, $0xC0000000, v31  }
0x278: {  	(xrf0) =	vmin.scan.msk.u32 $0xffff, v31;
	_ =	sdelay $0x5  }
0x279: {  	v31, _, _ =	vpop (xrf0)  }
0x27a: {  	(v2sf) =	vpush v31, $0xF;
	_ =	sdelay $0xe  }
0x27b: {  	s4 =	spop (v2sf)  }
0x27c: {  	s24 =	sxor.u32 $0x80000000, s4  }
0x27d: {  	v31 =	vmov s24;
	_ =	sdelay $0x4  }
0x27e: {  	v57 =	vmov s0;
	v56 =	vld.idx.msk [tilespmem:v31+s22+$0x0], $0xffff  }
0x27f: {  	s26 =	sand.u32 $0xF, s4  }
0x280: {  	v58 =	vor.u32 s26, v1;
	_ =	sdelay $0x1  }
0x281: {  	v35 =	vor.u32 s26, v4  }
0x282: {  	[tilespmem:v57+s23+$0x0] =	vst.idx.msk $0x1, v56  }
0x283: {  	[tilespmem:v31+s21+$0x0] =	vst.idx.msk $0x1, v2;
	v31 =	vor.u32 s26, v5  }
0x284: {  	v32 =	vld.idx.msk [tilespmem:v58+s21+$0x0], $0xffff  }
0x285: {  	v59 =	vor.u32 s26, v6  }
0x286: {  	v60 =	vld.idx.msk [tilespmem:v35+s21+$0x0], $0xffff;
	_ =	sdelay $0x1  }
0x287: {  	v31 =	vld.idx.msk [tilespmem:v31+s21+$0x0], $0xffff  }
0x288: {  	vm0 =	vlt.f32 v32, $1.000000020e+30  }
0x289: {  	v33 =	vld.idx.msk [tilespmem:v59+s21+$0x0], $0xffff;
	v32 =	vnsel vm0, $0x7149F2CA, v32  }
0x28a: {  	vm1 =	vlt.f32 v60, v32  }
0x28b: {  	v32 =	vsel vm1, v60, v32  }
0x28c: {  	vm2 =	vlt.f32 v31, v32  }
0x28d: {  	v31 =	vsel vm2, v31, v32  }
0x28e: {  	vm3 =	vlt.f32 v33, v31  }
0x28f: {  	v31 =	vsel vm3, v33, v31  }
0x290: {  	(xrf0) =	vmin.scan.msk.f32 $0xffff, v31;
	_ =	sdelay $0x5  }
0x291: {  	v61 =	vnsel vm0, $0x80000000, v3;
	v62, _, _ =	vpop (xrf0)  }
0x292: {  	v32 =	vsel vm1, v14, v61;
	v33 =	vbroadcast v62, $0xF  }
0x293: {  	v32 =	vsel vm2, v15, v32  }
0x294: {  	vm1 =	veq.f32 v31, v33;
	v31 =	vsel vm3, v16, v32  }
0x295: {  	v63 =	vmov s26;
	v31 =	vnsel vm1, $0xC0000000, v31  }
0x296: {  	vm0 =	veq.s32 v63, v0;
	(xrf0) =	vmin.scan.msk.u32 $0xffff, v31  }
0x297: {  	v30 =	vsel vm0, v33, v30  }
0x298: {  	(xrf0) =	vmin.scan.msk.f32 $0xffff, v30;
	_ =	sdelay $0x3  }
0x299: {  	v31, _, _ =	vpop (xrf0)  }
0x29a: {  	v31 =	vbroadcast v31, $0xF  }
0x29b: {  	s0 =	simm.s32 $0x1;
	s2 =	simm.s32 $0x2;
	v32, _, _ =	vpop (xrf0)  }
.LBB2_21:
0x29c: {  	p5 =	seq.s32 s2, $0x3F;
	v32 =	vbroadcast v32, $0xF;
	v29 =	vsel vm0, v31, v29;
	s3 =	smov.u32 s2;
	s2 =	sadd.s32 $0x1, s2  }
0x29d: {  	v31 =	vshll.u32 v29, $0x4  }
0x29e: {  	vm0 =	veq.f32 v30, v32;
	v31 =	vxor.u32 v3, v31  }
0x29f: {  	v31 =	vnsel vm0, $0xC0000000, v31  }
0x2a0: {  	(xrf0) =	vmin.scan.msk.u32 $0xffff, v31;
	_ =	sdelay $0x5  }
0x2a1: {  	v31, _, _ =	vpop (xrf0)  }
0x2a2: {  	(v2sf) =	vpush v31, $0xF;
	_ =	sdelay $0xe  }
0x2a3: {  	s4 =	spop (v2sf)  }
0x2a4: {  	s24 =	sxor.u32 $0x80000000, s4;
	s4 =	sand.u32 $0xF, s4  }
0x2a5: {  	v31 =	vmov s24;
	v32 =	vmov s4;
	_ =	sdelay $0x4  }
0x2a6: {  	v33 =	vld.idx.msk [tilespmem:v31+s22+$0x0], $0xffff  }
0x2a7: {  	v34 =	vmov s0;
	s0 =	smov.u32 s3;
	_ =	sdelay $0x1  }
0x2a8: {  	v35 =	vor.u32 s4, v1;
	_ =	sdelay $0x1  }
0x2a9: {  	v36 =	vor.u32 s4, v4  }
0x2aa: {  	[tilespmem:v34+s23+$0x0] =	vst.idx.msk $0x1, v33  }
0x2ab: {  	[tilespmem:v31+s21+$0x0] =	vst.idx.msk $0x1, v2;
	v31 =	vor.u32 s4, v5  }
0x2ac: {  	v33 =	vld.idx.msk [tilespmem:v35+s21+$0x0], $0xffff  }
0x2ad: {  	v34 =	vor.u32 s4, v6  }
0x2ae: {  	v35 =	vld.idx.msk [tilespmem:v36+s21+$0x0], $0xffff;
	_ =	sdelay $0x1  }
0x2af: {  	v31 =	vld.idx.msk [tilespmem:v31+s21+$0x0], $0xffff;
	_ =	sdelay $0x1  }
0x2b0: {  	vm0 =	vlt.f32 v33, $1.000000020e+30;
	v34 =	vld.idx.msk [tilespmem:v34+s21+$0x0], $0xffff  }
0x2b1: {  	v33 =	vnsel vm0, $0x7149F2CA, v33  }
0x2b2: {  	vm1 =	vlt.f32 v35, v33  }
0x2b3: {  	v33 =	vsel vm1, v35, v33  }
0x2b4: {  	vm2 =	vlt.f32 v31, v33  }
0x2b5: {  	v31 =	vsel vm2, v31, v33  }
0x2b6: {  	vm3 =	vlt.f32 v34, v31  }
0x2b7: {  	v31 =	vsel vm3, v34, v31  }
0x2b8: {  	(xrf0) =	vmin.scan.msk.f32 $0xffff, v31;
	_ =	sdelay $0x5  }
0x2b9: {  	v33 =	vnsel vm0, $0x80000000, v3;
	v34, _, _ =	vpop (xrf0)  }
0x2ba: {  	v33 =	vsel vm1, v14, v33;
	v34 =	vbroadcast v34, $0xF  }
0x2bb: {  	vm0 =	veq.s32 v32, v0;
	v33 =	vsel vm2, v15, v33  }
0x2bc: {  	vm1 =	veq.f32 v31, v34;
	v31 =	vsel vm3, v16, v33;
	v30 =	vsel vm0, v34, v30  }
0x2bd: {  	v31 =	vnsel vm1, $0xC0000000, v31  }
0x2be: {  	(xrf0) =	vmin.scan.msk.u32 $0xffff, v31;
	_ =	sdelay $0x1  }
0x2bf: {  	(xrf0) =	vmin.scan.msk.f32 $0xffff, v30;
	_ =	sdelay $0x1  }
.Ltmp14:
0x2c0: {  	(pc) =	sbr.rel @!p5 .LBB2_21-.Ltmp14, $4  }
0x2c1: {  	_ = 	snop  }
0x2c2: {  	v31, _, _ =	vpop (xrf0)  }
0x2c3: {  	v31 =	vbroadcast v31, $0xF  }
0x2c4: {  	v32, _, _ =	vpop (xrf0)  }
0x2c5: {  	v32 =	vbroadcast v32, $0xF;
	v29 =	vsel vm0, v31, v29  }
0x2c6: {  	v29 =	vshll.u32 v29, $0x4  }
0x2c7: {  	vm13 =	veq.f32 v30, v32;
	v29 =	vxor.u32 v3, v29  }
0x2c8: {  	v29 =	vnsel vm13, $0xC0000000, v29  }
0x2c9: {  	(xrf0) =	vmin.scan.msk.u32 $0xffff, v29;
	_ =	sdelay $0x5  }
0x2ca: {  	v29, _, _ =	vpop (xrf0)  }
0x2cb: {  	(v2sf) =	vpush v29, $0xF;
	_ =	sdelay $0xe  }
0x2cc: {  	s2 =	spop (v2sf)  }
0x2cd: {  	s3 =	sxor.u32 $0x80000000, s2  }
0x2ce: {  	v29 =	vmov s3;
	_ =	sdelay $0x4  }
0x2cf: {  	v31 =	vmov s0;
	v30 =	vld.idx.msk [tilespmem:v29+s22+$0x0], $0xffff  }
0x2d0: {  	s26 =	sand.u32 $0xF, s2  }
0x2d1: {  	v62 =	vor.u32 s26, v1;
	_ =	sdelay $0x1  }
0x2d2: {  	v33 =	vor.u32 s26, v4  }
0x2d3: {  	[tilespmem:v31+s23+$0x0] =	vst.idx.msk $0x1, v30  }
0x2d4: {  	[tilespmem:v29+s21+$0x0] =	vst.idx.msk $0x1, v2;
	v29 =	vor.u32 s26, v5  }
0x2d5: {  	v30 =	vld.idx.msk [tilespmem:v62+s21+$0x0], $0xffff  }
0x2d6: {  	v31 =	vor.u32 s26, v6  }
0x2d7: {  	v63 =	vld.idx.msk [tilespmem:v33+s21+$0x0], $0xffff;
	_ =	sdelay $0x1  }
0x2d8: {  	v29 =	vld.idx.msk [tilespmem:v29+s21+$0x0], $0xffff  }
0x2d9: {  	vm14 =	vlt.f32 v30, $1.000000020e+30  }
0x2da: {  	v31 =	vld.idx.msk [tilespmem:v31+s21+$0x0], $0xffff;
	v30 =	vnsel vm14, $0x7149F2CA, v30  }
0x2db: {  	vm1 =	vlt.f32 v63, v30  }
0x2dc: {  	v30 =	vsel vm1, v63, v30  }
0x2dd: {  	vm2 =	vlt.f32 v29, v30  }
0x2de: {  	v29 =	vsel vm2, v29, v30  }
0x2df: {  	vm3 =	vlt.f32 v31, v29  }
0x2e0: {  	v29 =	vsel vm3, v31, v29  }
0x2e1: {  	(xrf0) =	vmin.scan.msk.f32 $0xffff, v29;
	_ =	sdelay $0x5  }
0x2e2: {  	v30 =	vnsel vm14, $0x80000000, v3;
	v31, _, _ =	vpop (xrf0)  }
0x2e3: {  	v30 =	vsel vm1, v14, v30;
	v31 =	vbroadcast v31, $0xF  }
0x2e4: {  	v30 =	vsel vm2, v15, v30  }
0x2e5: {  	vm15 =	veq.f32 v29, v31;
	v29 =	vsel vm3, v16, v30  }
0x2e6: {  	v29 =	vnsel vm15, $0xC0000000, v29  }
0x2e7: {  	(xrf0) =	vmin.scan.msk.u32 $0xffff, v29;
	_ =	sdelay $0x1  }
.Ltmp15:
0x2e8: {  	_ = 	snop;
	(pc) =	sbr.rel .LBB2_23-.Ltmp15, $2  }
0x2e9: {  	_ =	sdelay $0x2  }
0x2ea: {  	s0 =	smov.u32 s12;
	v29, _, _ =	vpop (xrf0)  }
.LBB2_7:
0x2eb: {  	s0 =	rddreg [dreg:$0x2]  }
0x2ec: {  	[tilespmem:s21], [sflag:$0x2] =	stream.linear.gather [spmem:s0], $0x400, $0x38;
	[tilespmem:$0x3788] =	vst v63  }
0x2ed: {  	_ =	swait.ge [sflag:s20], $0x400  }
0x2ee: {  	[sflag:s20] =	ssyncset.done $0x0  }
0x2ef: {  	[sflag:s20] =	ssyncadd.s32 $0xFFFFFC00  }
0x2f0: {  	s26 =	rddreg [dreg:$0x3]  }
0x2f1: {  	[tilespmem:s22], [sflag:$0x2] =	stream.linear.gather [spmem:s26], $0x400, $0x38;
	[tilespmem:$0x3788] =	vst v63  }
0x2f2: {  	_ =	swait.ge [sflag:s20], $0x400  }
0x2f3: {  	[sflag:s20] =	ssyncset.done $0x0  }
0x2f4: {  	s2 =	simm.s32 $0xE20;
	[sflag:s20] =	ssyncadd.s32 $0xFFFFFC00  }
0x2f5: {  	v29 =	vld [tilespmem:s2+$0xFFFFFFE0];
	_ =	sdelay $0x1  }
0x2f6: {  	v32 =	vld [tilespmem:s2+$0xFFFFFFF0];
	_ =	sdelay $0x1  }
0x2f7: {  	v31 =	vimm.f32 $-1.000000020e+30;
	v30 =	vld [tilespmem:s2+$0x0]  }
0x2f8: {  	vm0 =	vgt.f32 v29, v31  }
0x2f9: {  	v33 =	vimm.s32 $0x0;
	s0 =	simm.s32 $0x0;
	v34 =	vsel vm0, v29, v31;
	v29 =	vld [tilespmem:s2+$0x10]  }
0x2fa: {  	s3 =	simm.s32 $0x1;
	s4 =	simm.s32 $0xE60;
	v35 =	vsel vm0, s0, v33;
	vm15 =	vgt.f32 v32, v34  }
0x2fb: {  	s24 =	simm.s32 $0x8;
	s2 =	simm.s32 $0x4;
	v31 =	vld [tilespmem:s4+$0xFFFFFFE0];
	v33 =	vsel vm15, v32, v34;
	v32 =	vsel vm15, s3, v35;
	s3 =	simm.s32 $0x0  }
.LBB2_8:
0x2fc: {  	p5 =	sne.s32 s24, $0x3C;
	s26 =	sadd.s32 $0x2, s3;
	vm0 =	vgt.f32 v30, v33  }
0x2fd: {  	v34 =	vld [tilespmem:s4+$0xFFFFFFF0];
	v33 =	vsel vm0, v30, v33;
	v32 =	vsel vm0, s26, v32  }
0x2fe: {  	s26 =	sadd.s32 $0x3, s3;
	s3 =	smov.u32 s2;
	s2 =	smov.u32 s24;
	vm0 =	vgt.f32 v29, v33  }
.Ltmp16:
0x2ff: {  	v30 =	vld [tilespmem:s4+$0x0];
	v29 =	vsel vm0, v29, v33;
	v32 =	vsel vm0, s26, v32;
	(pc) =	sbr.rel @p5 .LBB2_8-.Ltmp16, $4  }
0x300: {  	vm0 =	vgt.f32 v31, v29  }
0x301: {  	v33 =	vsel vm0, v31, v29;
	v32 =	vsel vm0, s3, v32;
	v29 =	vld [tilespmem:s4+$0x10]  }
0x302: {  	s26 =	sadd.s32 $0x1, s3;
	s4 =	sadd.s32 $0x40, s4;
	vm0 =	vgt.f32 v34, v33  }
0x303: {  	s24 =	sadd.s32 $0x4, s24;
	v31 =	vld [tilespmem:s4+$0xFFFFFFE0];
	v33 =	vsel vm0, v34, v33;
	v32 =	vsel vm0, s26, v32  }
0x304: {  	vm0 =	vgt.f32 v30, v33  }
0x305: {  	v34 =	vld [tilespmem:s4+$0xFFFFFFF0];
	v30 =	vsel vm0, v30, v33  }
0x306: {  	vm1 =	vgt.f32 v29, v30  }
0x307: {  	v54 =	vld [tilespmem:s4+$0x0];
	v29 =	vsel vm1, v29, v30  }
0x308: {  	vm2 =	vgt.f32 v31, v29  }
0x309: {  	v30 =	vld [tilespmem:s4+$0x10];
	v29 =	vsel vm2, v31, v29  }
0x30a: {  	vm3 =	vgt.f32 v34, v29  }
0x30b: {  	v29 =	vsel vm3, v34, v29  }
0x30c: {  	vm4 =	vgt.f32 v54, v29  }
0x30d: {  	v29 =	vsel vm4, v54, v29  }
0x30e: {  	vm5 =	vgt.f32 v30, v29  }
0x30f: {  	v30 =	vsel vm5, v30, v29  }
0x310: {  	(xrf0) =	vmax.scan.msk.f32 $0xffff, v30  }
0x311: {  	s26 =	sadd.s32 $0x2, s3  }
0x312: {  	s4 =	sadd.s32 $0x3, s3;
	v29 =	vsel vm0, s26, v32  }
0x313: {  	v29 =	vsel vm1, s4, v29  }
0x314: {  	s24 =	sadd.s32 $0x1, s2;
	v29 =	vsel vm2, s2, v29  }
0x315: {  	s26 =	sadd.s32 $0x2, s2;
	v29 =	vsel vm3, s24, v29  }
0x316: {  	s3 =	sadd.s32 $0x3, s2;
	v29 =	vsel vm4, s26, v29;
	v31, _, _ =	vpop (xrf0)  }
0x317: {  	v29 =	vsel vm5, s3, v29;
	v31 =	vbroadcast v31, $0xF  }
0x318: {  	v55 =	vshll.u32 v29, $0x4  }
0x319: {  	vm0 =	veq.f32 v30, v31;
	v31 =	vxor.u32 v3, v55  }
0x31a: {  	v31 =	vnsel vm0, $0xC0000000, v31  }
0x31b: {  	(xrf0) =	vmin.scan.msk.u32 $0xffff, v31;
	_ =	sdelay $0x5  }
0x31c: {  	v31, _, _ =	vpop (xrf0)  }
0x31d: {  	(v2sf) =	vpush v31, $0xF;
	_ =	sdelay $0xe  }
0x31e: {  	s4 =	spop (v2sf)  }
0x31f: {  	s24 =	sxor.u32 $0x80000000, s4  }
0x320: {  	v31 =	vmov s24;
	_ =	sdelay $0x4  }
0x321: {  	v57 =	vmov s0;
	v56 =	vld.idx.msk [tilespmem:v31+s22+$0x0], $0xffff  }
0x322: {  	s26 =	sand.u32 $0xF, s4  }
0x323: {  	v58 =	vor.u32 s26, v1;
	_ =	sdelay $0x1  }
0x324: {  	v35 =	vor.u32 s26, v4  }
0x325: {  	[tilespmem:v57+s23+$0x0] =	vst.idx.msk $0x1, v56  }
0x326: {  	[tilespmem:v31+s21+$0x0] =	vst.idx.msk $0x1, v28;
	v31 =	vor.u32 s26, v5  }
0x327: {  	v32 =	vld.idx.msk [tilespmem:v58+s21+$0x0], $0xffff  }
0x328: {  	v59 =	vor.u32 s26, v6  }
0x329: {  	v60 =	vld.idx.msk [tilespmem:v35+s21+$0x0], $0xffff;
	_ =	sdelay $0x1  }
0x32a: {  	v31 =	vld.idx.msk [tilespmem:v31+s21+$0x0], $0xffff  }
0x32b: {  	vm0 =	vgt.f32 v32, $-1.000000020e+30  }
0x32c: {  	v33 =	vld.idx.msk [tilespmem:v59+s21+$0x0], $0xffff;
	v32 =	vnsel vm0, $0xF149F2CA, v32  }
0x32d: {  	vm1 =	vgt.f32 v60, v32  }
0x32e: {  	v32 =	vsel vm1, v60, v32  }
0x32f: {  	vm2 =	vgt.f32 v31, v32  }
0x330: {  	v31 =	vsel vm2, v31, v32  }
0x331: {  	vm3 =	vgt.f32 v33, v31  }
0x332: {  	v31 =	vsel vm3, v33, v31  }
0x333: {  	(xrf0) =	vmax.scan.msk.f32 $0xffff, v31;
	_ =	sdelay $0x5  }
0x334: {  	v61 =	vnsel vm0, $0x80000000, v3;
	v62, _, _ =	vpop (xrf0)  }
0x335: {  	v32 =	vsel vm1, v14, v61;
	v33 =	vbroadcast v62, $0xF  }
0x336: {  	v32 =	vsel vm2, v15, v32  }
0x337: {  	vm1 =	veq.f32 v31, v33;
	v31 =	vsel vm3, v16, v32  }
0x338: {  	v63 =	vmov s26;
	v31 =	vnsel vm1, $0xC0000000, v31  }
0x339: {  	vm0 =	veq.s32 v63, v0;
	(xrf0) =	vmin.scan.msk.u32 $0xffff, v31  }
0x33a: {  	v30 =	vsel vm0, v33, v30  }
0x33b: {  	(xrf0) =	vmax.scan.msk.f32 $0xffff, v30;
	_ =	sdelay $0x3  }
0x33c: {  	v31, _, _ =	vpop (xrf0)  }
0x33d: {  	v31 =	vbroadcast v31, $0xF  }
0x33e: {  	s0 =	simm.s32 $0x1;
	s2 =	simm.s32 $0x2;
	v32, _, _ =	vpop (xrf0)  }
.LBB2_10:
0x33f: {  	p5 =	seq.s32 s2, $0x3F;
	v32 =	vbroadcast v32, $0xF;
	v29 =	vsel vm0, v31, v29;
	s3 =	smov.u32 s2;
	s2 =	sadd.s32 $0x1, s2  }
0x340: {  	v31 =	vshll.u32 v29, $0x4  }
0x341: {  	vm0 =	veq.f32 v30, v32;
	v31 =	vxor.u32 v3, v31  }
0x342: {  	v31 =	vnsel vm0, $0xC0000000, v31  }
0x343: {  	(xrf0) =	vmin.scan.msk.u32 $0xffff, v31;
	_ =	sdelay $0x5  }
0x344: {  	v31, _, _ =	vpop (xrf0)  }
0x345: {  	(v2sf) =	vpush v31, $0xF;
	_ =	sdelay $0xe  }
0x346: {  	s4 =	spop (v2sf)  }
0x347: {  	s24 =	sxor.u32 $0x80000000, s4;
	s4 =	sand.u32 $0xF, s4  }
0x348: {  	v31 =	vmov s24;
	v32 =	vmov s4;
	_ =	sdelay $0x4  }
0x349: {  	v33 =	vld.idx.msk [tilespmem:v31+s22+$0x0], $0xffff  }
0x34a: {  	v34 =	vmov s0;
	s0 =	smov.u32 s3;
	_ =	sdelay $0x1  }
0x34b: {  	v35 =	vor.u32 s4, v1;
	_ =	sdelay $0x1  }
0x34c: {  	v36 =	vor.u32 s4, v4  }
0x34d: {  	[tilespmem:v34+s23+$0x0] =	vst.idx.msk $0x1, v33  }
0x34e: {  	[tilespmem:v31+s21+$0x0] =	vst.idx.msk $0x1, v28;
	v31 =	vor.u32 s4, v5  }
0x34f: {  	v33 =	vld.idx.msk [tilespmem:v35+s21+$0x0], $0xffff  }
0x350: {  	v34 =	vor.u32 s4, v6  }
0x351: {  	v35 =	vld.idx.msk [tilespmem:v36+s21+$0x0], $0xffff;
	_ =	sdelay $0x1  }
0x352: {  	v31 =	vld.idx.msk [tilespmem:v31+s21+$0x0], $0xffff;
	_ =	sdelay $0x1  }
0x353: {  	vm0 =	vgt.f32 v33, $-1.000000020e+30;
	v34 =	vld.idx.msk [tilespmem:v34+s21+$0x0], $0xffff  }
0x354: {  	v33 =	vnsel vm0, $0xF149F2CA, v33  }
0x355: {  	vm1 =	vgt.f32 v35, v33  }
0x356: {  	v33 =	vsel vm1, v35, v33  }
0x357: {  	vm2 =	vgt.f32 v31, v33  }
0x358: {  	v31 =	vsel vm2, v31, v33  }
0x359: {  	vm3 =	vgt.f32 v34, v31  }
0x35a: {  	v31 =	vsel vm3, v34, v31  }
0x35b: {  	(xrf0) =	vmax.scan.msk.f32 $0xffff, v31;
	_ =	sdelay $0x5  }
0x35c: {  	v33 =	vnsel vm0, $0x80000000, v3;
	v34, _, _ =	vpop (xrf0)  }
0x35d: {  	v33 =	vsel vm1, v14, v33;
	v34 =	vbroadcast v34, $0xF  }
0x35e: {  	vm0 =	veq.s32 v32, v0;
	v33 =	vsel vm2, v15, v33  }
0x35f: {  	vm1 =	veq.f32 v31, v34;
	v31 =	vsel vm3, v16, v33;
	v30 =	vsel vm0, v34, v30  }
0x360: {  	v31 =	vnsel vm1, $0xC0000000, v31  }
0x361: {  	(xrf0) =	vmin.scan.msk.u32 $0xffff, v31;
	_ =	sdelay $0x1  }
0x362: {  	(xrf0) =	vmax.scan.msk.f32 $0xffff, v30;
	_ =	sdelay $0x1  }
.Ltmp17:
0x363: {  	(pc) =	sbr.rel @!p5 .LBB2_10-.Ltmp17, $4  }
0x364: {  	_ = 	snop  }
0x365: {  	v31, _, _ =	vpop (xrf0)  }
0x366: {  	v31 =	vbroadcast v31, $0xF  }
0x367: {  	v32, _, _ =	vpop (xrf0)  }
0x368: {  	v32 =	vbroadcast v32, $0xF;
	v29 =	vsel vm0, v31, v29  }
0x369: {  	v29 =	vshll.u32 v29, $0x4  }
0x36a: {  	vm13 =	veq.f32 v30, v32;
	v29 =	vxor.u32 v3, v29  }
0x36b: {  	v29 =	vnsel vm13, $0xC0000000, v29  }
0x36c: {  	(xrf0) =	vmin.scan.msk.u32 $0xffff, v29;
	_ =	sdelay $0x5  }
0x36d: {  	v29, _, _ =	vpop (xrf0)  }
0x36e: {  	(v2sf) =	vpush v29, $0xF;
	_ =	sdelay $0xe  }
0x36f: {  	s2 =	spop (v2sf)  }
0x370: {  	s3 =	sxor.u32 $0x80000000, s2  }
0x371: {  	v29 =	vmov s3;
	_ =	sdelay $0x4  }
0x372: {  	v31 =	vmov s0;
	v30 =	vld.idx.msk [tilespmem:v29+s22+$0x0], $0xffff  }
0x373: {  	s26 =	sand.u32 $0xF, s2  }
0x374: {  	v62 =	vor.u32 s26, v1;
	_ =	sdelay $0x1  }
0x375: {  	v33 =	vor.u32 s26, v4  }
0x376: {  	[tilespmem:v31+s23+$0x0] =	vst.idx.msk $0x1, v30  }
0x377: {  	[tilespmem:v29+s21+$0x0] =	vst.idx.msk $0x1, v28;
	v29 =	vor.u32 s26, v5  }
0x378: {  	v30 =	vld.idx.msk [tilespmem:v62+s21+$0x0], $0xffff  }
0x379: {  	v31 =	vor.u32 s26, v6  }
0x37a: {  	v63 =	vld.idx.msk [tilespmem:v33+s21+$0x0], $0xffff;
	_ =	sdelay $0x1  }
0x37b: {  	v29 =	vld.idx.msk [tilespmem:v29+s21+$0x0], $0xffff  }
0x37c: {  	vm14 =	vgt.f32 v30, $-1.000000020e+30  }
0x37d: {  	v31 =	vld.idx.msk [tilespmem:v31+s21+$0x0], $0xffff;
	v30 =	vnsel vm14, $0xF149F2CA, v30  }
0x37e: {  	vm1 =	vgt.f32 v63, v30  }
0x37f: {  	v30 =	vsel vm1, v63, v30  }
0x380: {  	vm2 =	vgt.f32 v29, v30  }
0x381: {  	v29 =	vsel vm2, v29, v30  }
0x382: {  	vm3 =	vgt.f32 v31, v29  }
0x383: {  	v29 =	vsel vm3, v31, v29  }
0x384: {  	(xrf0) =	vmax.scan.msk.f32 $0xffff, v29;
	_ =	sdelay $0x5  }
0x385: {  	v30 =	vnsel vm14, $0x80000000, v3;
	v31, _, _ =	vpop (xrf0)  }
0x386: {  	v30 =	vsel vm1, v14, v30;
	v31 =	vbroadcast v31, $0xF  }
0x387: {  	v30 =	vsel vm2, v15, v30  }
0x388: {  	vm15 =	veq.f32 v29, v31;
	v29 =	vsel vm3, v16, v30  }
0x389: {  	v29 =	vnsel vm15, $0xC0000000, v29  }
0x38a: {  	(xrf0) =	vmin.scan.msk.u32 $0xffff, v29;
	_ =	sdelay $0x1  }
.Ltmp18:
0x38b: {  	_ = 	snop;
	(pc) =	sbr.rel .LBB2_23-.Ltmp18, $2  }
0x38c: {  	_ =	sdelay $0x2  }
0x38d: {  	s0 =	smov.u32 s11;
	v29, _, _ =	vpop (xrf0)  }
.LBB2_26:
0x38e: {  	_ =	sfence.sel $0x180000  }
0x38f: {  	[bflag:$0x0] =	sbarrier.arrive $0xFFFF  }
0x390: {  	_ =	strace $0x90000047  }
0x391: {  	[bflag:$0x2] =	sbarrier.arrive $0xFFFF  }
0x392: {  	s0 =	rddreg [dreg:$0x5]  }
0x393: {  	s0 =	sadd.s32 @!p3 $0x100000, s0  }
0x394: {  	[sflag:s0] =	ssyncadd.tile.s32 @!p3 $0x1;
	_ =	shalt  }
.Lfunc_end2:
_tile_overlayer_lowered:
.L_overlay_start_2:
0x395: {  	(tag) =	ssettag $0x2  }
0x396: {  	s0 =	rddreg [dreg:$0x0];
	s2 =	stileid.u32  }
0x397: {  	s1 =	rddreg [dreg:$0x1];
	p0 =	sne.s32 s2, $0x0  }
0x398: {  	s3 =	rddreg [dreg:$0x2];
	[bflag:$0x3] =	sbarrier.arrive $0xFFFF;
	s2 =	simm.s32 @!p0 $0x1C02  }
0x399: {  	[timem:s3], [sflag:s2] =	dma.local @!p0 [hbm:s0], s1  }
0x39a: {  	s0 =	simm.s32 @!p0 $0x2  }
0x39b: {  	_ =	swait.ge @!p0 [sflag:s0], s1  }
0x39c: {  	s1 =	ssub.s32 @!p0 $0x0, s1;
	[sflag:s0] =	ssyncset.done @!p0 $0x0  }
0x39d: {  	[sflag:s0] =	ssyncadd.s32 @!p0 s1  }
0x39e: {  	[bflag:$0x3] =	sbarrier.arrive $0xFFFF  }
0x39f: {  	_ =	shalt  }

</sc_bundles>
